<compile_context>
chip_gen: v7x
topology: tpu7x:2x2x1
jax: 0.10.2.dev20260603
libtpu: 0.0.44.dev20260713+nightly
codegen_flags: <defaults>
</compile_context>

<pallas_src>
import functools

import jax
import jax.numpy as jnp
from jax import lax
from jax.experimental import pallas as pl
from jax.experimental.pallas import tpu as pltpu
from jax.experimental.pallas import tpu_sc as plsc

_E = 64
_TB = 1024
_NC = 2
_NS = 16
_NW = _NC * _NS
_L = 16


def _matmul_body(tpw, x_ref, w_ref, lg_ref):
    lg = jax.lax.dot_general(
        w_ref[...], x_ref[...], (((1,), (1,)), ((), ())),
        preferred_element_type=jnp.float32)
    for s in range(_TB // tpw):
        lg_ref[s] = lg[:, s * tpw:(s + 1) * tpw]


def _gate_logits_t(x, W):
    n, d = x.shape
    tpw = n // _NW
    slabs_per_step = _TB // tpw
    return pl.pallas_call(
        functools.partial(_matmul_body, tpw),
        grid=(n // _TB,),
        in_specs=[
            pl.BlockSpec((_TB, d), lambda i: (i, 0)),
            pl.BlockSpec((_E, d), lambda i: (0, 0)),
        ],
        out_specs=pl.BlockSpec((slabs_per_step, _E, tpw), lambda i: (i, 0, 0)),
        out_shape=jax.ShapeDtypeStruct((_NW, _E, tpw), jnp.float32),
        compiler_params=pltpu.CompilerParams(
            dimension_semantics=("arbitrary",),
        ),
    )(x, W)


def _sc_top2_body(tpw, lg_hbm, out_hbm, lg_v, o_v):
    wid = lax.axis_index("s") * _NC + lax.axis_index("c")
    base = wid * tpw
    pltpu.sync_copy(lg_hbm.at[wid], lg_v)

    def group(g):
        tok = g * _L
        neg = jnp.full((_L,), -jnp.inf, jnp.float32)
        zero = jnp.zeros((_L,), jnp.int32)
        bestv, secondv = neg, neg
        besti, secondi = zero, zero
        for e in range(_E):
            col = jnp.full((_L,), e, jnp.int32)
            v = lg_v[e, pl.ds(tok, _L)]
            gt1 = v > bestv
            gt2 = v > secondv
            sv = jnp.maximum(secondv, v)
            si = jnp.where(gt2, col, secondi)
            secondv = jnp.where(gt1, bestv, sv)
            secondi = jnp.where(gt1, besti, si)
            bestv = jnp.maximum(bestv, v)
            besti = jnp.where(gt1, col, besti)
        ex = jnp.exp(secondv - bestv)
        w0 = 1.0 / (1.0 + ex)
        o_v[0, pl.ds(tok, _L)] = besti.astype(jnp.float32)
        o_v[1, pl.ds(tok, _L)] = secondi.astype(jnp.float32)
        o_v[2, pl.ds(tok, _L)] = w0
        o_v[3, pl.ds(tok, _L)] = 1.0 - w0

    plsc.parallel_loop(0, tpw // _L, unroll=4)(group)
    pltpu.sync_copy(o_v, out_hbm.at[:, pl.ds(base, tpw)])


def _sc_top2(logits_b):
    nw, e, tpw = logits_b.shape
    n = nw * tpw
    mesh = plsc.VectorSubcoreMesh(core_axis_name="c", subcore_axis_name="s")
    fn = pl.kernel(
        functools.partial(_sc_top2_body, tpw),
        out_type=jax.ShapeDtypeStruct((4, n), jnp.float32),
        mesh=mesh,
        scratch_types=[
            pltpu.VMEM((_E, tpw), jnp.float32),
            pltpu.VMEM((4, tpw), jnp.float32),
        ],
    )
    return fn(logits_b)


def kernel(x, W):
    out = _sc_top2(_gate_logits_t(x, W))
    topi = out[0:2].T.astype(jnp.int32)
    weights = out[2:4].T
    return (topi, weights)

# --- scband reference (transcript-rebuilt; emitter-appended) ---
"""Pipeline reference for scband-router-31705448579443 (READ-ONLY COPY).

The authoritative reference and input builder live on the scoring server;
editing this copy changes nothing except your own understanding.
"""

import jax, jax.numpy as jnp
import numpy as np

DIM = 2048
NUM_EXPERTS = 64
TOP_K = 2
NUM_TOKENS = 16384


def setup_inputs(seed: int = 0) -> dict:
    key = jax.random.key(seed)
    k_x, k_w = jax.random.split(key)
    x = jax.random.normal(k_x, (NUM_TOKENS, DIM), dtype=jnp.float32)
    # nn.Linear(dim, num_experts, bias=False).weight has shape [num_experts, dim]
    W = jax.random.normal(k_w, (NUM_EXPERTS, DIM), dtype=jnp.float32) * (1.0 / np.sqrt(DIM))
    return {"x": x, "W": W}


def reference(x, W):
    # logits = self.gate(x)  -> x @ W.T
    logits = jnp.dot(x, W.T)
    # topv, topi = torch.topk(logits, k=top_k, dim=-1)
    topv, topi = jax.lax.top_k(logits, TOP_K)
    # weights = softmax(topv, dim=-1)
    weights = jax.nn.softmax(topv, axis=-1)
    return (topi, weights)

if __name__ == "__main__":
    import jax
    _d = setup_inputs()
    print(jax.jit(kernel)(*tuple(_d.values())))

</pallas_src>

<mosaic_0001>
#map = affine_map<(d0, d1) -> (0, 0, 0)>
#map1 = affine_map<(d0, d1) -> (0, 0)>
module attributes {stable_mosaic.version = 14 : i64} {
  func.func @_sc_top2_body(%arg0: i32, %arg1: i32, %arg2: memref<32x64x512xf32, #tpu.memory_space<hbm>>, %arg3: memref<4x16384xf32, #tpu.memory_space<hbm>>, %arg4: memref<64x512xf32, #tpu.memory_space<vmem>>, %arg5: memref<4x512xf32, #tpu.memory_space<vmem>>) attributes {dimension_semantics = [#tpu.dimension_semantics<core_parallel>, #tpu.dimension_semantics<subcore_parallel>], iteration_bounds = array<i64: 2, 16>, scalar_prefetch = 0 : i64, scratch_operands = 2 : i64, tpu.core_type = #tpu.core_type<sc_vector_subcore>, window_params = [{transform_indices = #map}, {transform_indices = #map1}]} {
    %mul3A = arith.constant 2 : i32
    %mul3A_0 = arith.muli %arg1, %mul3A : i32
    %add3A = arith.addi %mul3A_0, %arg0 : i32
    %mul3A_1 = arith.constant 512 : i32
    %mul3A_2 = arith.muli %add3A, %mul3A_1 : i32
    "tpu.region"() ({
      %run_scoped3A = tpu.sem_alloc : memref<!tpu.dma_semaphore, #tpu.memory_space<semaphore_mem>>
      %dma_start3A = arith.constant 0 : i32
      %dma_start3A_5 = arith.constant 0 : i32
      %dma_start3A_6 = tpu.memref_slice %arg2[%add3A, %dma_start3A, %dma_start3A_5] : memref<32x64x512xf32, #tpu.memory_space<hbm>> -> memref<1x64x512xf32, #tpu.memory_space<hbm>>
      %dma_start3A_7 = tpu.memref_squeeze %dma_start3A_6 : memref<1x64x512xf32, #tpu.memory_space<hbm>> -> memref<64x512xf32, #tpu.memory_space<hbm>>
      %dma_start3A_8 = arith.constant 0 : i32
      %dma_start3A_9 = arith.constant 0 : i32
      %dma_start3A_10 = tpu.memref_slice %arg2[%add3A, %dma_start3A_8, %dma_start3A_9] : memref<32x64x512xf32, #tpu.memory_space<hbm>> -> memref<1x64x512xf32, #tpu.memory_space<hbm>>
      %dma_start3A_11 = tpu.memref_squeeze %dma_start3A_10 : memref<1x64x512xf32, #tpu.memory_space<hbm>> -> memref<64x512xf32, #tpu.memory_space<hbm>>
      tpu.enqueue_dma source(%dma_start3A_11 : memref<64x512xf32, #tpu.memory_space<hbm>>) target(%arg4 : memref<64x512xf32, #tpu.memory_space<vmem>>) target_semaphore(%run_scoped3A : memref<!tpu.dma_semaphore, #tpu.memory_space<semaphore_mem>>)
      %dma_wait3A = arith.constant 0 : i32
      %dma_wait3A_12 = arith.constant 0 : i32
      %dma_wait3A_13 = tpu.memref_slice %arg2[%add3A, %dma_wait3A, %dma_wait3A_12] : memref<32x64x512xf32, #tpu.memory_space<hbm>> -> memref<1x64x512xf32, #tpu.memory_space<hbm>>
      %dma_wait3A_14 = tpu.memref_squeeze %dma_wait3A_13 : memref<1x64x512xf32, #tpu.memory_space<hbm>> -> memref<64x512xf32, #tpu.memory_space<hbm>>
      %dma_wait3A_15 = arith.constant 0 : i32
      %dma_wait3A_16 = arith.constant 0 : i32
      %dma_wait3A_17 = tpu.memref_slice %arg2[%add3A, %dma_wait3A_15, %dma_wait3A_16] : memref<32x64x512xf32, #tpu.memory_space<hbm>> -> memref<1x64x512xf32, #tpu.memory_space<hbm>>
      %dma_wait3A_18 = tpu.memref_squeeze %dma_wait3A_17 : memref<1x64x512xf32, #tpu.memory_space<hbm>> -> memref<64x512xf32, #tpu.memory_space<hbm>>
      tpu.wait_dma2 semaphore(%run_scoped3A : memref<!tpu.dma_semaphore, #tpu.memory_space<semaphore_mem>>) src(%dma_wait3A_18 : memref<64x512xf32, #tpu.memory_space<hbm>>) dst(%arg4 : memref<64x512xf32, #tpu.memory_space<vmem>>)
      tpu.yield
    }) : () -> ()
    %parallel_loop3A = arith.constant 0 : i32
    %parallel_loop3A_3 = arith.constant 32 : i32
    %parallel_loop3A_4 = arith.constant 1 : i32
    scf.for %parallel_loop3A_5 = %parallel_loop3A to %parallel_loop3A_3 step %parallel_loop3A_4  : i32 {
      %parallel_loop3A_6 = arith.constant 16 : i32
      %parallel_loop3A_7 = arith.muli %parallel_loop3A_5, %parallel_loop3A_6 : i32
      %parallel_loop3A_8 = arith.constant 0xFF800000 : f32
      %parallel_loop3A_9 = vector.broadcast %parallel_loop3A_8 : f32 to vector<16xf32>
      %parallel_loop3A_10 = arith.constant 0 : i32
      %parallel_loop3A_11 = vector.broadcast %parallel_loop3A_10 : i32 to vector<16xi32>
      %parallel_loop3A_12 = arith.constant 0 : i32
      %parallel_loop3A_13 = vector.broadcast %parallel_loop3A_12 : i32 to vector<16xi32>
      %parallel_loop3A_14 = arith.constant 0 : i32
      %parallel_loop3A_15 = arith.index_cast %parallel_loop3A_14 : i32 to index
      %parallel_loop3A_16 = arith.index_cast %parallel_loop3A_7 : i32 to index
      %parallel_loop3A_17 = tpu.vector_load %arg4[%parallel_loop3A_15, %parallel_loop3A_16] {strides = array<i32>} : memref<64x512xf32, #tpu.memory_space<vmem>>, vector<1x16xf32>,
      %parallel_loop3A_18 = vector.shape_cast %parallel_loop3A_17 : vector<1x16xf32> to vector<16xf32>
      %parallel_loop3A_19 = arith.cmpf ogt, %parallel_loop3A_18, %parallel_loop3A_9 : vector<16xf32>
      %parallel_loop3A_20 = arith.cmpf ogt, %parallel_loop3A_18, %parallel_loop3A_9 : vector<16xf32>
      %parallel_loop3A_21 = arith.maximumf %parallel_loop3A_9, %parallel_loop3A_18 : vector<16xf32>
      %parallel_loop3A_22 = arith.select %parallel_loop3A_20, %parallel_loop3A_13, %parallel_loop3A_11 : vector<16xi1>, vector<16xi32>
      %parallel_loop3A_23 = arith.select %parallel_loop3A_19, %parallel_loop3A_9, %parallel_loop3A_21 : vector<16xi1>, vector<16xf32>
      %parallel_loop3A_24 = arith.select %parallel_loop3A_19, %parallel_loop3A_11, %parallel_loop3A_22 : vector<16xi1>, vector<16xi32>
      %parallel_loop3A_25 = arith.maximumf %parallel_loop3A_9, %parallel_loop3A_18 : vector<16xf32>
      %parallel_loop3A_26 = arith.select %parallel_loop3A_19, %parallel_loop3A_13, %parallel_loop3A_11 : vector<16xi1>, vector<16xi32>
      %parallel_loop3A_27 = arith.constant 1 : i32
      %parallel_loop3A_28 = vector.broadcast %parallel_loop3A_27 : i32 to vector<16xi32>
      %parallel_loop3A_29 = arith.constant 1 : i32
      %parallel_loop3A_30 = arith.index_cast %parallel_loop3A_29 : i32 to index
      %parallel_loop3A_31 = arith.index_cast %parallel_loop3A_7 : i32 to index
      %parallel_loop3A_32 = tpu.vector_load %arg4[%parallel_loop3A_30, %parallel_loop3A_31] {strides = array<i32>} : memref<64x512xf32, #tpu.memory_space<vmem>>, vector<1x16xf32>,
      %parallel_loop3A_33 = vector.shape_cast %parallel_loop3A_32 : vector<1x16xf32> to vector<16xf32>
      %parallel_loop3A_34 = arith.cmpf ogt, %parallel_loop3A_33, %parallel_loop3A_25 : vector<16xf32>
      %parallel_loop3A_35 = arith.cmpf ogt, %parallel_loop3A_33, %parallel_loop3A_23 : vector<16xf32>
      %parallel_loop3A_36 = arith.maximumf %parallel_loop3A_23, %parallel_loop3A_33 : vector<16xf32>
      %parallel_loop3A_37 = arith.select %parallel_loop3A_35, %parallel_loop3A_28, %parallel_loop3A_24 : vector<16xi1>, vector<16xi32>
      %parallel_loop3A_38 = arith.select %parallel_loop3A_34, %parallel_loop3A_25, %parallel_loop3A_36 : vector<16xi1>, vector<16xf32>
      %parallel_loop3A_39 = arith.select %parallel_loop3A_34, %parallel_loop3A_26, %parallel_loop3A_37 : vector<16xi1>, vector<16xi32>
      %parallel_loop3A_40 = arith.maximumf %parallel_loop3A_25, %parallel_loop3A_33 : vector<16xf32>
      %parallel_loop3A_41 = arith.select %parallel_loop3A_34, %parallel_loop3A_28, %parallel_loop3A_26 : vector<16xi1>, vector<16xi32>
      %parallel_loop3A_42 = arith.constant 2 : i32
      %parallel_loop3A_43 = vector.broadcast %parallel_loop3A_42 : i32 to vector<16xi32>
      %parallel_loop3A_44 = arith.constant 2 : i32
      %parallel_loop3A_45 = arith.index_cast %parallel_loop3A_44 : i32 to index
      %parallel_loop3A_46 = arith.index_cast %parallel_loop3A_7 : i32 to index
      %parallel_loop3A_47 = tpu.vector_load %arg4[%parallel_loop3A_45, %parallel_loop3A_46] {strides = array<i32>} : memref<64x512xf32, #tpu.memory_space<vmem>>, vector<1x16xf32>,
      %parallel_loop3A_48 = vector.shape_cast %parallel_loop3A_47 : vector<1x16xf32> to vector<16xf32>
      %parallel_loop3A_49 = arith.cmpf ogt, %parallel_loop3A_48, %parallel_loop3A_40 : vector<16xf32>
      %parallel_loop3A_50 = arith.cmpf ogt, %parallel_loop3A_48, %parallel_loop3A_38 : vector<16xf32>
      %parallel_loop3A_51 = arith.maximumf %parallel_loop3A_38, %parallel_loop3A_48 : vector<16xf32>
      %parallel_loop3A_52 = arith.select %parallel_loop3A_50, %parallel_loop3A_43, %parallel_loop3A_39 : vector<16xi1>, vector<16xi32>
      %parallel_loop3A_53 = arith.select %parallel_loop3A_49, %parallel_loop3A_40, %parallel_loop3A_51 : vector<16xi1>, vector<16xf32>
      %parallel_loop3A_54 = arith.select %parallel_loop3A_49, %parallel_loop3A_41, %parallel_loop3A_52 : vector<16xi1>, vector<16xi32>
      %parallel_loop3A_55 = arith.maximumf %parallel_loop3A_40, %parallel_loop3A_48 : vector<16xf32>
      %parallel_loop3A_56 = arith.select %parallel_loop3A_49, %parallel_loop3A_43, %parallel_loop3A_41 : vector<16xi1>, vector<16xi32>
      %parallel_loop3A_57 = arith.constant 3 : i32
      %parallel_loop3A_58 = vector.broadcast %parallel_loop3A_57 : i32 to vector<16xi32>
      %parallel_loop3A_59 = arith.constant 3 : i32
      %parallel_loop3A_60 = arith.index_cast %parallel_loop3A_59 : i32 to index
      %parallel_loop3A_61 = arith.index_cast %parallel_loop3A_7 : i32 to index
      %parallel_loop3A_62 = tpu.vector_load %arg4[%parallel_loop3A_60, %parallel_loop3A_61] {strides = array<i32>} : memref<64x512xf32, #tpu.memory_space<vmem>>, vector<1x16xf32>,
      %parallel_loop3A_63 = vector.shape_cast %parallel_loop3A_62 : vector<1x16xf32> to vector<16xf32>
      %parallel_loop3A_64 = arith.cmpf ogt, %parallel_loop3A_63, %parallel_loop3A_55 : vector<16xf32>
      %parallel_loop3A_65 = arith.cmpf ogt, %parallel_loop3A_63, %parallel_loop3A_53 : vector<16xf32>
      %parallel_loop3A_66 = arith.maximumf %parallel_loop3A_53, %parallel_loop3A_63 : vector<16xf32>
      %parallel_loop3A_67 = arith.select %parallel_loop3A_65, %parallel_loop3A_58, %parallel_loop3A_54 : vector<16xi1>, vector<16xi32>
      %parallel_loop3A_68 = arith.select %parallel_loop3A_64, %parallel_loop3A_55, %parallel_loop3A_66 : vector<16xi1>, vector<16xf32>
      %parallel_loop3A_69 = arith.select %parallel_loop3A_64, %parallel_loop3A_56, %parallel_loop3A_67 : vector<16xi1>, vector<16xi32>
      %parallel_loop3A_70 = arith.maximumf %parallel_loop3A_55, %parallel_loop3A_63 : vector<16xf32>
      %parallel_loop3A_71 = arith.select %parallel_loop3A_64, %parallel_loop3A_58, %parallel_loop3A_56 : vector<16xi1>, vector<16xi32>
      %parallel_loop3A_72 = arith.constant 4 : i32
      %parallel_loop3A_73 = vector.broadcast %parallel_loop3A_72 : i32 to vector<16xi32>
      %parallel_loop3A_74 = arith.constant 4 : i32
      %parallel_loop3A_75 = arith.index_cast %parallel_loop3A_74 : i32 to index
      %parallel_loop3A_76 = arith.index_cast %parallel_loop3A_7 : i32 to index
      %parallel_loop3A_77 = tpu.vector_load %arg4[%parallel_loop3A_75, %parallel_loop3A_76] {strides = array<i32>} : memref<64x512xf32, #tpu.memory_space<vmem>>, vector<1x16xf32>,
      %parallel_loop3A_78 = vector.shape_cast %parallel_loop3A_77 : vector<1x16xf32> to vector<16xf32>
      %parallel_loop3A_79 = arith.cmpf ogt, %parallel_loop3A_78, %parallel_loop3A_70 : vector<16xf32>
      %parallel_loop3A_80 = arith.cmpf ogt, %parallel_loop3A_78, %parallel_loop3A_68 : vector<16xf32>
      %parallel_loop3A_81 = arith.maximumf %parallel_loop3A_68, %parallel_loop3A_78 : vector<16xf32>
      %parallel_loop3A_82 = arith.select %parallel_loop3A_80, %parallel_loop3A_73, %parallel_loop3A_69 : vector<16xi1>, vector<16xi32>
      %parallel_loop3A_83 = arith.select %parallel_loop3A_79, %parallel_loop3A_70, %parallel_loop3A_81 : vector<16xi1>, vector<16xf32>
      %parallel_loop3A_84 = arith.select %parallel_loop3A_79, %parallel_loop3A_71, %parallel_loop3A_82 : vector<16xi1>, vector<16xi32>
      %parallel_loop3A_85 = arith.maximumf %parallel_loop3A_70, %parallel_loop3A_78 : vector<16xf32>
      %parallel_loop3A_86 = arith.select %parallel_loop3A_79, %parallel_loop3A_73, %parallel_loop3A_71 : vector<16xi1>, vector<16xi32>
      %parallel_loop3A_87 = arith.constant 5 : i32
      %parallel_loop3A_88 = vector.broadcast %parallel_loop3A_87 : i32 to vector<16xi32>
      %parallel_loop3A_89 = arith.constant 5 : i32
      %parallel_loop3A_90 = arith.index_cast %parallel_loop3A_89 : i32 to index
      %parallel_loop3A_91 = arith.index_cast %parallel_loop3A_7 : i32 to index
      %parallel_loop3A_92 = tpu.vector_load %arg4[%parallel_loop3A_90, %parallel_loop3A_91] {strides = array<i32>} : memref<64x512xf32, #tpu.memory_space<vmem>>, vector<1x16xf32>,
      %parallel_loop3A_93 = vector.shape_cast %parallel_loop3A_92 : vector<1x16xf32> to vector<16xf32>
      %parallel_loop3A_94 = arith.cmpf ogt, %parallel_loop3A_93, %parallel_loop3A_85 : vector<16xf32>
      %parallel_loop3A_95 = arith.cmpf ogt, %parallel_loop3A_93, %parallel_loop3A_83 : vector<16xf32>
      %parallel_loop3A_96 = arith.maximumf %parallel_loop3A_83, %parallel_loop3A_93 : vector<16xf32>
      %parallel_loop3A_97 = arith.select %parallel_loop3A_95, %parallel_loop3A_88, %parallel_loop3A_84 : vector<16xi1>, vector<16xi32>
      %parallel_loop3A_98 = arith.select %parallel_loop3A_94, %parallel_loop3A_85, %parallel_loop3A_96 : vector<16xi1>, vector<16xf32>
      %parallel_loop3A_99 = arith.select %parallel_loop3A_94, %parallel_loop3A_86, %parallel_loop3A_97 : vector<16xi1>, vector<16xi32>
      %parallel_loop3A_100 = arith.maximumf %parallel_loop3A_85, %parallel_loop3A_93 : vector<16xf32>
      %parallel_loop3A_101 = arith.select %parallel_loop3A_94, %parallel_loop3A_88, %parallel_loop3A_86 : vector<16xi1>, vector<16xi32>
      %parallel_loop3A_102 = arith.constant 6 : i32
      %parallel_loop3A_103 = vector.broadcast %parallel_loop3A_102 : i32 to vector<16xi32>
      %parallel_loop3A_104 = arith.constant 6 : i32
      %parallel_loop3A_105 = arith.index_cast %parallel_loop3A_104 : i32 to index
      %parallel_loop3A_106 = arith.index_cast %parallel_loop3A_7 : i32 to index
      %parallel_loop3A_107 = tpu.vector_load %arg4[%parallel_loop3A_105, %parallel_loop3A_106] {strides = array<i32>} : memref<64x512xf32, #tpu.memory_space<vmem>>, vector<1x16xf32>,
      %parallel_loop3A_108 = vector.shape_cast %parallel_loop3A_107 : vector<1x16xf32> to vector<16xf32>
      %parallel_loop3A_109 = arith.cmpf ogt, %parallel_loop3A_108, %parallel_loop3A_100 : vector<16xf32>
      %parallel_loop3A_110 = arith.cmpf ogt, %parallel_loop3A_108, %parallel_loop3A_98 : vector<16xf32>
      %parallel_loop3A_111 = arith.maximumf %parallel_loop3A_98, %parallel_loop3A_108 : vector<16xf32>
      %parallel_loop3A_112 = arith.select %parallel_loop3A_110, %parallel_loop3A_103, %parallel_loop3A_99 : vector<16xi1>, vector<16xi32>
      %parallel_loop3A_113 = arith.select %parallel_loop3A_109, %parallel_loop3A_100, %parallel_loop3A_111 : vector<16xi1>, vector<16xf32>
      %parallel_loop3A_114 = arith.select %parallel_loop3A_109, %parallel_loop3A_101, %parallel_loop3A_112 : vector<16xi1>, vector<16xi32>
      %parallel_loop3A_115 = arith.maximumf %parallel_loop3A_100, %parallel_loop3A_108 : vector<16xf32>
      %parallel_loop3A_116 = arith.select %parallel_loop3A_109, %parallel_loop3A_103, %parallel_loop3A_101 : vector<16xi1>, vector<16xi32>
      %parallel_loop3A_117 = arith.constant 7 : i32
      %parallel_loop3A_118 = vector.broadcast %parallel_loop3A_117 : i32 to vector<16xi32>
      %parallel_loop3A_119 = arith.constant 7 : i32
      %parallel_loop3A_120 = arith.index_cast %parallel_loop3A_119 : i32 to index
      %parallel_loop3A_121 = arith.index_cast %parallel_loop3A_7 : i32 to index
      %parallel_loop3A_122 = tpu.vector_load %arg4[%parallel_loop3A_120, %parallel_loop3A_121] {strides = array<i32>} : memref<64x512xf32, #tpu.memory_space<vmem>>, vector<1x16xf32>,
      %parallel_loop3A_123 = vector.shape_cast %parallel_loop3A_122 : vector<1x16xf32> to vector<16xf32>
      %parallel_loop3A_124 = arith.cmpf ogt, %parallel_loop3A_123, %parallel_loop3A_115 : vector<16xf32>
      %parallel_loop3A_125 = arith.cmpf ogt, %parallel_loop3A_123, %parallel_loop3A_113 : vector<16xf32>
      %parallel_loop3A_126 = arith.maximumf %parallel_loop3A_113, %parallel_loop3A_123 : vector<16xf32>
      %parallel_loop3A_127 = arith.select %parallel_loop3A_125, %parallel_loop3A_118, %parallel_loop3A_114 : vector<16xi1>, vector<16xi32>
      %parallel_loop3A_128 = arith.select %parallel_loop3A_124, %parallel_loop3A_115, %parallel_loop3A_126 : vector<16xi1>, vector<16xf32>
      %parallel_loop3A_129 = arith.select %parallel_loop3A_124, %parallel_loop3A_116, %parallel_loop3A_127 : vector<16xi1>, vector<16xi32>
      %parallel_loop3A_130 = arith.maximumf %parallel_loop3A_115, %parallel_loop3A_123 : vector<16xf32>
      %parallel_loop3A_131 = arith.select %parallel_loop3A_124, %parallel_loop3A_118, %parallel_loop3A_116 : vector<16xi1>, vector<16xi32>
      %parallel_loop3A_132 = arith.constant 8 : i32
      %parallel_loop3A_133 = vector.broadcast %parallel_loop3A_132 : i32 to vector<16xi32>
      %parallel_loop3A_134 = arith.constant 8 : i32
      %parallel_loop3A_135 = arith.index_cast %parallel_loop3A_134 : i32 to index
      %parallel_loop3A_136 = arith.index_cast %parallel_loop3A_7 : i32 to index
      %parallel_loop3A_137 = tpu.vector_load %arg4[%parallel_loop3A_135, %parallel_loop3A_136] {strides = array<i32>} : memref<64x512xf32, #tpu.memory_space<vmem>>, vector<1x16xf32>,
      %parallel_loop3A_138 = vector.shape_cast %parallel_loop3A_137 : vector<1x16xf32> to vector<16xf32>
      %parallel_loop3A_139 = arith.cmpf ogt, %parallel_loop3A_138, %parallel_loop3A_130 : vector<16xf32>
      %parallel_loop3A_140 = arith.cmpf ogt, %parallel_loop3A_138, %parallel_loop3A_128 : vector<16xf32>
      %parallel_loop3A_141 = arith.maximumf %parallel_loop3A_128, %parallel_loop3A_138 : vector<16xf32>
      %parallel_loop3A_142 = arith.select %parallel_loop3A_140, %parallel_loop3A_133, %parallel_loop3A_129 : vector<16xi1>, vector<16xi32>
      %parallel_loop3A_143 = arith.select %parallel_loop3A_139, %parallel_loop3A_130, %parallel_loop3A_141 : vector<16xi1>, vector<16xf32>
      %parallel_loop3A_144 = arith.select %parallel_loop3A_139, %parallel_loop3A_131, %parallel_loop3A_142 : vector<16xi1>, vector<16xi32>
      %parallel_loop3A_145 = arith.maximumf %parallel_loop3A_130, %parallel_loop3A_138 : vector<16xf32>
      %parallel_loop3A_146 = arith.select %parallel_loop3A_139, %parallel_loop3A_133, %parallel_loop3A_131 : vector<16xi1>, vector<16xi32>
      %parallel_loop3A_147 = arith.constant 9 : i32
      %parallel_loop3A_148 = vector.broadcast %parallel_loop3A_147 : i32 to vector<16xi32>
      %parallel_loop3A_149 = arith.constant 9 : i32
      %parallel_loop3A_150 = arith.index_cast %parallel_loop3A_149 : i32 to index
      %parallel_loop3A_151 = arith.index_cast %parallel_loop3A_7 : i32 to index
      %parallel_loop3A_152 = tpu.vector_load %arg4[%parallel_loop3A_150, %parallel_loop3A_151] {strides = array<i32>} : memref<64x512xf32, #tpu.memory_space<vmem>>, vector<1x16xf32>,
      %parallel_loop3A_153 = vector.shape_cast %parallel_loop3A_152 : vector<1x16xf32> to vector<16xf32>
      %parallel_loop3A_154 = arith.cmpf ogt, %parallel_loop3A_153, %parallel_loop3A_145 : vector<16xf32>
      %parallel_loop3A_155 = arith.cmpf ogt, %parallel_loop3A_153, %parallel_loop3A_143 : vector<16xf32>
      %parallel_loop3A_156 = arith.maximumf %parallel_loop3A_143, %parallel_loop3A_153 : vector<16xf32>
      %parallel_loop3A_157 = arith.select %parallel_loop3A_155, %parallel_loop3A_148, %parallel_loop3A_144 : vector<16xi1>, vector<16xi32>
      %parallel_loop3A_158 = arith.select %parallel_loop3A_154, %parallel_loop3A_145, %parallel_loop3A_156 : vector<16xi1>, vector<16xf32>
      %parallel_loop3A_159 = arith.select %parallel_loop3A_154, %parallel_loop3A_146, %parallel_loop3A_157 : vector<16xi1>, vector<16xi32>
      %parallel_loop3A_160 = arith.maximumf %parallel_loop3A_145, %parallel_loop3A_153 : vector<16xf32>
      %parallel_loop3A_161 = arith.select %parallel_loop3A_154, %parallel_loop3A_148, %parallel_loop3A_146 : vector<16xi1>, vector<16xi32>
      %parallel_loop3A_162 = arith.constant 10 : i32
      %parallel_loop3A_163 = vector.broadcast %parallel_loop3A_162 : i32 to vector<16xi32>
      %parallel_loop3A_164 = arith.constant 10 : i32
      %parallel_loop3A_165 = arith.index_cast %parallel_loop3A_164 : i32 to index
      %parallel_loop3A_166 = arith.index_cast %parallel_loop3A_7 : i32 to index
      %parallel_loop3A_167 = tpu.vector_load %arg4[%parallel_loop3A_165, %parallel_loop3A_166] {strides = array<i32>} : memref<64x512xf32, #tpu.memory_space<vmem>>, vector<1x16xf32>,
      %parallel_loop3A_168 = vector.shape_cast %parallel_loop3A_167 : vector<1x16xf32> to vector<16xf32>
      %parallel_loop3A_169 = arith.cmpf ogt, %parallel_loop3A_168, %parallel_loop3A_160 : vector<16xf32>
      %parallel_loop3A_170 = arith.cmpf ogt, %parallel_loop3A_168, %parallel_loop3A_158 : vector<16xf32>
      %parallel_loop3A_171 = arith.maximumf %parallel_loop3A_158, %parallel_loop3A_168 : vector<16xf32>
      %parallel_loop3A_172 = arith.select %parallel_loop3A_170, %parallel_loop3A_163, %parallel_loop3A_159 : vector<16xi1>, vector<16xi32>
      %parallel_loop3A_173 = arith.select %parallel_loop3A_169, %parallel_loop3A_160, %parallel_loop3A_171 : vector<16xi1>, vector<16xf32>
      %parallel_loop3A_174 = arith.select %parallel_loop3A_169, %parallel_loop3A_161, %parallel_loop3A_172 : vector<16xi1>, vector<16xi32>
      %parallel_loop3A_175 = arith.maximumf %parallel_loop3A_160, %parallel_loop3A_168 : vector<16xf32>
      %parallel_loop3A_176 = arith.select %parallel_loop3A_169, %parallel_loop3A_163, %parallel_loop3A_161 : vector<16xi1>, vector<16xi32>
      %parallel_loop3A_177 = arith.constant 11 : i32
      %parallel_loop3A_178 = vector.broadcast %parallel_loop3A_177 : i32 to vector<16xi32>
      %parallel_loop3A_179 = arith.constant 11 : i32
      %parallel_loop3A_180 = arith.index_cast %parallel_loop3A_179 : i32 to index
      %parallel_loop3A_181 = arith.index_cast %parallel_loop3A_7 : i32 to index
      %parallel_loop3A_182 = tpu.vector_load %arg4[%parallel_loop3A_180, %parallel_loop3A_181] {strides = array<i32>} : memref<64x512xf32, #tpu.memory_space<vmem>>, vector<1x16xf32>,
      %parallel_loop3A_183 = vector.shape_cast %parallel_loop3A_182 : vector<1x16xf32> to vector<16xf32>
      %parallel_loop3A_184 = arith.cmpf ogt, %parallel_loop3A_183, %parallel_loop3A_175 : vector<16xf32>
      %parallel_loop3A_185 = arith.cmpf ogt, %parallel_loop3A_183, %parallel_loop3A_173 : vector<16xf32>
      %parallel_loop3A_186 = arith.maximumf %parallel_loop3A_173, %parallel_loop3A_183 : vector<16xf32>
      %parallel_loop3A_187 = arith.select %parallel_loop3A_185, %parallel_loop3A_178, %parallel_loop3A_174 : vector<16xi1>, vector<16xi32>
      %parallel_loop3A_188 = arith.select %parallel_loop3A_184, %parallel_loop3A_175, %parallel_loop3A_186 : vector<16xi1>, vector<16xf32>
      %parallel_loop3A_189 = arith.select %parallel_loop3A_184, %parallel_loop3A_176, %parallel_loop3A_187 : vector<16xi1>, vector<16xi32>
      %parallel_loop3A_190 = arith.maximumf %parallel_loop3A_175, %parallel_loop3A_183 : vector<16xf32>
      %parallel_loop3A_191 = arith.select %parallel_loop3A_184, %parallel_loop3A_178, %parallel_loop3A_176 : vector<16xi1>, vector<16xi32>
      %parallel_loop3A_192 = arith.constant 12 : i32
      %parallel_loop3A_193 = vector.broadcast %parallel_loop3A_192 : i32 to vector<16xi32>
      %parallel_loop3A_194 = arith.constant 12 : i32
      %parallel_loop3A_195 = arith.index_cast %parallel_loop3A_194 : i32 to index
      %parallel_loop3A_196 = arith.index_cast %parallel_loop3A_7 : i32 to index
      %parallel_loop3A_197 = tpu.vector_load %arg4[%parallel_loop3A_195, %parallel_loop3A_196] {strides = array<i32>} : memref<64x512xf32, #tpu.memory_space<vmem>>, vector<1x16xf32>,
      %parallel_loop3A_198 = vector.shape_cast %parallel_loop3A_197 : vector<1x16xf32> to vector<16xf32>
      %parallel_loop3A_199 = arith.cmpf ogt, %parallel_loop3A_198, %parallel_loop3A_190 : vector<16xf32>
      %parallel_loop3A_200 = arith.cmpf ogt, %parallel_loop3A_198, %parallel_loop3A_188 : vector<16xf32>
      %parallel_loop3A_201 = arith.maximumf %parallel_loop3A_188, %parallel_loop3A_198 : vector<16xf32>
      %parallel_loop3A_202 = arith.select %parallel_loop3A_200, %parallel_loop3A_193, %parallel_loop3A_189 : vector<16xi1>, vector<16xi32>
      %parallel_loop3A_203 = arith.select %parallel_loop3A_199, %parallel_loop3A_190, %parallel_loop3A_201 : vector<16xi1>, vector<16xf32>
      %parallel_loop3A_204 = arith.select %parallel_loop3A_199, %parallel_loop3A_191, %parallel_loop3A_202 : vector<16xi1>, vector<16xi32>
      %parallel_loop3A_205 = arith.maximumf %parallel_loop3A_190, %parallel_loop3A_198 : vector<16xf32>
      %parallel_loop3A_206 = arith.select %parallel_loop3A_199, %parallel_loop3A_193, %parallel_loop3A_191 : vector<16xi1>, vector<16xi32>
      %parallel_loop3A_207 = arith.constant 13 : i32
      %parallel_loop3A_208 = vector.broadcast %parallel_loop3A_207 : i32 to vector<16xi32>
      %parallel_loop3A_209 = arith.constant 13 : i32
      %parallel_loop3A_210 = arith.index_cast %parallel_loop3A_209 : i32 to index
      %parallel_loop3A_211 = arith.index_cast %parallel_loop3A_7 : i32 to index
      %parallel_loop3A_212 = tpu.vector_load %arg4[%parallel_loop3A_210, %parallel_loop3A_211] {strides = array<i32>} : memref<64x512xf32, #tpu.memory_space<vmem>>, vector<1x16xf32>,
      %parallel_loop3A_213 = vector.shape_cast %parallel_loop3A_212 : vector<1x16xf32> to vector<16xf32>
      %parallel_loop3A_214 = arith.cmpf ogt, %parallel_loop3A_213, %parallel_loop3A_205 : vector<16xf32>
      %parallel_loop3A_215 = arith.cmpf ogt, %parallel_loop3A_213, %parallel_loop3A_203 : vector<16xf32>
      %parallel_loop3A_216 = arith.maximumf %parallel_loop3A_203, %parallel_loop3A_213 : vector<16xf32>
      %parallel_loop3A_217 = arith.select %parallel_loop3A_215, %parallel_loop3A_208, %parallel_loop3A_204 : vector<16xi1>, vector<16xi32>
      %parallel_loop3A_218 = arith.select %parallel_loop3A_214, %parallel_loop3A_205, %parallel_loop3A_216 : vector<16xi1>, vector<16xf32>
      %parallel_loop3A_219 = arith.select %parallel_loop3A_214, %parallel_loop3A_206, %parallel_loop3A_217 : vector<16xi1>, vector<16xi32>
      %parallel_loop3A_220 = arith.maximumf %parallel_loop3A_205, %parallel_loop3A_213 : vector<16xf32>
      %parallel_loop3A_221 = arith.select %parallel_loop3A_214, %parallel_loop3A_208, %parallel_loop3A_206 : vector<16xi1>, vector<16xi32>
      %parallel_loop3A_222 = arith.constant 14 : i32
      %parallel_loop3A_223 = vector.broadcast %parallel_loop3A_222 : i32 to vector<16xi32>
      %parallel_loop3A_224 = arith.constant 14 : i32
      %parallel_loop3A_225 = arith.index_cast %parallel_loop3A_224 : i32 to index
      %parallel_loop3A_226 = arith.index_cast %parallel_loop3A_7 : i32 to index
      %parallel_loop3A_227 = tpu.vector_load %arg4[%parallel_loop3A_225, %parallel_loop3A_226] {strides = array<i32>} : memref<64x512xf32, #tpu.memory_space<vmem>>, vector<1x16xf32>,
      %parallel_loop3A_228 = vector.shape_cast %parallel_loop3A_227 : vector<1x16xf32> to vector<16xf32>
      %parallel_loop3A_229 = arith.cmpf ogt, %parallel_loop3A_228, %parallel_loop3A_220 : vector<16xf32>
      %parallel_loop3A_230 = arith.cmpf ogt, %parallel_loop3A_228, %parallel_loop3A_218 : vector<16xf32>
      %parallel_loop3A_231 = arith.maximumf %parallel_loop3A_218, %parallel_loop3A_228 : vector<16xf32>
      %parallel_loop3A_232 = arith.select %parallel_loop3A_230, %parallel_loop3A_223, %parallel_loop3A_219 : vector<16xi1>, vector<16xi32>
      %parallel_loop3A_233 = arith.select %parallel_loop3A_229, %parallel_loop3A_220, %parallel_loop3A_231 : vector<16xi1>, vector<16xf32>
      %parallel_loop3A_234 = arith.select %parallel_loop3A_229, %parallel_loop3A_221, %parallel_loop3A_232 : vector<16xi1>, vector<16xi32>
      %parallel_loop3A_235 = arith.maximumf %parallel_loop3A_220, %parallel_loop3A_228 : vector<16xf32>
      %parallel_loop3A_236 = arith.select %parallel_loop3A_229, %parallel_loop3A_223, %parallel_loop3A_221 : vector<16xi1>, vector<16xi32>
      %parallel_loop3A_237 = arith.constant 15 : i32
      %parallel_loop3A_238 = vector.broadcast %parallel_loop3A_237 : i32 to vector<16xi32>
      %parallel_loop3A_239 = arith.constant 15 : i32
      %parallel_loop3A_240 = arith.index_cast %parallel_loop3A_239 : i32 to index
      %parallel_loop3A_241 = arith.index_cast %parallel_loop3A_7 : i32 to index
      %parallel_loop3A_242 = tpu.vector_load %arg4[%parallel_loop3A_240, %parallel_loop3A_241] {strides = array<i32>} : memref<64x512xf32, #tpu.memory_space<vmem>>, vector<1x16xf32>,
      %parallel_loop3A_243 = vector.shape_cast %parallel_loop3A_242 : vector<1x16xf32> to vector<16xf32>
      %parallel_loop3A_244 = arith.cmpf ogt, %parallel_loop3A_243, %parallel_loop3A_235 : vector<16xf32>
      %parallel_loop3A_245 = arith.cmpf ogt, %parallel_loop3A_243, %parallel_loop3A_233 : vector<16xf32>
      %parallel_loop3A_246 = arith.maximumf %parallel_loop3A_233, %parallel_loop3A_243 : vector<16xf32>
      %parallel_loop3A_247 = arith.select %parallel_loop3A_245, %parallel_loop3A_238, %parallel_loop3A_234 : vector<16xi1>, vector<16xi32>
      %parallel_loop3A_248 = arith.select %parallel_loop3A_244, %parallel_loop3A_235, %parallel_loop3A_246 : vector<16xi1>, vector<16xf32>
      %parallel_loop3A_249 = arith.select %parallel_loop3A_244, %parallel_loop3A_236, %parallel_loop3A_247 : vector<16xi1>, vector<16xi32>
      %parallel_loop3A_250 = arith.maximumf %parallel_loop3A_235, %parallel_loop3A_243 : vector<16xf32>
      %parallel_loop3A_251 = arith.select %parallel_loop3A_244, %parallel_loop3A_238, %parallel_loop3A_236 : vector<16xi1>, vector<16xi32>
      %parallel_loop3A_252 = arith.constant 16 : i32
      %parallel_loop3A_253 = vector.broadcast %parallel_loop3A_252 : i32 to vector<16xi32>
      %parallel_loop3A_254 = arith.constant 16 : i32
      %parallel_loop3A_255 = arith.index_cast %parallel_loop3A_254 : i32 to index
      %parallel_loop3A_256 = arith.index_cast %parallel_loop3A_7 : i32 to index
      %parallel_loop3A_257 = tpu.vector_load %arg4[%parallel_loop3A_255, %parallel_loop3A_256] {strides = array<i32>} : memref<64x512xf32, #tpu.memory_space<vmem>>, vector<1x16xf32>,
      %parallel_loop3A_258 = vector.shape_cast %parallel_loop3A_257 : vector<1x16xf32> to vector<16xf32>
      %parallel_loop3A_259 = arith.cmpf ogt, %parallel_loop3A_258, %parallel_loop3A_250 : vector<16xf32>
      %parallel_loop3A_260 = arith.cmpf ogt, %parallel_loop3A_258, %parallel_loop3A_248 : vector<16xf32>
      %parallel_loop3A_261 = arith.maximumf %parallel_loop3A_248, %parallel_loop3A_258 : vector<16xf32>
      %parallel_loop3A_262 = arith.select %parallel_loop3A_260, %parallel_loop3A_253, %parallel_loop3A_249 : vector<16xi1>, vector<16xi32>
      %parallel_loop3A_263 = arith.select %parallel_loop3A_259, %parallel_loop3A_250, %parallel_loop3A_261 : vector<16xi1>, vector<16xf32>
      %parallel_loop3A_264 = arith.select %parallel_loop3A_259, %parallel_loop3A_251, %parallel_loop3A_262 : vector<16xi1>, vector<16xi32>
      %parallel_loop3A_265 = arith.maximumf %parallel_loop3A_250, %parallel_loop3A_258 : vector<16xf32>
      %parallel_loop3A_266 = arith.select %parallel_loop3A_259, %parallel_loop3A_253, %parallel_loop3A_251 : vector<16xi1>, vector<16xi32>
      %parallel_loop3A_267 = arith.constant 17 : i32
      %parallel_loop3A_268 = vector.broadcast %parallel_loop3A_267 : i32 to vector<16xi32>
      %parallel_loop3A_269 = arith.constant 17 : i32
      %parallel_loop3A_270 = arith.index_cast %parallel_loop3A_269 : i32 to index
      %parallel_loop3A_271 = arith.index_cast %parallel_loop3A_7 : i32 to index
      %parallel_loop3A_272 = tpu.vector_load %arg4[%parallel_loop3A_270, %parallel_loop3A_271] {strides = array<i32>} : memref<64x512xf32, #tpu.memory_space<vmem>>, vector<1x16xf32>,
      %parallel_loop3A_273 = vector.shape_cast %parallel_loop3A_272 : vector<1x16xf32> to vector<16xf32>
      %parallel_loop3A_274 = arith.cmpf ogt, %parallel_loop3A_273, %parallel_loop3A_265 : vector<16xf32>
      %parallel_loop3A_275 = arith.cmpf ogt, %parallel_loop3A_273, %parallel_loop3A_263 : vector<16xf32>
      %parallel_loop3A_276 = arith.maximumf %parallel_loop3A_263, %parallel_loop3A_273 : vector<16xf32>
      %parallel_loop3A_277 = arith.select %parallel_loop3A_275, %parallel_loop3A_268, %parallel_loop3A_264 : vector<16xi1>, vector<16xi32>
      %parallel_loop3A_278 = arith.select %parallel_loop3A_274, %parallel_loop3A_265, %parallel_loop3A_276 : vector<16xi1>, vector<16xf32>
      %parallel_loop3A_279 = arith.select %parallel_loop3A_274, %parallel_loop3A_266, %parallel_loop3A_277 : vector<16xi1>, vector<16xi32>
      %parallel_loop3A_280 = arith.maximumf %parallel_loop3A_265, %parallel_loop3A_273 : vector<16xf32>
      %parallel_loop3A_281 = arith.select %parallel_loop3A_274, %parallel_loop3A_268, %parallel_loop3A_266 : vector<16xi1>, vector<16xi32>
      %parallel_loop3A_282 = arith.constant 18 : i32
      %parallel_loop3A_283 = vector.broadcast %parallel_loop3A_282 : i32 to vector<16xi32>
      %parallel_loop3A_284 = arith.constant 18 : i32
      %parallel_loop3A_285 = arith.index_cast %parallel_loop3A_284 : i32 to index
      %parallel_loop3A_286 = arith.index_cast %parallel_loop3A_7 : i32 to index
      %parallel_loop3A_287 = tpu.vector_load %arg4[%parallel_loop3A_285, %parallel_loop3A_286] {strides = array<i32>} : memref<64x512xf32, #tpu.memory_space<vmem>>, vector<1x16xf32>,
      %parallel_loop3A_288 = vector.shape_cast %parallel_loop3A_287 : vector<1x16xf32> to vector<16xf32>
      %parallel_loop3A_289 = arith.cmpf ogt, %parallel_loop3A_288, %parallel_loop3A_280 : vector<16xf32>
      %parallel_loop3A_290 = arith.cmpf ogt, %parallel_loop3A_288, %parallel_loop3A_278 : vector<16xf32>
      %parallel_loop3A_291 = arith.maximumf %parallel_loop3A_278, %parallel_loop3A_288 : vector<16xf32>
      %parallel_loop3A_292 = arith.select %parallel_loop3A_290, %parallel_loop3A_283, %parallel_loop3A_279 : vector<16xi1>, vector<16xi32>
      %parallel_loop3A_293 = arith.select %parallel_loop3A_289, %parallel_loop3A_280, %parallel_loop3A_291 : vector<16xi1>, vector<16xf32>
      %parallel_loop3A_294 = arith.select %parallel_loop3A_289, %parallel_loop3A_281, %parallel_loop3A_292 : vector<16xi1>, vector<16xi32>
      %parallel_loop3A_295 = arith.maximumf %parallel_loop3A_280, %parallel_loop3A_288 : vector<16xf32>
      %parallel_loop3A_296 = arith.select %parallel_loop3A_289, %parallel_loop3A_283, %parallel_loop3A_281 : vector<16xi1>, vector<16xi32>
      %parallel_loop3A_297 = arith.constant 19 : i32
      %parallel_loop3A_298 = vector.broadcast %parallel_loop3A_297 : i32 to vector<16xi32>
      %parallel_loop3A_299 = arith.constant 19 : i32
      %parallel_loop3A_300 = arith.index_cast %parallel_loop3A_299 : i32 to index
      %parallel_loop3A_301 = arith.index_cast %parallel_loop3A_7 : i32 to index
      %parallel_loop3A_302 = tpu.vector_load %arg4[%parallel_loop3A_300, %parallel_loop3A_301] {strides = array<i32>} : memref<64x512xf32, #tpu.memory_space<vmem>>, vector<1x16xf32>,
      %parallel_loop3A_303 = vector.shape_cast %parallel_loop3A_302 : vector<1x16xf32> to vector<16xf32>
      %parallel_loop3A_304 = arith.cmpf ogt, %parallel_loop3A_303, %parallel_loop3A_295 : vector<16xf32>
      %parallel_loop3A_305 = arith.cmpf ogt, %parallel_loop3A_303, %parallel_loop3A_293 : vector<16xf32>
      %parallel_loop3A_306 = arith.maximumf %parallel_loop3A_293, %parallel_loop3A_303 : vector<16xf32>
      %parallel_loop3A_307 = arith.select %parallel_loop3A_305, %parallel_loop3A_298, %parallel_loop3A_294 : vector<16xi1>, vector<16xi32>
      %parallel_loop3A_308 = arith.select %parallel_loop3A_304, %parallel_loop3A_295, %parallel_loop3A_306 : vector<16xi1>, vector<16xf32>
      %parallel_loop3A_309 = arith.select %parallel_loop3A_304, %parallel_loop3A_296, %parallel_loop3A_307 : vector<16xi1>, vector<16xi32>
      %parallel_loop3A_310 = arith.maximumf %parallel_loop3A_295, %parallel_loop3A_303 : vector<16xf32>
      %parallel_loop3A_311 = arith.select %parallel_loop3A_304, %parallel_loop3A_298, %parallel_loop3A_296 : vector<16xi1>, vector<16xi32>
      %parallel_loop3A_312 = arith.constant 20 : i32
      %parallel_loop3A_313 = vector.broadcast %parallel_loop3A_312 : i32 to vector<16xi32>
      %parallel_loop3A_314 = arith.constant 20 : i32
      %parallel_loop3A_315 = arith.index_cast %parallel_loop3A_314 : i32 to index
      %parallel_loop3A_316 = arith.index_cast %parallel_loop3A_7 : i32 to index
      %parallel_loop3A_317 = tpu.vector_load %arg4[%parallel_loop3A_315, %parallel_loop3A_316] {strides = array<i32>} : memref<64x512xf32, #tpu.memory_space<vmem>>, vector<1x16xf32>,
      %parallel_loop3A_318 = vector.shape_cast %parallel_loop3A_317 : vector<1x16xf32> to vector<16xf32>
      %parallel_loop3A_319 = arith.cmpf ogt, %parallel_loop3A_318, %parallel_loop3A_310 : vector<16xf32>
      %parallel_loop3A_320 = arith.cmpf ogt, %parallel_loop3A_318, %parallel_loop3A_308 : vector<16xf32>
      %parallel_loop3A_321 = arith.maximumf %parallel_loop3A_308, %parallel_loop3A_318 : vector<16xf32>
      %parallel_loop3A_322 = arith.select %parallel_loop3A_320, %parallel_loop3A_313, %parallel_loop3A_309 : vector<16xi1>, vector<16xi32>
      %parallel_loop3A_323 = arith.select %parallel_loop3A_319, %parallel_loop3A_310, %parallel_loop3A_321 : vector<16xi1>, vector<16xf32>
      %parallel_loop3A_324 = arith.select %parallel_loop3A_319, %parallel_loop3A_311, %parallel_loop3A_322 : vector<16xi1>, vector<16xi32>
      %parallel_loop3A_325 = arith.maximumf %parallel_loop3A_310, %parallel_loop3A_318 : vector<16xf32>
      %parallel_loop3A_326 = arith.select %parallel_loop3A_319, %parallel_loop3A_313, %parallel_loop3A_311 : vector<16xi1>, vector<16xi32>
      %parallel_loop3A_327 = arith.constant 21 : i32
      %parallel_loop3A_328 = vector.broadcast %parallel_loop3A_327 : i32 to vector<16xi32>
      %parallel_loop3A_329 = arith.constant 21 : i32
      %parallel_loop3A_330 = arith.index_cast %parallel_loop3A_329 : i32 to index
      %parallel_loop3A_331 = arith.index_cast %parallel_loop3A_7 : i32 to index
      %parallel_loop3A_332 = tpu.vector_load %arg4[%parallel_loop3A_330, %parallel_loop3A_331] {strides = array<i32>} : memref<64x512xf32, #tpu.memory_space<vmem>>, vector<1x16xf32>,
      %parallel_loop3A_333 = vector.shape_cast %parallel_loop3A_332 : vector<1x16xf32> to vector<16xf32>
      %parallel_loop3A_334 = arith.cmpf ogt, %parallel_loop3A_333, %parallel_loop3A_325 : vector<16xf32>
      %parallel_loop3A_335 = arith.cmpf ogt, %parallel_loop3A_333, %parallel_loop3A_323 : vector<16xf32>
      %parallel_loop3A_336 = arith.maximumf %parallel_loop3A_323, %parallel_loop3A_333 : vector<16xf32>
      %parallel_loop3A_337 = arith.select %parallel_loop3A_335, %parallel_loop3A_328, %parallel_loop3A_324 : vector<16xi1>, vector<16xi32>
      %parallel_loop3A_338 = arith.select %parallel_loop3A_334, %parallel_loop3A_325, %parallel_loop3A_336 : vector<16xi1>, vector<16xf32>
      %parallel_loop3A_339 = arith.select %parallel_loop3A_334, %parallel_loop3A_326, %parallel_loop3A_337 : vector<16xi1>, vector<16xi32>
      %parallel_loop3A_340 = arith.maximumf %parallel_loop3A_325, %parallel_loop3A_333 : vector<16xf32>
      %parallel_loop3A_341 = arith.select %parallel_loop3A_334, %parallel_loop3A_328, %parallel_loop3A_326 : vector<16xi1>, vector<16xi32>
      %parallel_loop3A_342 = arith.constant 22 : i32
      %parallel_loop3A_343 = vector.broadcast %parallel_loop3A_342 : i32 to vector<16xi32>
      %parallel_loop3A_344 = arith.constant 22 : i32
      %parallel_loop3A_345 = arith.index_cast %parallel_loop3A_344 : i32 to index
      %parallel_loop3A_346 = arith.index_cast %parallel_loop3A_7 : i32 to index
      %parallel_loop3A_347 = tpu.vector_load %arg4[%parallel_loop3A_345, %parallel_loop3A_346] {strides = array<i32>} : memref<64x512xf32, #tpu.memory_space<vmem>>, vector<1x16xf32>,
      %parallel_loop3A_348 = vector.shape_cast %parallel_loop3A_347 : vector<1x16xf32> to vector<16xf32>
      %parallel_loop3A_349 = arith.cmpf ogt, %parallel_loop3A_348, %parallel_loop3A_340 : vector<16xf32>
      %parallel_loop3A_350 = arith.cmpf ogt, %parallel_loop3A_348, %parallel_loop3A_338 : vector<16xf32>
      %parallel_loop3A_351 = arith.maximumf %parallel_loop3A_338, %parallel_loop3A_348 : vector<16xf32>
      %parallel_loop3A_352 = arith.select %parallel_loop3A_350, %parallel_loop3A_343, %parallel_loop3A_339 : vector<16xi1>, vector<16xi32>
      %parallel_loop3A_353 = arith.select %parallel_loop3A_349, %parallel_loop3A_340, %parallel_loop3A_351 : vector<16xi1>, vector<16xf32>
      %parallel_loop3A_354 = arith.select %parallel_loop3A_349, %parallel_loop3A_341, %parallel_loop3A_352 : vector<16xi1>, vector<16xi32>
      %parallel_loop3A_355 = arith.maximumf %parallel_loop3A_340, %parallel_loop3A_348 : vector<16xf32>
      %parallel_loop3A_356 = arith.select %parallel_loop3A_349, %parallel_loop3A_343, %parallel_loop3A_341 : vector<16xi1>, vector<16xi32>
      %parallel_loop3A_357 = arith.constant 23 : i32
      %parallel_loop3A_358 = vector.broadcast %parallel_loop3A_357 : i32 to vector<16xi32>
      %parallel_loop3A_359 = arith.constant 23 : i32
      %parallel_loop3A_360 = arith.index_cast %parallel_loop3A_359 : i32 to index
      %parallel_loop3A_361 = arith.index_cast %parallel_loop3A_7 : i32 to index
      %parallel_loop3A_362 = tpu.vector_load %arg4[%parallel_loop3A_360, %parallel_loop3A_361] {strides = array<i32>} : memref<64x512xf32, #tpu.memory_space<vmem>>, vector<1x16xf32>,
      %parallel_loop3A_363 = vector.shape_cast %parallel_loop3A_362 : vector<1x16xf32> to vector<16xf32>
      %parallel_loop3A_364 = arith.cmpf ogt, %parallel_loop3A_363, %parallel_loop3A_355 : vector<16xf32>
      %parallel_loop3A_365 = arith.cmpf ogt, %parallel_loop3A_363, %parallel_loop3A_353 : vector<16xf32>
      %parallel_loop3A_366 = arith.maximumf %parallel_loop3A_353, %parallel_loop3A_363 : vector<16xf32>
      %parallel_loop3A_367 = arith.select %parallel_loop3A_365, %parallel_loop3A_358, %parallel_loop3A_354 : vector<16xi1>, vector<16xi32>
      %parallel_loop3A_368 = arith.select %parallel_loop3A_364, %parallel_loop3A_355, %parallel_loop3A_366 : vector<16xi1>, vector<16xf32>
      %parallel_loop3A_369 = arith.select %parallel_loop3A_364, %parallel_loop3A_356, %parallel_loop3A_367 : vector<16xi1>, vector<16xi32>
      %parallel_loop3A_370 = arith.maximumf %parallel_loop3A_355, %parallel_loop3A_363 : vector<16xf32>
      %parallel_loop3A_371 = arith.select %parallel_loop3A_364, %parallel_loop3A_358, %parallel_loop3A_356 : vector<16xi1>, vector<16xi32>
      %parallel_loop3A_372 = arith.constant 24 : i32
      %parallel_loop3A_373 = vector.broadcast %parallel_loop3A_372 : i32 to vector<16xi32>
      %parallel_loop3A_374 = arith.constant 24 : i32
      %parallel_loop3A_375 = arith.index_cast %parallel_loop3A_374 : i32 to index
      %parallel_loop3A_376 = arith.index_cast %parallel_loop3A_7 : i32 to index
      %parallel_loop3A_377 = tpu.vector_load %arg4[%parallel_loop3A_375, %parallel_loop3A_376] {strides = array<i32>} : memref<64x512xf32, #tpu.memory_space<vmem>>, vector<1x16xf32>,
      %parallel_loop3A_378 = vector.shape_cast %parallel_loop3A_377 : vector<1x16xf32> to vector<16xf32>
      %parallel_loop3A_379 = arith.cmpf ogt, %parallel_loop3A_378, %parallel_loop3A_370 : vector<16xf32>
      %parallel_loop3A_380 = arith.cmpf ogt, %parallel_loop3A_378, %parallel_loop3A_368 : vector<16xf32>
      %parallel_loop3A_381 = arith.maximumf %parallel_loop3A_368, %parallel_loop3A_378 : vector<16xf32>
      %parallel_loop3A_382 = arith.select %parallel_loop3A_380, %parallel_loop3A_373, %parallel_loop3A_369 : vector<16xi1>, vector<16xi32>
      %parallel_loop3A_383 = arith.select %parallel_loop3A_379, %parallel_loop3A_370, %parallel_loop3A_381 : vector<16xi1>, vector<16xf32>
      %parallel_loop3A_384 = arith.select %parallel_loop3A_379, %parallel_loop3A_371, %parallel_loop3A_382 : vector<16xi1>, vector<16xi32>
      %parallel_loop3A_385 = arith.maximumf %parallel_loop3A_370, %parallel_loop3A_378 : vector<16xf32>
      %parallel_loop3A_386 = arith.select %parallel_loop3A_379, %parallel_loop3A_373, %parallel_loop3A_371 : vector<16xi1>, vector<16xi32>
      %parallel_loop3A_387 = arith.constant 25 : i32
      %parallel_loop3A_388 = vector.broadcast %parallel_loop3A_387 : i32 to vector<16xi32>
      %parallel_loop3A_389 = arith.constant 25 : i32
      %parallel_loop3A_390 = arith.index_cast %parallel_loop3A_389 : i32 to index
      %parallel_loop3A_391 = arith.index_cast %parallel_loop3A_7 : i32 to index
      %parallel_loop3A_392 = tpu.vector_load %arg4[%parallel_loop3A_390, %parallel_loop3A_391] {strides = array<i32>} : memref<64x512xf32, #tpu.memory_space<vmem>>, vector<1x16xf32>,
      %parallel_loop3A_393 = vector.shape_cast %parallel_loop3A_392 : vector<1x16xf32> to vector<16xf32>
      %parallel_loop3A_394 = arith.cmpf ogt, %parallel_loop3A_393, %parallel_loop3A_385 : vector<16xf32>
      %parallel_loop3A_395 = arith.cmpf ogt, %parallel_loop3A_393, %parallel_loop3A_383 : vector<16xf32>
      %parallel_loop3A_396 = arith.maximumf %parallel_loop3A_383, %parallel_loop3A_393 : vector<16xf32>
      %parallel_loop3A_397 = arith.select %parallel_loop3A_395, %parallel_loop3A_388, %parallel_loop3A_384 : vector<16xi1>, vector<16xi32>
      %parallel_loop3A_398 = arith.select %parallel_loop3A_394, %parallel_loop3A_385, %parallel_loop3A_396 : vector<16xi1>, vector<16xf32>
      %parallel_loop3A_399 = arith.select %parallel_loop3A_394, %parallel_loop3A_386, %parallel_loop3A_397 : vector<16xi1>, vector<16xi32>
      %parallel_loop3A_400 = arith.maximumf %parallel_loop3A_385, %parallel_loop3A_393 : vector<16xf32>
      %parallel_loop3A_401 = arith.select %parallel_loop3A_394, %parallel_loop3A_388, %parallel_loop3A_386 : vector<16xi1>, vector<16xi32>
      %parallel_loop3A_402 = arith.constant 26 : i32
      %parallel_loop3A_403 = vector.broadcast %parallel_loop3A_402 : i32 to vector<16xi32>
      %parallel_loop3A_404 = arith.constant 26 : i32
      %parallel_loop3A_405 = arith.index_cast %parallel_loop3A_404 : i32 to index
      %parallel_loop3A_406 = arith.index_cast %parallel_loop3A_7 : i32 to index
      %parallel_loop3A_407 = tpu.vector_load %arg4[%parallel_loop3A_405, %parallel_loop3A_406] {strides = array<i32>} : memref<64x512xf32, #tpu.memory_space<vmem>>, vector<1x16xf32>,
      %parallel_loop3A_408 = vector.shape_cast %parallel_loop3A_407 : vector<1x16xf32> to vector<16xf32>
      %parallel_loop3A_409 = arith.cmpf ogt, %parallel_loop3A_408, %parallel_loop3A_400 : vector<16xf32>
      %parallel_loop3A_410 = arith.cmpf ogt, %parallel_loop3A_408, %parallel_loop3A_398 : vector<16xf32>
      %parallel_loop3A_411 = arith.maximumf %parallel_loop3A_398, %parallel_loop3A_408 : vector<16xf32>
      %parallel_loop3A_412 = arith.select %parallel_loop3A_410, %parallel_loop3A_403, %parallel_loop3A_399 : vector<16xi1>, vector<16xi32>
      %parallel_loop3A_413 = arith.select %parallel_loop3A_409, %parallel_loop3A_400, %parallel_loop3A_411 : vector<16xi1>, vector<16xf32>
      %parallel_loop3A_414 = arith.select %parallel_loop3A_409, %parallel_loop3A_401, %parallel_loop3A_412 : vector<16xi1>, vector<16xi32>
      %parallel_loop3A_415 = arith.maximumf %parallel_loop3A_400, %parallel_loop3A_408 : vector<16xf32>
      %parallel_loop3A_416 = arith.select %parallel_loop3A_409, %parallel_loop3A_403, %parallel_loop3A_401 : vector<16xi1>, vector<16xi32>
      %parallel_loop3A_417 = arith.constant 27 : i32
      %parallel_loop3A_418 = vector.broadcast %parallel_loop3A_417 : i32 to vector<16xi32>
      %parallel_loop3A_419 = arith.constant 27 : i32
      %parallel_loop3A_420 = arith.index_cast %parallel_loop3A_419 : i32 to index
      %parallel_loop3A_421 = arith.index_cast %parallel_loop3A_7 : i32 to index
      %parallel_loop3A_422 = tpu.vector_load %arg4[%parallel_loop3A_420, %parallel_loop3A_421] {strides = array<i32>} : memref<64x512xf32, #tpu.memory_space<vmem>>, vector<1x16xf32>,
      %parallel_loop3A_423 = vector.shape_cast %parallel_loop3A_422 : vector<1x16xf32> to vector<16xf32>
      %parallel_loop3A_424 = arith.cmpf ogt, %parallel_loop3A_423, %parallel_loop3A_415 : vector<16xf32>
      %parallel_loop3A_425 = arith.cmpf ogt, %parallel_loop3A_423, %parallel_loop3A_413 : vector<16xf32>
      %parallel_loop3A_426 = arith.maximumf %parallel_loop3A_413, %parallel_loop3A_423 : vector<16xf32>
      %parallel_loop3A_427 = arith.select %parallel_loop3A_425, %parallel_loop3A_418, %parallel_loop3A_414 : vector<16xi1>, vector<16xi32>
      %parallel_loop3A_428 = arith.select %parallel_loop3A_424, %parallel_loop3A_415, %parallel_loop3A_426 : vector<16xi1>, vector<16xf32>
      %parallel_loop3A_429 = arith.select %parallel_loop3A_424, %parallel_loop3A_416, %parallel_loop3A_427 : vector<16xi1>, vector<16xi32>
      %parallel_loop3A_430 = arith.maximumf %parallel_loop3A_415, %parallel_loop3A_423 : vector<16xf32>
      %parallel_loop3A_431 = arith.select %parallel_loop3A_424, %parallel_loop3A_418, %parallel_loop3A_416 : vector<16xi1>, vector<16xi32>
      %parallel_loop3A_432 = arith.constant 28 : i32
      %parallel_loop3A_433 = vector.broadcast %parallel_loop3A_432 : i32 to vector<16xi32>
      %parallel_loop3A_434 = arith.constant 28 : i32
      %parallel_loop3A_435 = arith.index_cast %parallel_loop3A_434 : i32 to index
      %parallel_loop3A_436 = arith.index_cast %parallel_loop3A_7 : i32 to index
      %parallel_loop3A_437 = tpu.vector_load %arg4[%parallel_loop3A_435, %parallel_loop3A_436] {strides = array<i32>} : memref<64x512xf32, #tpu.memory_space<vmem>>, vector<1x16xf32>,
      %parallel_loop3A_438 = vector.shape_cast %parallel_loop3A_437 : vector<1x16xf32> to vector<16xf32>
      %parallel_loop3A_439 = arith.cmpf ogt, %parallel_loop3A_438, %parallel_loop3A_430 : vector<16xf32>
      %parallel_loop3A_440 = arith.cmpf ogt, %parallel_loop3A_438, %parallel_loop3A_428 : vector<16xf32>
      %parallel_loop3A_441 = arith.maximumf %parallel_loop3A_428, %parallel_loop3A_438 : vector<16xf32>
      %parallel_loop3A_442 = arith.select %parallel_loop3A_440, %parallel_loop3A_433, %parallel_loop3A_429 : vector<16xi1>, vector<16xi32>
      %parallel_loop3A_443 = arith.select %parallel_loop3A_439, %parallel_loop3A_430, %parallel_loop3A_441 : vector<16xi1>, vector<16xf32>
      %parallel_loop3A_444 = arith.select %parallel_loop3A_439, %parallel_loop3A_431, %parallel_loop3A_442 : vector<16xi1>, vector<16xi32>
      %parallel_loop3A_445 = arith.maximumf %parallel_loop3A_430, %parallel_loop3A_438 : vector<16xf32>
      %parallel_loop3A_446 = arith.select %parallel_loop3A_439, %parallel_loop3A_433, %parallel_loop3A_431 : vector<16xi1>, vector<16xi32>
      %parallel_loop3A_447 = arith.constant 29 : i32
      %parallel_loop3A_448 = vector.broadcast %parallel_loop3A_447 : i32 to vector<16xi32>
      %parallel_loop3A_449 = arith.constant 29 : i32
      %parallel_loop3A_450 = arith.index_cast %parallel_loop3A_449 : i32 to index
      %parallel_loop3A_451 = arith.index_cast %parallel_loop3A_7 : i32 to index
      %parallel_loop3A_452 = tpu.vector_load %arg4[%parallel_loop3A_450, %parallel_loop3A_451] {strides = array<i32>} : memref<64x512xf32, #tpu.memory_space<vmem>>, vector<1x16xf32>,
      %parallel_loop3A_453 = vector.shape_cast %parallel_loop3A_452 : vector<1x16xf32> to vector<16xf32>
      %parallel_loop3A_454 = arith.cmpf ogt, %parallel_loop3A_453, %parallel_loop3A_445 : vector<16xf32>
      %parallel_loop3A_455 = arith.cmpf ogt, %parallel_loop3A_453, %parallel_loop3A_443 : vector<16xf32>
      %parallel_loop3A_456 = arith.maximumf %parallel_loop3A_443, %parallel_loop3A_453 : vector<16xf32>
      %parallel_loop3A_457 = arith.select %parallel_loop3A_455, %parallel_loop3A_448, %parallel_loop3A_444 : vector<16xi1>, vector<16xi32>
      %parallel_loop3A_458 = arith.select %parallel_loop3A_454, %parallel_loop3A_445, %parallel_loop3A_456 : vector<16xi1>, vector<16xf32>
      %parallel_loop3A_459 = arith.select %parallel_loop3A_454, %parallel_loop3A_446, %parallel_loop3A_457 : vector<16xi1>, vector<16xi32>
      %parallel_loop3A_460 = arith.maximumf %parallel_loop3A_445, %parallel_loop3A_453 : vector<16xf32>
      %parallel_loop3A_461 = arith.select %parallel_loop3A_454, %parallel_loop3A_448, %parallel_loop3A_446 : vector<16xi1>, vector<16xi32>
      %parallel_loop3A_462 = arith.constant 30 : i32
      %parallel_loop3A_463 = vector.broadcast %parallel_loop3A_462 : i32 to vector<16xi32>
      %parallel_loop3A_464 = arith.constant 30 : i32
      %parallel_loop3A_465 = arith.index_cast %parallel_loop3A_464 : i32 to index
      %parallel_loop3A_466 = arith.index_cast %parallel_loop3A_7 : i32 to index
      %parallel_loop3A_467 = tpu.vector_load %arg4[%parallel_loop3A_465, %parallel_loop3A_466] {strides = array<i32>} : memref<64x512xf32, #tpu.memory_space<vmem>>, vector<1x16xf32>,
      %parallel_loop3A_468 = vector.shape_cast %parallel_loop3A_467 : vector<1x16xf32> to vector<16xf32>
      %parallel_loop3A_469 = arith.cmpf ogt, %parallel_loop3A_468, %parallel_loop3A_460 : vector<16xf32>
      %parallel_loop3A_470 = arith.cmpf ogt, %parallel_loop3A_468, %parallel_loop3A_458 : vector<16xf32>
      %parallel_loop3A_471 = arith.maximumf %parallel_loop3A_458, %parallel_loop3A_468 : vector<16xf32>
      %parallel_loop3A_472 = arith.select %parallel_loop3A_470, %parallel_loop3A_463, %parallel_loop3A_459 : vector<16xi1>, vector<16xi32>
      %parallel_loop3A_473 = arith.select %parallel_loop3A_469, %parallel_loop3A_460, %parallel_loop3A_471 : vector<16xi1>, vector<16xf32>
      %parallel_loop3A_474 = arith.select %parallel_loop3A_469, %parallel_loop3A_461, %parallel_loop3A_472 : vector<16xi1>, vector<16xi32>
      %parallel_loop3A_475 = arith.maximumf %parallel_loop3A_460, %parallel_loop3A_468 : vector<16xf32>
      %parallel_loop3A_476 = arith.select %parallel_loop3A_469, %parallel_loop3A_463, %parallel_loop3A_461 : vector<16xi1>, vector<16xi32>
      %parallel_loop3A_477 = arith.constant 31 : i32
      %parallel_loop3A_478 = vector.broadcast %parallel_loop3A_477 : i32 to vector<16xi32>
      %parallel_loop3A_479 = arith.constant 31 : i32
      %parallel_loop3A_480 = arith.index_cast %parallel_loop3A_479 : i32 to index
      %parallel_loop3A_481 = arith.index_cast %parallel_loop3A_7 : i32 to index
      %parallel_loop3A_482 = tpu.vector_load %arg4[%parallel_loop3A_480, %parallel_loop3A_481] {strides = array<i32>} : memref<64x512xf32, #tpu.memory_space<vmem>>, vector<1x16xf32>,
      %parallel_loop3A_483 = vector.shape_cast %parallel_loop3A_482 : vector<1x16xf32> to vector<16xf32>
      %parallel_loop3A_484 = arith.cmpf ogt, %parallel_loop3A_483, %parallel_loop3A_475 : vector<16xf32>
      %parallel_loop3A_485 = arith.cmpf ogt, %parallel_loop3A_483, %parallel_loop3A_473 : vector<16xf32>
      %parallel_loop3A_486 = arith.maximumf %parallel_loop3A_473, %parallel_loop3A_483 : vector<16xf32>
      %parallel_loop3A_487 = arith.select %parallel_loop3A_485, %parallel_loop3A_478, %parallel_loop3A_474 : vector<16xi1>, vector<16xi32>
      %parallel_loop3A_488 = arith.select %parallel_loop3A_484, %parallel_loop3A_475, %parallel_loop3A_486 : vector<16xi1>, vector<16xf32>
      %parallel_loop3A_489 = arith.select %parallel_loop3A_484, %parallel_loop3A_476, %parallel_loop3A_487 : vector<16xi1>, vector<16xi32>
      %parallel_loop3A_490 = arith.maximumf %parallel_loop3A_475, %parallel_loop3A_483 : vector<16xf32>
      %parallel_loop3A_491 = arith.select %parallel_loop3A_484, %parallel_loop3A_478, %parallel_loop3A_476 : vector<16xi1>, vector<16xi32>
      %parallel_loop3A_492 = arith.constant 32 : i32
      %parallel_loop3A_493 = vector.broadcast %parallel_loop3A_492 : i32 to vector<16xi32>
      %parallel_loop3A_494 = arith.constant 32 : i32
      %parallel_loop3A_495 = arith.index_cast %parallel_loop3A_494 : i32 to index
      %parallel_loop3A_496 = arith.index_cast %parallel_loop3A_7 : i32 to index
      %parallel_loop3A_497 = tpu.vector_load %arg4[%parallel_loop3A_495, %parallel_loop3A_496] {strides = array<i32>} : memref<64x512xf32, #tpu.memory_space<vmem>>, vector<1x16xf32>,
      %parallel_loop3A_498 = vector.shape_cast %parallel_loop3A_497 : vector<1x16xf32> to vector<16xf32>
      %parallel_loop3A_499 = arith.cmpf ogt, %parallel_loop3A_498, %parallel_loop3A_490 : vector<16xf32>
      %parallel_loop3A_500 = arith.cmpf ogt, %parallel_loop3A_498, %parallel_loop3A_488 : vector<16xf32>
      %parallel_loop3A_501 = arith.maximumf %parallel_loop3A_488, %parallel_loop3A_498 : vector<16xf32>
      %parallel_loop3A_502 = arith.select %parallel_loop3A_500, %parallel_loop3A_493, %parallel_loop3A_489 : vector<16xi1>, vector<16xi32>
      %parallel_loop3A_503 = arith.select %parallel_loop3A_499, %parallel_loop3A_490, %parallel_loop3A_501 : vector<16xi1>, vector<16xf32>
      %parallel_loop3A_504 = arith.select %parallel_loop3A_499, %parallel_loop3A_491, %parallel_loop3A_502 : vector<16xi1>, vector<16xi32>
      %parallel_loop3A_505 = arith.maximumf %parallel_loop3A_490, %parallel_loop3A_498 : vector<16xf32>
      %parallel_loop3A_506 = arith.select %parallel_loop3A_499, %parallel_loop3A_493, %parallel_loop3A_491 : vector<16xi1>, vector<16xi32>
      %parallel_loop3A_507 = arith.constant 33 : i32
      %parallel_loop3A_508 = vector.broadcast %parallel_loop3A_507 : i32 to vector<16xi32>
      %parallel_loop3A_509 = arith.constant 33 : i32
      %parallel_loop3A_510 = arith.index_cast %parallel_loop3A_509 : i32 to index
      %parallel_loop3A_511 = arith.index_cast %parallel_loop3A_7 : i32 to index
      %parallel_loop3A_512 = tpu.vector_load %arg4[%parallel_loop3A_510, %parallel_loop3A_511] {strides = array<i32>} : memref<64x512xf32, #tpu.memory_space<vmem>>, vector<1x16xf32>,
      %parallel_loop3A_513 = vector.shape_cast %parallel_loop3A_512 : vector<1x16xf32> to vector<16xf32>
      %parallel_loop3A_514 = arith.cmpf ogt, %parallel_loop3A_513, %parallel_loop3A_505 : vector<16xf32>
      %parallel_loop3A_515 = arith.cmpf ogt, %parallel_loop3A_513, %parallel_loop3A_503 : vector<16xf32>
      %parallel_loop3A_516 = arith.maximumf %parallel_loop3A_503, %parallel_loop3A_513 : vector<16xf32>
      %parallel_loop3A_517 = arith.select %parallel_loop3A_515, %parallel_loop3A_508, %parallel_loop3A_504 : vector<16xi1>, vector<16xi32>
      %parallel_loop3A_518 = arith.select %parallel_loop3A_514, %parallel_loop3A_505, %parallel_loop3A_516 : vector<16xi1>, vector<16xf32>
      %parallel_loop3A_519 = arith.select %parallel_loop3A_514, %parallel_loop3A_506, %parallel_loop3A_517 : vector<16xi1>, vector<16xi32>
      %parallel_loop3A_520 = arith.maximumf %parallel_loop3A_505, %parallel_loop3A_513 : vector<16xf32>
      %parallel_loop3A_521 = arith.select %parallel_loop3A_514, %parallel_loop3A_508, %parallel_loop3A_506 : vector<16xi1>, vector<16xi32>
      %parallel_loop3A_522 = arith.constant 34 : i32
      %parallel_loop3A_523 = vector.broadcast %parallel_loop3A_522 : i32 to vector<16xi32>
      %parallel_loop3A_524 = arith.constant 34 : i32
      %parallel_loop3A_525 = arith.index_cast %parallel_loop3A_524 : i32 to index
      %parallel_loop3A_526 = arith.index_cast %parallel_loop3A_7 : i32 to index
      %parallel_loop3A_527 = tpu.vector_load %arg4[%parallel_loop3A_525, %parallel_loop3A_526] {strides = array<i32>} : memref<64x512xf32, #tpu.memory_space<vmem>>, vector<1x16xf32>,
      %parallel_loop3A_528 = vector.shape_cast %parallel_loop3A_527 : vector<1x16xf32> to vector<16xf32>
      %parallel_loop3A_529 = arith.cmpf ogt, %parallel_loop3A_528, %parallel_loop3A_520 : vector<16xf32>
      %parallel_loop3A_530 = arith.cmpf ogt, %parallel_loop3A_528, %parallel_loop3A_518 : vector<16xf32>
      %parallel_loop3A_531 = arith.maximumf %parallel_loop3A_518, %parallel_loop3A_528 : vector<16xf32>
      %parallel_loop3A_532 = arith.select %parallel_loop3A_530, %parallel_loop3A_523, %parallel_loop3A_519 : vector<16xi1>, vector<16xi32>
      %parallel_loop3A_533 = arith.select %parallel_loop3A_529, %parallel_loop3A_520, %parallel_loop3A_531 : vector<16xi1>, vector<16xf32>
      %parallel_loop3A_534 = arith.select %parallel_loop3A_529, %parallel_loop3A_521, %parallel_loop3A_532 : vector<16xi1>, vector<16xi32>
      %parallel_loop3A_535 = arith.maximumf %parallel_loop3A_520, %parallel_loop3A_528 : vector<16xf32>
      %parallel_loop3A_536 = arith.select %parallel_loop3A_529, %parallel_loop3A_523, %parallel_loop3A_521 : vector<16xi1>, vector<16xi32>
      %parallel_loop3A_537 = arith.constant 35 : i32
      %parallel_loop3A_538 = vector.broadcast %parallel_loop3A_537 : i32 to vector<16xi32>
      %parallel_loop3A_539 = arith.constant 35 : i32
      %parallel_loop3A_540 = arith.index_cast %parallel_loop3A_539 : i32 to index
      %parallel_loop3A_541 = arith.index_cast %parallel_loop3A_7 : i32 to index
      %parallel_loop3A_542 = tpu.vector_load %arg4[%parallel_loop3A_540, %parallel_loop3A_541] {strides = array<i32>} : memref<64x512xf32, #tpu.memory_space<vmem>>, vector<1x16xf32>,
      %parallel_loop3A_543 = vector.shape_cast %parallel_loop3A_542 : vector<1x16xf32> to vector<16xf32>
      %parallel_loop3A_544 = arith.cmpf ogt, %parallel_loop3A_543, %parallel_loop3A_535 : vector<16xf32>
      %parallel_loop3A_545 = arith.cmpf ogt, %parallel_loop3A_543, %parallel_loop3A_533 : vector<16xf32>
      %parallel_loop3A_546 = arith.maximumf %parallel_loop3A_533, %parallel_loop3A_543 : vector<16xf32>
      %parallel_loop3A_547 = arith.select %parallel_loop3A_545, %parallel_loop3A_538, %parallel_loop3A_534 : vector<16xi1>, vector<16xi32>
      %parallel_loop3A_548 = arith.select %parallel_loop3A_544, %parallel_loop3A_535, %parallel_loop3A_546 : vector<16xi1>, vector<16xf32>
      %parallel_loop3A_549 = arith.select %parallel_loop3A_544, %parallel_loop3A_536, %parallel_loop3A_547 : vector<16xi1>, vector<16xi32>
      %parallel_loop3A_550 = arith.maximumf %parallel_loop3A_535, %parallel_loop3A_543 : vector<16xf32>
      %parallel_loop3A_551 = arith.select %parallel_loop3A_544, %parallel_loop3A_538, %parallel_loop3A_536 : vector<16xi1>, vector<16xi32>
      %parallel_loop3A_552 = arith.constant 36 : i32
      %parallel_loop3A_553 = vector.broadcast %parallel_loop3A_552 : i32 to vector<16xi32>
      %parallel_loop3A_554 = arith.constant 36 : i32
      %parallel_loop3A_555 = arith.index_cast %parallel_loop3A_554 : i32 to index
      %parallel_loop3A_556 = arith.index_cast %parallel_loop3A_7 : i32 to index
      %parallel_loop3A_557 = tpu.vector_load %arg4[%parallel_loop3A_555, %parallel_loop3A_556] {strides = array<i32>} : memref<64x512xf32, #tpu.memory_space<vmem>>, vector<1x16xf32>,
      %parallel_loop3A_558 = vector.shape_cast %parallel_loop3A_557 : vector<1x16xf32> to vector<16xf32>
      %parallel_loop3A_559 = arith.cmpf ogt, %parallel_loop3A_558, %parallel_loop3A_550 : vector<16xf32>
      %parallel_loop3A_560 = arith.cmpf ogt, %parallel_loop3A_558, %parallel_loop3A_548 : vector<16xf32>
      %parallel_loop3A_561 = arith.maximumf %parallel_loop3A_548, %parallel_loop3A_558 : vector<16xf32>
      %parallel_loop3A_562 = arith.select %parallel_loop3A_560, %parallel_loop3A_553, %parallel_loop3A_549 : vector<16xi1>, vector<16xi32>
      %parallel_loop3A_563 = arith.select %parallel_loop3A_559, %parallel_loop3A_550, %parallel_loop3A_561 : vector<16xi1>, vector<16xf32>
      %parallel_loop3A_564 = arith.select %parallel_loop3A_559, %parallel_loop3A_551, %parallel_loop3A_562 : vector<16xi1>, vector<16xi32>
      %parallel_loop3A_565 = arith.maximumf %parallel_loop3A_550, %parallel_loop3A_558 : vector<16xf32>
      %parallel_loop3A_566 = arith.select %parallel_loop3A_559, %parallel_loop3A_553, %parallel_loop3A_551 : vector<16xi1>, vector<16xi32>
      %parallel_loop3A_567 = arith.constant 37 : i32
      %parallel_loop3A_568 = vector.broadcast %parallel_loop3A_567 : i32 to vector<16xi32>
      %parallel_loop3A_569 = arith.constant 37 : i32
      %parallel_loop3A_570 = arith.index_cast %parallel_loop3A_569 : i32 to index
      %parallel_loop3A_571 = arith.index_cast %parallel_loop3A_7 : i32 to index
      %parallel_loop3A_572 = tpu.vector_load %arg4[%parallel_loop3A_570, %parallel_loop3A_571] {strides = array<i32>} : memref<64x512xf32, #tpu.memory_space<vmem>>, vector<1x16xf32>,
      %parallel_loop3A_573 = vector.shape_cast %parallel_loop3A_572 : vector<1x16xf32> to vector<16xf32>
      %parallel_loop3A_574 = arith.cmpf ogt, %parallel_loop3A_573, %parallel_loop3A_565 : vector<16xf32>
      %parallel_loop3A_575 = arith.cmpf ogt, %parallel_loop3A_573, %parallel_loop3A_563 : vector<16xf32>
      %parallel_loop3A_576 = arith.maximumf %parallel_loop3A_563, %parallel_loop3A_573 : vector<16xf32>
      %parallel_loop3A_577 = arith.select %parallel_loop3A_575, %parallel_loop3A_568, %parallel_loop3A_564 : vector<16xi1>, vector<16xi32>
      %parallel_loop3A_578 = arith.select %parallel_loop3A_574, %parallel_loop3A_565, %parallel_loop3A_576 : vector<16xi1>, vector<16xf32>
      %parallel_loop3A_579 = arith.select %parallel_loop3A_574, %parallel_loop3A_566, %parallel_loop3A_577 : vector<16xi1>, vector<16xi32>
      %parallel_loop3A_580 = arith.maximumf %parallel_loop3A_565, %parallel_loop3A_573 : vector<16xf32>
      %parallel_loop3A_581 = arith.select %parallel_loop3A_574, %parallel_loop3A_568, %parallel_loop3A_566 : vector<16xi1>, vector<16xi32>
      %parallel_loop3A_582 = arith.constant 38 : i32
      %parallel_loop3A_583 = vector.broadcast %parallel_loop3A_582 : i32 to vector<16xi32>
      %parallel_loop3A_584 = arith.constant 38 : i32
      %parallel_loop3A_585 = arith.index_cast %parallel_loop3A_584 : i32 to index
      %parallel_loop3A_586 = arith.index_cast %parallel_loop3A_7 : i32 to index
      %parallel_loop3A_587 = tpu.vector_load %arg4[%parallel_loop3A_585, %parallel_loop3A_586] {strides = array<i32>} : memref<64x512xf32, #tpu.memory_space<vmem>>, vector<1x16xf32>,
      %parallel_loop3A_588 = vector.shape_cast %parallel_loop3A_587 : vector<1x16xf32> to vector<16xf32>
      %parallel_loop3A_589 = arith.cmpf ogt, %parallel_loop3A_588, %parallel_loop3A_580 : vector<16xf32>
      %parallel_loop3A_590 = arith.cmpf ogt, %parallel_loop3A_588, %parallel_loop3A_578 : vector<16xf32>
      %parallel_loop3A_591 = arith.maximumf %parallel_loop3A_578, %parallel_loop3A_588 : vector<16xf32>
      %parallel_loop3A_592 = arith.select %parallel_loop3A_590, %parallel_loop3A_583, %parallel_loop3A_579 : vector<16xi1>, vector<16xi32>
      %parallel_loop3A_593 = arith.select %parallel_loop3A_589, %parallel_loop3A_580, %parallel_loop3A_591 : vector<16xi1>, vector<16xf32>
      %parallel_loop3A_594 = arith.select %parallel_loop3A_589, %parallel_loop3A_581, %parallel_loop3A_592 : vector<16xi1>, vector<16xi32>
      %parallel_loop3A_595 = arith.maximumf %parallel_loop3A_580, %parallel_loop3A_588 : vector<16xf32>
      %parallel_loop3A_596 = arith.select %parallel_loop3A_589, %parallel_loop3A_583, %parallel_loop3A_581 : vector<16xi1>, vector<16xi32>
      %parallel_loop3A_597 = arith.constant 39 : i32
      %parallel_loop3A_598 = vector.broadcast %parallel_loop3A_597 : i32 to vector<16xi32>
      %parallel_loop3A_599 = arith.constant 39 : i32
      %parallel_loop3A_600 = arith.index_cast %parallel_loop3A_599 : i32 to index
      %parallel_loop3A_601 = arith.index_cast %parallel_loop3A_7 : i32 to index
      %parallel_loop3A_602 = tpu.vector_load %arg4[%parallel_loop3A_600, %parallel_loop3A_601] {strides = array<i32>} : memref<64x512xf32, #tpu.memory_space<vmem>>, vector<1x16xf32>,
      %parallel_loop3A_603 = vector.shape_cast %parallel_loop3A_602 : vector<1x16xf32> to vector<16xf32>
      %parallel_loop3A_604 = arith.cmpf ogt, %parallel_loop3A_603, %parallel_loop3A_595 : vector<16xf32>
      %parallel_loop3A_605 = arith.cmpf ogt, %parallel_loop3A_603, %parallel_loop3A_593 : vector<16xf32>
      %parallel_loop3A_606 = arith.maximumf %parallel_loop3A_593, %parallel_loop3A_603 : vector<16xf32>
      %parallel_loop3A_607 = arith.select %parallel_loop3A_605, %parallel_loop3A_598, %parallel_loop3A_594 : vector<16xi1>, vector<16xi32>
      %parallel_loop3A_608 = arith.select %parallel_loop3A_604, %parallel_loop3A_595, %parallel_loop3A_606 : vector<16xi1>, vector<16xf32>
      %parallel_loop3A_609 = arith.select %parallel_loop3A_604, %parallel_loop3A_596, %parallel_loop3A_607 : vector<16xi1>, vector<16xi32>
      %parallel_loop3A_610 = arith.maximumf %parallel_loop3A_595, %parallel_loop3A_603 : vector<16xf32>
      %parallel_loop3A_611 = arith.select %parallel_loop3A_604, %parallel_loop3A_598, %parallel_loop3A_596 : vector<16xi1>, vector<16xi32>
      %parallel_loop3A_612 = arith.constant 40 : i32
      %parallel_loop3A_613 = vector.broadcast %parallel_loop3A_612 : i32 to vector<16xi32>
      %parallel_loop3A_614 = arith.constant 40 : i32
      %parallel_loop3A_615 = arith.index_cast %parallel_loop3A_614 : i32 to index
      %parallel_loop3A_616 = arith.index_cast %parallel_loop3A_7 : i32 to index
      %parallel_loop3A_617 = tpu.vector_load %arg4[%parallel_loop3A_615, %parallel_loop3A_616] {strides = array<i32>} : memref<64x512xf32, #tpu.memory_space<vmem>>, vector<1x16xf32>,
      %parallel_loop3A_618 = vector.shape_cast %parallel_loop3A_617 : vector<1x16xf32> to vector<16xf32>
      %parallel_loop3A_619 = arith.cmpf ogt, %parallel_loop3A_618, %parallel_loop3A_610 : vector<16xf32>
      %parallel_loop3A_620 = arith.cmpf ogt, %parallel_loop3A_618, %parallel_loop3A_608 : vector<16xf32>
      %parallel_loop3A_621 = arith.maximumf %parallel_loop3A_608, %parallel_loop3A_618 : vector<16xf32>
      %parallel_loop3A_622 = arith.select %parallel_loop3A_620, %parallel_loop3A_613, %parallel_loop3A_609 : vector<16xi1>, vector<16xi32>
      %parallel_loop3A_623 = arith.select %parallel_loop3A_619, %parallel_loop3A_610, %parallel_loop3A_621 : vector<16xi1>, vector<16xf32>
      %parallel_loop3A_624 = arith.select %parallel_loop3A_619, %parallel_loop3A_611, %parallel_loop3A_622 : vector<16xi1>, vector<16xi32>
      %parallel_loop3A_625 = arith.maximumf %parallel_loop3A_610, %parallel_loop3A_618 : vector<16xf32>
      %parallel_loop3A_626 = arith.select %parallel_loop3A_619, %parallel_loop3A_613, %parallel_loop3A_611 : vector<16xi1>, vector<16xi32>
      %parallel_loop3A_627 = arith.constant 41 : i32
      %parallel_loop3A_628 = vector.broadcast %parallel_loop3A_627 : i32 to vector<16xi32>
      %parallel_loop3A_629 = arith.constant 41 : i32
      %parallel_loop3A_630 = arith.index_cast %parallel_loop3A_629 : i32 to index
      %parallel_loop3A_631 = arith.index_cast %parallel_loop3A_7 : i32 to index
      %parallel_loop3A_632 = tpu.vector_load %arg4[%parallel_loop3A_630, %parallel_loop3A_631] {strides = array<i32>} : memref<64x512xf32, #tpu.memory_space<vmem>>, vector<1x16xf32>,
      %parallel_loop3A_633 = vector.shape_cast %parallel_loop3A_632 : vector<1x16xf32> to vector<16xf32>
      %parallel_loop3A_634 = arith.cmpf ogt, %parallel_loop3A_633, %parallel_loop3A_625 : vector<16xf32>
      %parallel_loop3A_635 = arith.cmpf ogt, %parallel_loop3A_633, %parallel_loop3A_623 : vector<16xf32>
      %parallel_loop3A_636 = arith.maximumf %parallel_loop3A_623, %parallel_loop3A_633 : vector<16xf32>
      %parallel_loop3A_637 = arith.select %parallel_loop3A_635, %parallel_loop3A_628, %parallel_loop3A_624 : vector<16xi1>, vector<16xi32>
      %parallel_loop3A_638 = arith.select %parallel_loop3A_634, %parallel_loop3A_625, %parallel_loop3A_636 : vector<16xi1>, vector<16xf32>
      %parallel_loop3A_639 = arith.select %parallel_loop3A_634, %parallel_loop3A_626, %parallel_loop3A_637 : vector<16xi1>, vector<16xi32>
      %parallel_loop3A_640 = arith.maximumf %parallel_loop3A_625, %parallel_loop3A_633 : vector<16xf32>
      %parallel_loop3A_641 = arith.select %parallel_loop3A_634, %parallel_loop3A_628, %parallel_loop3A_626 : vector<16xi1>, vector<16xi32>
      %parallel_loop3A_642 = arith.constant 42 : i32
      %parallel_loop3A_643 = vector.broadcast %parallel_loop3A_642 : i32 to vector<16xi32>
      %parallel_loop3A_644 = arith.constant 42 : i32
      %parallel_loop3A_645 = arith.index_cast %parallel_loop3A_644 : i32 to index
      %parallel_loop3A_646 = arith.index_cast %parallel_loop3A_7 : i32 to index
      %parallel_loop3A_647 = tpu.vector_load %arg4[%parallel_loop3A_645, %parallel_loop3A_646] {strides = array<i32>} : memref<64x512xf32, #tpu.memory_space<vmem>>, vector<1x16xf32>,
      %parallel_loop3A_648 = vector.shape_cast %parallel_loop3A_647 : vector<1x16xf32> to vector<16xf32>
      %parallel_loop3A_649 = arith.cmpf ogt, %parallel_loop3A_648, %parallel_loop3A_640 : vector<16xf32>
      %parallel_loop3A_650 = arith.cmpf ogt, %parallel_loop3A_648, %parallel_loop3A_638 : vector<16xf32>
      %parallel_loop3A_651 = arith.maximumf %parallel_loop3A_638, %parallel_loop3A_648 : vector<16xf32>
      %parallel_loop3A_652 = arith.select %parallel_loop3A_650, %parallel_loop3A_643, %parallel_loop3A_639 : vector<16xi1>, vector<16xi32>
      %parallel_loop3A_653 = arith.select %parallel_loop3A_649, %parallel_loop3A_640, %parallel_loop3A_651 : vector<16xi1>, vector<16xf32>
      %parallel_loop3A_654 = arith.select %parallel_loop3A_649, %parallel_loop3A_641, %parallel_loop3A_652 : vector<16xi1>, vector<16xi32>
      %parallel_loop3A_655 = arith.maximumf %parallel_loop3A_640, %parallel_loop3A_648 : vector<16xf32>
      %parallel_loop3A_656 = arith.select %parallel_loop3A_649, %parallel_loop3A_643, %parallel_loop3A_641 : vector<16xi1>, vector<16xi32>
      %parallel_loop3A_657 = arith.constant 43 : i32
      %parallel_loop3A_658 = vector.broadcast %parallel_loop3A_657 : i32 to vector<16xi32>
      %parallel_loop3A_659 = arith.constant 43 : i32
      %parallel_loop3A_660 = arith.index_cast %parallel_loop3A_659 : i32 to index
      %parallel_loop3A_661 = arith.index_cast %parallel_loop3A_7 : i32 to index
      %parallel_loop3A_662 = tpu.vector_load %arg4[%parallel_loop3A_660, %parallel_loop3A_661] {strides = array<i32>} : memref<64x512xf32, #tpu.memory_space<vmem>>, vector<1x16xf32>,
      %parallel_loop3A_663 = vector.shape_cast %parallel_loop3A_662 : vector<1x16xf32> to vector<16xf32>
      %parallel_loop3A_664 = arith.cmpf ogt, %parallel_loop3A_663, %parallel_loop3A_655 : vector<16xf32>
      %parallel_loop3A_665 = arith.cmpf ogt, %parallel_loop3A_663, %parallel_loop3A_653 : vector<16xf32>
      %parallel_loop3A_666 = arith.maximumf %parallel_loop3A_653, %parallel_loop3A_663 : vector<16xf32>
      %parallel_loop3A_667 = arith.select %parallel_loop3A_665, %parallel_loop3A_658, %parallel_loop3A_654 : vector<16xi1>, vector<16xi32>
      %parallel_loop3A_668 = arith.select %parallel_loop3A_664, %parallel_loop3A_655, %parallel_loop3A_666 : vector<16xi1>, vector<16xf32>
      %parallel_loop3A_669 = arith.select %parallel_loop3A_664, %parallel_loop3A_656, %parallel_loop3A_667 : vector<16xi1>, vector<16xi32>
      %parallel_loop3A_670 = arith.maximumf %parallel_loop3A_655, %parallel_loop3A_663 : vector<16xf32>
      %parallel_loop3A_671 = arith.select %parallel_loop3A_664, %parallel_loop3A_658, %parallel_loop3A_656 : vector<16xi1>, vector<16xi32>
      %parallel_loop3A_672 = arith.constant 44 : i32
      %parallel_loop3A_673 = vector.broadcast %parallel_loop3A_672 : i32 to vector<16xi32>
      %parallel_loop3A_674 = arith.constant 44 : i32
      %parallel_loop3A_675 = arith.index_cast %parallel_loop3A_674 : i32 to index
      %parallel_loop3A_676 = arith.index_cast %parallel_loop3A_7 : i32 to index
      %parallel_loop3A_677 = tpu.vector_load %arg4[%parallel_loop3A_675, %parallel_loop3A_676] {strides = array<i32>} : memref<64x512xf32, #tpu.memory_space<vmem>>, vector<1x16xf32>,
      %parallel_loop3A_678 = vector.shape_cast %parallel_loop3A_677 : vector<1x16xf32> to vector<16xf32>
      %parallel_loop3A_679 = arith.cmpf ogt, %parallel_loop3A_678, %parallel_loop3A_670 : vector<16xf32>
      %parallel_loop3A_680 = arith.cmpf ogt, %parallel_loop3A_678, %parallel_loop3A_668 : vector<16xf32>
      %parallel_loop3A_681 = arith.maximumf %parallel_loop3A_668, %parallel_loop3A_678 : vector<16xf32>
      %parallel_loop3A_682 = arith.select %parallel_loop3A_680, %parallel_loop3A_673, %parallel_loop3A_669 : vector<16xi1>, vector<16xi32>
      %parallel_loop3A_683 = arith.select %parallel_loop3A_679, %parallel_loop3A_670, %parallel_loop3A_681 : vector<16xi1>, vector<16xf32>
      %parallel_loop3A_684 = arith.select %parallel_loop3A_679, %parallel_loop3A_671, %parallel_loop3A_682 : vector<16xi1>, vector<16xi32>
      %parallel_loop3A_685 = arith.maximumf %parallel_loop3A_670, %parallel_loop3A_678 : vector<16xf32>
      %parallel_loop3A_686 = arith.select %parallel_loop3A_679, %parallel_loop3A_673, %parallel_loop3A_671 : vector<16xi1>, vector<16xi32>
      %parallel_loop3A_687 = arith.constant 45 : i32
      %parallel_loop3A_688 = vector.broadcast %parallel_loop3A_687 : i32 to vector<16xi32>
      %parallel_loop3A_689 = arith.constant 45 : i32
      %parallel_loop3A_690 = arith.index_cast %parallel_loop3A_689 : i32 to index
      %parallel_loop3A_691 = arith.index_cast %parallel_loop3A_7 : i32 to index
      %parallel_loop3A_692 = tpu.vector_load %arg4[%parallel_loop3A_690, %parallel_loop3A_691] {strides = array<i32>} : memref<64x512xf32, #tpu.memory_space<vmem>>, vector<1x16xf32>,
      %parallel_loop3A_693 = vector.shape_cast %parallel_loop3A_692 : vector<1x16xf32> to vector<16xf32>
      %parallel_loop3A_694 = arith.cmpf ogt, %parallel_loop3A_693, %parallel_loop3A_685 : vector<16xf32>
      %parallel_loop3A_695 = arith.cmpf ogt, %parallel_loop3A_693, %parallel_loop3A_683 : vector<16xf32>
      %parallel_loop3A_696 = arith.maximumf %parallel_loop3A_683, %parallel_loop3A_693 : vector<16xf32>
      %parallel_loop3A_697 = arith.select %parallel_loop3A_695, %parallel_loop3A_688, %parallel_loop3A_684 : vector<16xi1>, vector<16xi32>
      %parallel_loop3A_698 = arith.select %parallel_loop3A_694, %parallel_loop3A_685, %parallel_loop3A_696 : vector<16xi1>, vector<16xf32>
      %parallel_loop3A_699 = arith.select %parallel_loop3A_694, %parallel_loop3A_686, %parallel_loop3A_697 : vector<16xi1>, vector<16xi32>
      %parallel_loop3A_700 = arith.maximumf %parallel_loop3A_685, %parallel_loop3A_693 : vector<16xf32>
      %parallel_loop3A_701 = arith.select %parallel_loop3A_694, %parallel_loop3A_688, %parallel_loop3A_686 : vector<16xi1>, vector<16xi32>
      %parallel_loop3A_702 = arith.constant 46 : i32
      %parallel_loop3A_703 = vector.broadcast %parallel_loop3A_702 : i32 to vector<16xi32>
      %parallel_loop3A_704 = arith.constant 46 : i32
      %parallel_loop3A_705 = arith.index_cast %parallel_loop3A_704 : i32 to index
      %parallel_loop3A_706 = arith.index_cast %parallel_loop3A_7 : i32 to index
      %parallel_loop3A_707 = tpu.vector_load %arg4[%parallel_loop3A_705, %parallel_loop3A_706] {strides = array<i32>} : memref<64x512xf32, #tpu.memory_space<vmem>>, vector<1x16xf32>,
      %parallel_loop3A_708 = vector.shape_cast %parallel_loop3A_707 : vector<1x16xf32> to vector<16xf32>
      %parallel_loop3A_709 = arith.cmpf ogt, %parallel_loop3A_708, %parallel_loop3A_700 : vector<16xf32>
      %parallel_loop3A_710 = arith.cmpf ogt, %parallel_loop3A_708, %parallel_loop3A_698 : vector<16xf32>
      %parallel_loop3A_711 = arith.maximumf %parallel_loop3A_698, %parallel_loop3A_708 : vector<16xf32>
      %parallel_loop3A_712 = arith.select %parallel_loop3A_710, %parallel_loop3A_703, %parallel_loop3A_699 : vector<16xi1>, vector<16xi32>
      %parallel_loop3A_713 = arith.select %parallel_loop3A_709, %parallel_loop3A_700, %parallel_loop3A_711 : vector<16xi1>, vector<16xf32>
      %parallel_loop3A_714 = arith.select %parallel_loop3A_709, %parallel_loop3A_701, %parallel_loop3A_712 : vector<16xi1>, vector<16xi32>
      %parallel_loop3A_715 = arith.maximumf %parallel_loop3A_700, %parallel_loop3A_708 : vector<16xf32>
      %parallel_loop3A_716 = arith.select %parallel_loop3A_709, %parallel_loop3A_703, %parallel_loop3A_701 : vector<16xi1>, vector<16xi32>
      %parallel_loop3A_717 = arith.constant 47 : i32
      %parallel_loop3A_718 = vector.broadcast %parallel_loop3A_717 : i32 to vector<16xi32>
      %parallel_loop3A_719 = arith.constant 47 : i32
      %parallel_loop3A_720 = arith.index_cast %parallel_loop3A_719 : i32 to index
      %parallel_loop3A_721 = arith.index_cast %parallel_loop3A_7 : i32 to index
      %parallel_loop3A_722 = tpu.vector_load %arg4[%parallel_loop3A_720, %parallel_loop3A_721] {strides = array<i32>} : memref<64x512xf32, #tpu.memory_space<vmem>>, vector<1x16xf32>,
      %parallel_loop3A_723 = vector.shape_cast %parallel_loop3A_722 : vector<1x16xf32> to vector<16xf32>
      %parallel_loop3A_724 = arith.cmpf ogt, %parallel_loop3A_723, %parallel_loop3A_715 : vector<16xf32>
      %parallel_loop3A_725 = arith.cmpf ogt, %parallel_loop3A_723, %parallel_loop3A_713 : vector<16xf32>
      %parallel_loop3A_726 = arith.maximumf %parallel_loop3A_713, %parallel_loop3A_723 : vector<16xf32>
      %parallel_loop3A_727 = arith.select %parallel_loop3A_725, %parallel_loop3A_718, %parallel_loop3A_714 : vector<16xi1>, vector<16xi32>
      %parallel_loop3A_728 = arith.select %parallel_loop3A_724, %parallel_loop3A_715, %parallel_loop3A_726 : vector<16xi1>, vector<16xf32>
      %parallel_loop3A_729 = arith.select %parallel_loop3A_724, %parallel_loop3A_716, %parallel_loop3A_727 : vector<16xi1>, vector<16xi32>
      %parallel_loop3A_730 = arith.maximumf %parallel_loop3A_715, %parallel_loop3A_723 : vector<16xf32>
      %parallel_loop3A_731 = arith.select %parallel_loop3A_724, %parallel_loop3A_718, %parallel_loop3A_716 : vector<16xi1>, vector<16xi32>
      %parallel_loop3A_732 = arith.constant 48 : i32
      %parallel_loop3A_733 = vector.broadcast %parallel_loop3A_732 : i32 to vector<16xi32>
      %parallel_loop3A_734 = arith.constant 48 : i32
      %parallel_loop3A_735 = arith.index_cast %parallel_loop3A_734 : i32 to index
      %parallel_loop3A_736 = arith.index_cast %parallel_loop3A_7 : i32 to index
      %parallel_loop3A_737 = tpu.vector_load %arg4[%parallel_loop3A_735, %parallel_loop3A_736] {strides = array<i32>} : memref<64x512xf32, #tpu.memory_space<vmem>>, vector<1x16xf32>,
      %parallel_loop3A_738 = vector.shape_cast %parallel_loop3A_737 : vector<1x16xf32> to vector<16xf32>
      %parallel_loop3A_739 = arith.cmpf ogt, %parallel_loop3A_738, %parallel_loop3A_730 : vector<16xf32>
      %parallel_loop3A_740 = arith.cmpf ogt, %parallel_loop3A_738, %parallel_loop3A_728 : vector<16xf32>
      %parallel_loop3A_741 = arith.maximumf %parallel_loop3A_728, %parallel_loop3A_738 : vector<16xf32>
      %parallel_loop3A_742 = arith.select %parallel_loop3A_740, %parallel_loop3A_733, %parallel_loop3A_729 : vector<16xi1>, vector<16xi32>
      %parallel_loop3A_743 = arith.select %parallel_loop3A_739, %parallel_loop3A_730, %parallel_loop3A_741 : vector<16xi1>, vector<16xf32>
      %parallel_loop3A_744 = arith.select %parallel_loop3A_739, %parallel_loop3A_731, %parallel_loop3A_742 : vector<16xi1>, vector<16xi32>
      %parallel_loop3A_745 = arith.maximumf %parallel_loop3A_730, %parallel_loop3A_738 : vector<16xf32>
      %parallel_loop3A_746 = arith.select %parallel_loop3A_739, %parallel_loop3A_733, %parallel_loop3A_731 : vector<16xi1>, vector<16xi32>
      %parallel_loop3A_747 = arith.constant 49 : i32
      %parallel_loop3A_748 = vector.broadcast %parallel_loop3A_747 : i32 to vector<16xi32>
      %parallel_loop3A_749 = arith.constant 49 : i32
      %parallel_loop3A_750 = arith.index_cast %parallel_loop3A_749 : i32 to index
      %parallel_loop3A_751 = arith.index_cast %parallel_loop3A_7 : i32 to index
      %parallel_loop3A_752 = tpu.vector_load %arg4[%parallel_loop3A_750, %parallel_loop3A_751] {strides = array<i32>} : memref<64x512xf32, #tpu.memory_space<vmem>>, vector<1x16xf32>,
      %parallel_loop3A_753 = vector.shape_cast %parallel_loop3A_752 : vector<1x16xf32> to vector<16xf32>
      %parallel_loop3A_754 = arith.cmpf ogt, %parallel_loop3A_753, %parallel_loop3A_745 : vector<16xf32>
      %parallel_loop3A_755 = arith.cmpf ogt, %parallel_loop3A_753, %parallel_loop3A_743 : vector<16xf32>
      %parallel_loop3A_756 = arith.maximumf %parallel_loop3A_743, %parallel_loop3A_753 : vector<16xf32>
      %parallel_loop3A_757 = arith.select %parallel_loop3A_755, %parallel_loop3A_748, %parallel_loop3A_744 : vector<16xi1>, vector<16xi32>
      %parallel_loop3A_758 = arith.select %parallel_loop3A_754, %parallel_loop3A_745, %parallel_loop3A_756 : vector<16xi1>, vector<16xf32>
      %parallel_loop3A_759 = arith.select %parallel_loop3A_754, %parallel_loop3A_746, %parallel_loop3A_757 : vector<16xi1>, vector<16xi32>
      %parallel_loop3A_760 = arith.maximumf %parallel_loop3A_745, %parallel_loop3A_753 : vector<16xf32>
      %parallel_loop3A_761 = arith.select %parallel_loop3A_754, %parallel_loop3A_748, %parallel_loop3A_746 : vector<16xi1>, vector<16xi32>
      %parallel_loop3A_762 = arith.constant 50 : i32
      %parallel_loop3A_763 = vector.broadcast %parallel_loop3A_762 : i32 to vector<16xi32>
      %parallel_loop3A_764 = arith.constant 50 : i32
      %parallel_loop3A_765 = arith.index_cast %parallel_loop3A_764 : i32 to index
      %parallel_loop3A_766 = arith.index_cast %parallel_loop3A_7 : i32 to index
      %parallel_loop3A_767 = tpu.vector_load %arg4[%parallel_loop3A_765, %parallel_loop3A_766] {strides = array<i32>} : memref<64x512xf32, #tpu.memory_space<vmem>>, vector<1x16xf32>,
      %parallel_loop3A_768 = vector.shape_cast %parallel_loop3A_767 : vector<1x16xf32> to vector<16xf32>
      %parallel_loop3A_769 = arith.cmpf ogt, %parallel_loop3A_768, %parallel_loop3A_760 : vector<16xf32>
      %parallel_loop3A_770 = arith.cmpf ogt, %parallel_loop3A_768, %parallel_loop3A_758 : vector<16xf32>
      %parallel_loop3A_771 = arith.maximumf %parallel_loop3A_758, %parallel_loop3A_768 : vector<16xf32>
      %parallel_loop3A_772 = arith.select %parallel_loop3A_770, %parallel_loop3A_763, %parallel_loop3A_759 : vector<16xi1>, vector<16xi32>
      %parallel_loop3A_773 = arith.select %parallel_loop3A_769, %parallel_loop3A_760, %parallel_loop3A_771 : vector<16xi1>, vector<16xf32>
      %parallel_loop3A_774 = arith.select %parallel_loop3A_769, %parallel_loop3A_761, %parallel_loop3A_772 : vector<16xi1>, vector<16xi32>
      %parallel_loop3A_775 = arith.maximumf %parallel_loop3A_760, %parallel_loop3A_768 : vector<16xf32>
      %parallel_loop3A_776 = arith.select %parallel_loop3A_769, %parallel_loop3A_763, %parallel_loop3A_761 : vector<16xi1>, vector<16xi32>
      %parallel_loop3A_777 = arith.constant 51 : i32
      %parallel_loop3A_778 = vector.broadcast %parallel_loop3A_777 : i32 to vector<16xi32>
      %parallel_loop3A_779 = arith.constant 51 : i32
      %parallel_loop3A_780 = arith.index_cast %parallel_loop3A_779 : i32 to index
      %parallel_loop3A_781 = arith.index_cast %parallel_loop3A_7 : i32 to index
      %parallel_loop3A_782 = tpu.vector_load %arg4[%parallel_loop3A_780, %parallel_loop3A_781] {strides = array<i32>} : memref<64x512xf32, #tpu.memory_space<vmem>>, vector<1x16xf32>,
      %parallel_loop3A_783 = vector.shape_cast %parallel_loop3A_782 : vector<1x16xf32> to vector<16xf32>
      %parallel_loop3A_784 = arith.cmpf ogt, %parallel_loop3A_783, %parallel_loop3A_775 : vector<16xf32>
      %parallel_loop3A_785 = arith.cmpf ogt, %parallel_loop3A_783, %parallel_loop3A_773 : vector<16xf32>
      %parallel_loop3A_786 = arith.maximumf %parallel_loop3A_773, %parallel_loop3A_783 : vector<16xf32>
      %parallel_loop3A_787 = arith.select %parallel_loop3A_785, %parallel_loop3A_778, %parallel_loop3A_774 : vector<16xi1>, vector<16xi32>
      %parallel_loop3A_788 = arith.select %parallel_loop3A_784, %parallel_loop3A_775, %parallel_loop3A_786 : vector<16xi1>, vector<16xf32>
      %parallel_loop3A_789 = arith.select %parallel_loop3A_784, %parallel_loop3A_776, %parallel_loop3A_787 : vector<16xi1>, vector<16xi32>
      %parallel_loop3A_790 = arith.maximumf %parallel_loop3A_775, %parallel_loop3A_783 : vector<16xf32>
      %parallel_loop3A_791 = arith.select %parallel_loop3A_784, %parallel_loop3A_778, %parallel_loop3A_776 : vector<16xi1>, vector<16xi32>
      %parallel_loop3A_792 = arith.constant 52 : i32
      %parallel_loop3A_793 = vector.broadcast %parallel_loop3A_792 : i32 to vector<16xi32>
      %parallel_loop3A_794 = arith.constant 52 : i32
      %parallel_loop3A_795 = arith.index_cast %parallel_loop3A_794 : i32 to index
      %parallel_loop3A_796 = arith.index_cast %parallel_loop3A_7 : i32 to index
      %parallel_loop3A_797 = tpu.vector_load %arg4[%parallel_loop3A_795, %parallel_loop3A_796] {strides = array<i32>} : memref<64x512xf32, #tpu.memory_space<vmem>>, vector<1x16xf32>,
      %parallel_loop3A_798 = vector.shape_cast %parallel_loop3A_797 : vector<1x16xf32> to vector<16xf32>
      %parallel_loop3A_799 = arith.cmpf ogt, %parallel_loop3A_798, %parallel_loop3A_790 : vector<16xf32>
      %parallel_loop3A_800 = arith.cmpf ogt, %parallel_loop3A_798, %parallel_loop3A_788 : vector<16xf32>
      %parallel_loop3A_801 = arith.maximumf %parallel_loop3A_788, %parallel_loop3A_798 : vector<16xf32>
      %parallel_loop3A_802 = arith.select %parallel_loop3A_800, %parallel_loop3A_793, %parallel_loop3A_789 : vector<16xi1>, vector<16xi32>
      %parallel_loop3A_803 = arith.select %parallel_loop3A_799, %parallel_loop3A_790, %parallel_loop3A_801 : vector<16xi1>, vector<16xf32>
      %parallel_loop3A_804 = arith.select %parallel_loop3A_799, %parallel_loop3A_791, %parallel_loop3A_802 : vector<16xi1>, vector<16xi32>
      %parallel_loop3A_805 = arith.maximumf %parallel_loop3A_790, %parallel_loop3A_798 : vector<16xf32>
      %parallel_loop3A_806 = arith.select %parallel_loop3A_799, %parallel_loop3A_793, %parallel_loop3A_791 : vector<16xi1>, vector<16xi32>
      %parallel_loop3A_807 = arith.constant 53 : i32
      %parallel_loop3A_808 = vector.broadcast %parallel_loop3A_807 : i32 to vector<16xi32>
      %parallel_loop3A_809 = arith.constant 53 : i32
      %parallel_loop3A_810 = arith.index_cast %parallel_loop3A_809 : i32 to index
      %parallel_loop3A_811 = arith.index_cast %parallel_loop3A_7 : i32 to index
      %parallel_loop3A_812 = tpu.vector_load %arg4[%parallel_loop3A_810, %parallel_loop3A_811] {strides = array<i32>} : memref<64x512xf32, #tpu.memory_space<vmem>>, vector<1x16xf32>,
      %parallel_loop3A_813 = vector.shape_cast %parallel_loop3A_812 : vector<1x16xf32> to vector<16xf32>
      %parallel_loop3A_814 = arith.cmpf ogt, %parallel_loop3A_813, %parallel_loop3A_805 : vector<16xf32>
      %parallel_loop3A_815 = arith.cmpf ogt, %parallel_loop3A_813, %parallel_loop3A_803 : vector<16xf32>
      %parallel_loop3A_816 = arith.maximumf %parallel_loop3A_803, %parallel_loop3A_813 : vector<16xf32>
      %parallel_loop3A_817 = arith.select %parallel_loop3A_815, %parallel_loop3A_808, %parallel_loop3A_804 : vector<16xi1>, vector<16xi32>
      %parallel_loop3A_818 = arith.select %parallel_loop3A_814, %parallel_loop3A_805, %parallel_loop3A_816 : vector<16xi1>, vector<16xf32>
      %parallel_loop3A_819 = arith.select %parallel_loop3A_814, %parallel_loop3A_806, %parallel_loop3A_817 : vector<16xi1>, vector<16xi32>
      %parallel_loop3A_820 = arith.maximumf %parallel_loop3A_805, %parallel_loop3A_813 : vector<16xf32>
      %parallel_loop3A_821 = arith.select %parallel_loop3A_814, %parallel_loop3A_808, %parallel_loop3A_806 : vector<16xi1>, vector<16xi32>
      %parallel_loop3A_822 = arith.constant 54 : i32
      %parallel_loop3A_823 = vector.broadcast %parallel_loop3A_822 : i32 to vector<16xi32>
      %parallel_loop3A_824 = arith.constant 54 : i32
      %parallel_loop3A_825 = arith.index_cast %parallel_loop3A_824 : i32 to index
      %parallel_loop3A_826 = arith.index_cast %parallel_loop3A_7 : i32 to index
      %parallel_loop3A_827 = tpu.vector_load %arg4[%parallel_loop3A_825, %parallel_loop3A_826] {strides = array<i32>} : memref<64x512xf32, #tpu.memory_space<vmem>>, vector<1x16xf32>,
      %parallel_loop3A_828 = vector.shape_cast %parallel_loop3A_827 : vector<1x16xf32> to vector<16xf32>
      %parallel_loop3A_829 = arith.cmpf ogt, %parallel_loop3A_828, %parallel_loop3A_820 : vector<16xf32>
      %parallel_loop3A_830 = arith.cmpf ogt, %parallel_loop3A_828, %parallel_loop3A_818 : vector<16xf32>
      %parallel_loop3A_831 = arith.maximumf %parallel_loop3A_818, %parallel_loop3A_828 : vector<16xf32>
      %parallel_loop3A_832 = arith.select %parallel_loop3A_830, %parallel_loop3A_823, %parallel_loop3A_819 : vector<16xi1>, vector<16xi32>
      %parallel_loop3A_833 = arith.select %parallel_loop3A_829, %parallel_loop3A_820, %parallel_loop3A_831 : vector<16xi1>, vector<16xf32>
      %parallel_loop3A_834 = arith.select %parallel_loop3A_829, %parallel_loop3A_821, %parallel_loop3A_832 : vector<16xi1>, vector<16xi32>
      %parallel_loop3A_835 = arith.maximumf %parallel_loop3A_820, %parallel_loop3A_828 : vector<16xf32>
      %parallel_loop3A_836 = arith.select %parallel_loop3A_829, %parallel_loop3A_823, %parallel_loop3A_821 : vector<16xi1>, vector<16xi32>
      %parallel_loop3A_837 = arith.constant 55 : i32
      %parallel_loop3A_838 = vector.broadcast %parallel_loop3A_837 : i32 to vector<16xi32>
      %parallel_loop3A_839 = arith.constant 55 : i32
      %parallel_loop3A_840 = arith.index_cast %parallel_loop3A_839 : i32 to index
      %parallel_loop3A_841 = arith.index_cast %parallel_loop3A_7 : i32 to index
      %parallel_loop3A_842 = tpu.vector_load %arg4[%parallel_loop3A_840, %parallel_loop3A_841] {strides = array<i32>} : memref<64x512xf32, #tpu.memory_space<vmem>>, vector<1x16xf32>,
      %parallel_loop3A_843 = vector.shape_cast %parallel_loop3A_842 : vector<1x16xf32> to vector<16xf32>
      %parallel_loop3A_844 = arith.cmpf ogt, %parallel_loop3A_843, %parallel_loop3A_835 : vector<16xf32>
      %parallel_loop3A_845 = arith.cmpf ogt, %parallel_loop3A_843, %parallel_loop3A_833 : vector<16xf32>
      %parallel_loop3A_846 = arith.maximumf %parallel_loop3A_833, %parallel_loop3A_843 : vector<16xf32>
      %parallel_loop3A_847 = arith.select %parallel_loop3A_845, %parallel_loop3A_838, %parallel_loop3A_834 : vector<16xi1>, vector<16xi32>
      %parallel_loop3A_848 = arith.select %parallel_loop3A_844, %parallel_loop3A_835, %parallel_loop3A_846 : vector<16xi1>, vector<16xf32>
      %parallel_loop3A_849 = arith.select %parallel_loop3A_844, %parallel_loop3A_836, %parallel_loop3A_847 : vector<16xi1>, vector<16xi32>
      %parallel_loop3A_850 = arith.maximumf %parallel_loop3A_835, %parallel_loop3A_843 : vector<16xf32>
      %parallel_loop3A_851 = arith.select %parallel_loop3A_844, %parallel_loop3A_838, %parallel_loop3A_836 : vector<16xi1>, vector<16xi32>
      %parallel_loop3A_852 = arith.constant 56 : i32
      %parallel_loop3A_853 = vector.broadcast %parallel_loop3A_852 : i32 to vector<16xi32>
      %parallel_loop3A_854 = arith.constant 56 : i32
      %parallel_loop3A_855 = arith.index_cast %parallel_loop3A_854 : i32 to index
      %parallel_loop3A_856 = arith.index_cast %parallel_loop3A_7 : i32 to index
      %parallel_loop3A_857 = tpu.vector_load %arg4[%parallel_loop3A_855, %parallel_loop3A_856] {strides = array<i32>} : memref<64x512xf32, #tpu.memory_space<vmem>>, vector<1x16xf32>,
      %parallel_loop3A_858 = vector.shape_cast %parallel_loop3A_857 : vector<1x16xf32> to vector<16xf32>
      %parallel_loop3A_859 = arith.cmpf ogt, %parallel_loop3A_858, %parallel_loop3A_850 : vector<16xf32>
      %parallel_loop3A_860 = arith.cmpf ogt, %parallel_loop3A_858, %parallel_loop3A_848 : vector<16xf32>
      %parallel_loop3A_861 = arith.maximumf %parallel_loop3A_848, %parallel_loop3A_858 : vector<16xf32>
      %parallel_loop3A_862 = arith.select %parallel_loop3A_860, %parallel_loop3A_853, %parallel_loop3A_849 : vector<16xi1>, vector<16xi32>
      %parallel_loop3A_863 = arith.select %parallel_loop3A_859, %parallel_loop3A_850, %parallel_loop3A_861 : vector<16xi1>, vector<16xf32>
      %parallel_loop3A_864 = arith.select %parallel_loop3A_859, %parallel_loop3A_851, %parallel_loop3A_862 : vector<16xi1>, vector<16xi32>
      %parallel_loop3A_865 = arith.maximumf %parallel_loop3A_850, %parallel_loop3A_858 : vector<16xf32>
      %parallel_loop3A_866 = arith.select %parallel_loop3A_859, %parallel_loop3A_853, %parallel_loop3A_851 : vector<16xi1>, vector<16xi32>
      %parallel_loop3A_867 = arith.constant 57 : i32
      %parallel_loop3A_868 = vector.broadcast %parallel_loop3A_867 : i32 to vector<16xi32>
      %parallel_loop3A_869 = arith.constant 57 : i32
      %parallel_loop3A_870 = arith.index_cast %parallel_loop3A_869 : i32 to index
      %parallel_loop3A_871 = arith.index_cast %parallel_loop3A_7 : i32 to index
      %parallel_loop3A_872 = tpu.vector_load %arg4[%parallel_loop3A_870, %parallel_loop3A_871] {strides = array<i32>} : memref<64x512xf32, #tpu.memory_space<vmem>>, vector<1x16xf32>,
      %parallel_loop3A_873 = vector.shape_cast %parallel_loop3A_872 : vector<1x16xf32> to vector<16xf32>
      %parallel_loop3A_874 = arith.cmpf ogt, %parallel_loop3A_873, %parallel_loop3A_865 : vector<16xf32>
      %parallel_loop3A_875 = arith.cmpf ogt, %parallel_loop3A_873, %parallel_loop3A_863 : vector<16xf32>
      %parallel_loop3A_876 = arith.maximumf %parallel_loop3A_863, %parallel_loop3A_873 : vector<16xf32>
      %parallel_loop3A_877 = arith.select %parallel_loop3A_875, %parallel_loop3A_868, %parallel_loop3A_864 : vector<16xi1>, vector<16xi32>
      %parallel_loop3A_878 = arith.select %parallel_loop3A_874, %parallel_loop3A_865, %parallel_loop3A_876 : vector<16xi1>, vector<16xf32>
      %parallel_loop3A_879 = arith.select %parallel_loop3A_874, %parallel_loop3A_866, %parallel_loop3A_877 : vector<16xi1>, vector<16xi32>
      %parallel_loop3A_880 = arith.maximumf %parallel_loop3A_865, %parallel_loop3A_873 : vector<16xf32>
      %parallel_loop3A_881 = arith.select %parallel_loop3A_874, %parallel_loop3A_868, %parallel_loop3A_866 : vector<16xi1>, vector<16xi32>
      %parallel_loop3A_882 = arith.constant 58 : i32
      %parallel_loop3A_883 = vector.broadcast %parallel_loop3A_882 : i32 to vector<16xi32>
      %parallel_loop3A_884 = arith.constant 58 : i32
      %parallel_loop3A_885 = arith.index_cast %parallel_loop3A_884 : i32 to index
      %parallel_loop3A_886 = arith.index_cast %parallel_loop3A_7 : i32 to index
      %parallel_loop3A_887 = tpu.vector_load %arg4[%parallel_loop3A_885, %parallel_loop3A_886] {strides = array<i32>} : memref<64x512xf32, #tpu.memory_space<vmem>>, vector<1x16xf32>,
      %parallel_loop3A_888 = vector.shape_cast %parallel_loop3A_887 : vector<1x16xf32> to vector<16xf32>
      %parallel_loop3A_889 = arith.cmpf ogt, %parallel_loop3A_888, %parallel_loop3A_880 : vector<16xf32>
      %parallel_loop3A_890 = arith.cmpf ogt, %parallel_loop3A_888, %parallel_loop3A_878 : vector<16xf32>
      %parallel_loop3A_891 = arith.maximumf %parallel_loop3A_878, %parallel_loop3A_888 : vector<16xf32>
      %parallel_loop3A_892 = arith.select %parallel_loop3A_890, %parallel_loop3A_883, %parallel_loop3A_879 : vector<16xi1>, vector<16xi32>
      %parallel_loop3A_893 = arith.select %parallel_loop3A_889, %parallel_loop3A_880, %parallel_loop3A_891 : vector<16xi1>, vector<16xf32>
      %parallel_loop3A_894 = arith.select %parallel_loop3A_889, %parallel_loop3A_881, %parallel_loop3A_892 : vector<16xi1>, vector<16xi32>
      %parallel_loop3A_895 = arith.maximumf %parallel_loop3A_880, %parallel_loop3A_888 : vector<16xf32>
      %parallel_loop3A_896 = arith.select %parallel_loop3A_889, %parallel_loop3A_883, %parallel_loop3A_881 : vector<16xi1>, vector<16xi32>
      %parallel_loop3A_897 = arith.constant 59 : i32
      %parallel_loop3A_898 = vector.broadcast %parallel_loop3A_897 : i32 to vector<16xi32>
      %parallel_loop3A_899 = arith.constant 59 : i32
      %parallel_loop3A_900 = arith.index_cast %parallel_loop3A_899 : i32 to index
      %parallel_loop3A_901 = arith.index_cast %parallel_loop3A_7 : i32 to index
      %parallel_loop3A_902 = tpu.vector_load %arg4[%parallel_loop3A_900, %parallel_loop3A_901] {strides = array<i32>} : memref<64x512xf32, #tpu.memory_space<vmem>>, vector<1x16xf32>,
      %parallel_loop3A_903 = vector.shape_cast %parallel_loop3A_902 : vector<1x16xf32> to vector<16xf32>
      %parallel_loop3A_904 = arith.cmpf ogt, %parallel_loop3A_903, %parallel_loop3A_895 : vector<16xf32>
      %parallel_loop3A_905 = arith.cmpf ogt, %parallel_loop3A_903, %parallel_loop3A_893 : vector<16xf32>
      %parallel_loop3A_906 = arith.maximumf %parallel_loop3A_893, %parallel_loop3A_903 : vector<16xf32>
      %parallel_loop3A_907 = arith.select %parallel_loop3A_905, %parallel_loop3A_898, %parallel_loop3A_894 : vector<16xi1>, vector<16xi32>
      %parallel_loop3A_908 = arith.select %parallel_loop3A_904, %parallel_loop3A_895, %parallel_loop3A_906 : vector<16xi1>, vector<16xf32>
      %parallel_loop3A_909 = arith.select %parallel_loop3A_904, %parallel_loop3A_896, %parallel_loop3A_907 : vector<16xi1>, vector<16xi32>
      %parallel_loop3A_910 = arith.maximumf %parallel_loop3A_895, %parallel_loop3A_903 : vector<16xf32>
      %parallel_loop3A_911 = arith.select %parallel_loop3A_904, %parallel_loop3A_898, %parallel_loop3A_896 : vector<16xi1>, vector<16xi32>
      %parallel_loop3A_912 = arith.constant 60 : i32
      %parallel_loop3A_913 = vector.broadcast %parallel_loop3A_912 : i32 to vector<16xi32>
      %parallel_loop3A_914 = arith.constant 60 : i32
      %parallel_loop3A_915 = arith.index_cast %parallel_loop3A_914 : i32 to index
      %parallel_loop3A_916 = arith.index_cast %parallel_loop3A_7 : i32 to index
      %parallel_loop3A_917 = tpu.vector_load %arg4[%parallel_loop3A_915, %parallel_loop3A_916] {strides = array<i32>} : memref<64x512xf32, #tpu.memory_space<vmem>>, vector<1x16xf32>,
      %parallel_loop3A_918 = vector.shape_cast %parallel_loop3A_917 : vector<1x16xf32> to vector<16xf32>
      %parallel_loop3A_919 = arith.cmpf ogt, %parallel_loop3A_918, %parallel_loop3A_910 : vector<16xf32>
      %parallel_loop3A_920 = arith.cmpf ogt, %parallel_loop3A_918, %parallel_loop3A_908 : vector<16xf32>
      %parallel_loop3A_921 = arith.maximumf %parallel_loop3A_908, %parallel_loop3A_918 : vector<16xf32>
      %parallel_loop3A_922 = arith.select %parallel_loop3A_920, %parallel_loop3A_913, %parallel_loop3A_909 : vector<16xi1>, vector<16xi32>
      %parallel_loop3A_923 = arith.select %parallel_loop3A_919, %parallel_loop3A_910, %parallel_loop3A_921 : vector<16xi1>, vector<16xf32>
      %parallel_loop3A_924 = arith.select %parallel_loop3A_919, %parallel_loop3A_911, %parallel_loop3A_922 : vector<16xi1>, vector<16xi32>
      %parallel_loop3A_925 = arith.maximumf %parallel_loop3A_910, %parallel_loop3A_918 : vector<16xf32>
      %parallel_loop3A_926 = arith.select %parallel_loop3A_919, %parallel_loop3A_913, %parallel_loop3A_911 : vector<16xi1>, vector<16xi32>
      %parallel_loop3A_927 = arith.constant 61 : i32
      %parallel_loop3A_928 = vector.broadcast %parallel_loop3A_927 : i32 to vector<16xi32>
      %parallel_loop3A_929 = arith.constant 61 : i32
      %parallel_loop3A_930 = arith.index_cast %parallel_loop3A_929 : i32 to index
      %parallel_loop3A_931 = arith.index_cast %parallel_loop3A_7 : i32 to index
      %parallel_loop3A_932 = tpu.vector_load %arg4[%parallel_loop3A_930, %parallel_loop3A_931] {strides = array<i32>} : memref<64x512xf32, #tpu.memory_space<vmem>>, vector<1x16xf32>,
      %parallel_loop3A_933 = vector.shape_cast %parallel_loop3A_932 : vector<1x16xf32> to vector<16xf32>
      %parallel_loop3A_934 = arith.cmpf ogt, %parallel_loop3A_933, %parallel_loop3A_925 : vector<16xf32>
      %parallel_loop3A_935 = arith.cmpf ogt, %parallel_loop3A_933, %parallel_loop3A_923 : vector<16xf32>
      %parallel_loop3A_936 = arith.maximumf %parallel_loop3A_923, %parallel_loop3A_933 : vector<16xf32>
      %parallel_loop3A_937 = arith.select %parallel_loop3A_935, %parallel_loop3A_928, %parallel_loop3A_924 : vector<16xi1>, vector<16xi32>
      %parallel_loop3A_938 = arith.select %parallel_loop3A_934, %parallel_loop3A_925, %parallel_loop3A_936 : vector<16xi1>, vector<16xf32>
      %parallel_loop3A_939 = arith.select %parallel_loop3A_934, %parallel_loop3A_926, %parallel_loop3A_937 : vector<16xi1>, vector<16xi32>
      %parallel_loop3A_940 = arith.maximumf %parallel_loop3A_925, %parallel_loop3A_933 : vector<16xf32>
      %parallel_loop3A_941 = arith.select %parallel_loop3A_934, %parallel_loop3A_928, %parallel_loop3A_926 : vector<16xi1>, vector<16xi32>
      %parallel_loop3A_942 = arith.constant 62 : i32
      %parallel_loop3A_943 = vector.broadcast %parallel_loop3A_942 : i32 to vector<16xi32>
      %parallel_loop3A_944 = arith.constant 62 : i32
      %parallel_loop3A_945 = arith.index_cast %parallel_loop3A_944 : i32 to index
      %parallel_loop3A_946 = arith.index_cast %parallel_loop3A_7 : i32 to index
      %parallel_loop3A_947 = tpu.vector_load %arg4[%parallel_loop3A_945, %parallel_loop3A_946] {strides = array<i32>} : memref<64x512xf32, #tpu.memory_space<vmem>>, vector<1x16xf32>,
      %parallel_loop3A_948 = vector.shape_cast %parallel_loop3A_947 : vector<1x16xf32> to vector<16xf32>
      %parallel_loop3A_949 = arith.cmpf ogt, %parallel_loop3A_948, %parallel_loop3A_940 : vector<16xf32>
      %parallel_loop3A_950 = arith.cmpf ogt, %parallel_loop3A_948, %parallel_loop3A_938 : vector<16xf32>
      %parallel_loop3A_951 = arith.maximumf %parallel_loop3A_938, %parallel_loop3A_948 : vector<16xf32>
      %parallel_loop3A_952 = arith.select %parallel_loop3A_950, %parallel_loop3A_943, %parallel_loop3A_939 : vector<16xi1>, vector<16xi32>
      %parallel_loop3A_953 = arith.select %parallel_loop3A_949, %parallel_loop3A_940, %parallel_loop3A_951 : vector<16xi1>, vector<16xf32>
      %parallel_loop3A_954 = arith.select %parallel_loop3A_949, %parallel_loop3A_941, %parallel_loop3A_952 : vector<16xi1>, vector<16xi32>
      %parallel_loop3A_955 = arith.maximumf %parallel_loop3A_940, %parallel_loop3A_948 : vector<16xf32>
      %parallel_loop3A_956 = arith.select %parallel_loop3A_949, %parallel_loop3A_943, %parallel_loop3A_941 : vector<16xi1>, vector<16xi32>
      %parallel_loop3A_957 = arith.constant 63 : i32
      %parallel_loop3A_958 = vector.broadcast %parallel_loop3A_957 : i32 to vector<16xi32>
      %parallel_loop3A_959 = arith.constant 63 : i32
      %parallel_loop3A_960 = arith.index_cast %parallel_loop3A_959 : i32 to index
      %parallel_loop3A_961 = arith.index_cast %parallel_loop3A_7 : i32 to index
      %parallel_loop3A_962 = tpu.vector_load %arg4[%parallel_loop3A_960, %parallel_loop3A_961] {strides = array<i32>} : memref<64x512xf32, #tpu.memory_space<vmem>>, vector<1x16xf32>,
      %parallel_loop3A_963 = vector.shape_cast %parallel_loop3A_962 : vector<1x16xf32> to vector<16xf32>
      %parallel_loop3A_964 = arith.cmpf ogt, %parallel_loop3A_963, %parallel_loop3A_955 : vector<16xf32>
      %parallel_loop3A_965 = arith.cmpf ogt, %parallel_loop3A_963, %parallel_loop3A_953 : vector<16xf32>
      %parallel_loop3A_966 = arith.maximumf %parallel_loop3A_953, %parallel_loop3A_963 : vector<16xf32>
      %parallel_loop3A_967 = arith.select %parallel_loop3A_965, %parallel_loop3A_958, %parallel_loop3A_954 : vector<16xi1>, vector<16xi32>
      %parallel_loop3A_968 = arith.select %parallel_loop3A_964, %parallel_loop3A_955, %parallel_loop3A_966 : vector<16xi1>, vector<16xf32>
      %parallel_loop3A_969 = arith.select %parallel_loop3A_964, %parallel_loop3A_956, %parallel_loop3A_967 : vector<16xi1>, vector<16xi32>
      %parallel_loop3A_970 = arith.maximumf %parallel_loop3A_955, %parallel_loop3A_963 : vector<16xf32>
      %parallel_loop3A_971 = arith.select %parallel_loop3A_964, %parallel_loop3A_958, %parallel_loop3A_956 : vector<16xi1>, vector<16xi32>
      %parallel_loop3A_972 = arith.subf %parallel_loop3A_968, %parallel_loop3A_970 : vector<16xf32>
      %parallel_loop3A_973 = math.exp %parallel_loop3A_972 : vector<16xf32>
      %parallel_loop3A_974 = arith.constant 1.000000e+00 : f32
      %parallel_loop3A_975 = vector.broadcast %parallel_loop3A_974 : f32 to vector<16xf32>
      %parallel_loop3A_976 = arith.addf %parallel_loop3A_975, %parallel_loop3A_973 : vector<16xf32>
      %parallel_loop3A_977 = arith.constant 1.000000e+00 : f32
      %parallel_loop3A_978 = vector.broadcast %parallel_loop3A_977 : f32 to vector<16xf32>
      %parallel_loop3A_979 = arith.divf %parallel_loop3A_978, %parallel_loop3A_976 : vector<16xf32>
      %parallel_loop3A_980 = arith.sitofp %parallel_loop3A_971 : vector<16xi32> to vector<16xf32>
      %parallel_loop3A_981 = arith.constant 0 : i32
      %parallel_loop3A_982 = arith.index_cast %parallel_loop3A_981 : i32 to index
      %parallel_loop3A_983 = arith.index_cast %parallel_loop3A_7 : i32 to index
      %parallel_loop3A_984 = tpu.vector_load %arg5[%parallel_loop3A_982, %parallel_loop3A_983] {strides = array<i32>} : memref<4x512xf32, #tpu.memory_space<vmem>>, vector<1x16xf32>,
      %parallel_loop3A_985 = vector.shape_cast %parallel_loop3A_984 : vector<1x16xf32> to vector<16xf32>
      %parallel_loop3A_986 = vector.shape_cast %parallel_loop3A_980 : vector<16xf32> to vector<1x16xf32>
      tpu.vector_store %arg5[%parallel_loop3A_982, %parallel_loop3A_983], %parallel_loop3A_986 {strides = array<i32>} : memref<4x512xf32, #tpu.memory_space<vmem>>, vector<1x16xf32>,
      %parallel_loop3A_987 = arith.sitofp %parallel_loop3A_969 : vector<16xi32> to vector<16xf32>
      %parallel_loop3A_988 = arith.constant 1 : i32
      %parallel_loop3A_989 = arith.index_cast %parallel_loop3A_988 : i32 to index
      %parallel_loop3A_990 = arith.index_cast %parallel_loop3A_7 : i32 to index
      %parallel_loop3A_991 = tpu.vector_load %arg5[%parallel_loop3A_989, %parallel_loop3A_990] {strides = array<i32>} : memref<4x512xf32, #tpu.memory_space<vmem>>, vector<1x16xf32>,
      %parallel_loop3A_992 = vector.shape_cast %parallel_loop3A_991 : vector<1x16xf32> to vector<16xf32>
      %parallel_loop3A_993 = vector.shape_cast %parallel_loop3A_987 : vector<16xf32> to vector<1x16xf32>
      tpu.vector_store %arg5[%parallel_loop3A_989, %parallel_loop3A_990], %parallel_loop3A_993 {strides = array<i32>} : memref<4x512xf32, #tpu.memory_space<vmem>>, vector<1x16xf32>,
      %parallel_loop3A_994 = arith.constant 2 : i32
      %parallel_loop3A_995 = arith.index_cast %parallel_loop3A_994 : i32 to index
      %parallel_loop3A_996 = arith.index_cast %parallel_loop3A_7 : i32 to index
      %parallel_loop3A_997 = tpu.vector_load %arg5[%parallel_loop3A_995, %parallel_loop3A_996] {strides = array<i32>} : memref<4x512xf32, #tpu.memory_space<vmem>>, vector<1x16xf32>,
      %parallel_loop3A_998 = vector.shape_cast %parallel_loop3A_997 : vector<1x16xf32> to vector<16xf32>
      %parallel_loop3A_999 = vector.shape_cast %parallel_loop3A_979 : vector<16xf32> to vector<1x16xf32>
      tpu.vector_store %arg5[%parallel_loop3A_995, %parallel_loop3A_996], %parallel_loop3A_999 {strides = array<i32>} : memref<4x512xf32, #tpu.memory_space<vmem>>, vector<1x16xf32>,
      %parallel_loop3A_1000 = arith.constant 1.000000e+00 : f32
      %parallel_loop3A_1001 = vector.broadcast %parallel_loop3A_1000 : f32 to vector<16xf32>
      %parallel_loop3A_1002 = arith.subf %parallel_loop3A_1001, %parallel_loop3A_979 : vector<16xf32>
      %parallel_loop3A_1003 = arith.constant 3 : i32
      %parallel_loop3A_1004 = arith.index_cast %parallel_loop3A_1003 : i32 to index
      %parallel_loop3A_1005 = arith.index_cast %parallel_loop3A_7 : i32 to index
      %parallel_loop3A_1006 = tpu.vector_load %arg5[%parallel_loop3A_1004, %parallel_loop3A_1005] {strides = array<i32>} : memref<4x512xf32, #tpu.memory_space<vmem>>, vector<1x16xf32>,
      %parallel_loop3A_1007 = vector.shape_cast %parallel_loop3A_1006 : vector<1x16xf32> to vector<16xf32>
      %parallel_loop3A_1008 = vector.shape_cast %parallel_loop3A_1002 : vector<16xf32> to vector<1x16xf32>
      tpu.vector_store %arg5[%parallel_loop3A_1004, %parallel_loop3A_1005], %parallel_loop3A_1008 {strides = array<i32>} : memref<4x512xf32, #tpu.memory_space<vmem>>, vector<1x16xf32>,
    } {sc.loop_unroll_factor = 4 : i64, sc.parallel_access}
    "tpu.region"() ({
      %run_scoped3A = tpu.sem_alloc : memref<!tpu.dma_semaphore, #tpu.memory_space<semaphore_mem>>
      %dma_start3A = arith.constant 0 : i32
      %dma_start3A_5 = tpu.memref_slice %arg3[%dma_start3A, %mul3A_2] : memref<4x16384xf32, #tpu.memory_space<hbm>> -> memref<4x512xf32, #tpu.memory_space<hbm>>
      %dma_start3A_6 = arith.constant 0 : i32
      %dma_start3A_7 = tpu.memref_slice %arg3[%dma_start3A_6, %mul3A_2] : memref<4x16384xf32, #tpu.memory_space<hbm>> -> memref<4x512xf32, #tpu.memory_space<hbm>>
      tpu.enqueue_dma source(%arg5 : memref<4x512xf32, #tpu.memory_space<vmem>>) target(%dma_start3A_7 : memref<4x512xf32, #tpu.memory_space<hbm>>) target_semaphore(%run_scoped3A : memref<!tpu.dma_semaphore, #tpu.memory_space<semaphore_mem>>)
      %dma_wait3A = arith.constant 0 : i32
      %dma_wait3A_8 = tpu.memref_slice %arg3[%dma_wait3A, %mul3A_2] : memref<4x16384xf32, #tpu.memory_space<hbm>> -> memref<4x512xf32, #tpu.memory_space<hbm>>
      %dma_wait3A_9 = arith.constant 0 : i32
      %dma_wait3A_10 = tpu.memref_slice %arg3[%dma_wait3A_9, %mul3A_2] : memref<4x16384xf32, #tpu.memory_space<hbm>> -> memref<4x512xf32, #tpu.memory_space<hbm>>
      tpu.wait_dma2 semaphore(%run_scoped3A : memref<!tpu.dma_semaphore, #tpu.memory_space<semaphore_mem>>) src(%arg5 : memref<4x512xf32, #tpu.memory_space<vmem>>) dst(%dma_wait3A_10 : memref<4x512xf32, #tpu.memory_space<hbm>>)
      tpu.yield
    }) : () -> ()
    return
  }
}

module attributes {stable_mosaic.version = 14 : i64} {
  func.func @_matmul_body(%arg0: i32, %arg1: memref<1024x2048xf32, #tpu.memory_space<vmem>>, %arg2: memref<64x2048xf32, #tpu.memory_space<vmem>>, %arg3: memref<2x64x512xf32, #tpu.memory_space<vmem>>) attributes {dimension_semantics = [#tpu.dimension_semantics<arbitrary>], iteration_bounds = array<i64: 16>, scalar_prefetch = 0 : i64, scratch_operands = 0 : i64, tpu.core_type = #tpu.core_type<tc>, window_params = [{transform_indices = @transform_0, window_bounds = array<i64: 1024, 2048>}, {pipeline_mode = #tpu.pipeline_mode<synchronous>, transform_indices = @transform_1, window_bounds = array<i64: 64, 2048>}, {transform_indices = @transform_2, window_bounds = array<i64: 2, 64, 512>}]} {
    %get3A = arith.constant 0 : index
    %get3A_0 = arith.constant 0 : index
    %get3A_1 = vector.load %arg2[%get3A, %get3A_0] : memref<64x2048xf32, #tpu.memory_space<vmem>>, vector<64x2048xf32>
    %get3A_2 = arith.constant 0 : index
    %get3A_3 = arith.constant 0 : index
    %get3A_4 = vector.load %arg1[%get3A_2, %get3A_3] : memref<1024x2048xf32, #tpu.memory_space<vmem>>, vector<1024x2048xf32>
    %dot_general3A = arith.constant dense<0.000000e+00> : vector<64x1024xf32>
    %dot_general3A_5 = tpu.matmul %get3A_1, %get3A_4, %dot_general3A {dimension_numbers = #tpu.dot_dimension_numbers<[1], [1], [0], [0], [0, 0, 1, 0], [], []>, transpose_lhs_hint = false} : vector<64x2048xf32>, vector<1024x2048xf32>, vector<64x1024xf32> -> vector<64x1024xf32>
    %slice3A = vector.extract_strided_slice %dot_general3A_5 {offsets = [0, 0], sizes = [64, 512], strides = [1, 1]} : vector<64x1024xf32> to vector<64x512xf32>
    %swap3A = arith.constant 0 : index
    %swap3A_6 = arith.constant 0 : index
    %swap3A_7 = arith.constant 0 : index
    %swap3A_8 = vector.load %arg3[%swap3A, %swap3A_6, %swap3A_7] : memref<2x64x512xf32, #tpu.memory_space<vmem>>, vector<1x64x512xf32>
    %swap3A_9 = vector.shape_cast %swap3A_8 : vector<1x64x512xf32> to vector<64x512xf32>
    %swap3A_10 = vector.shape_cast %slice3A : vector<64x512xf32> to vector<1x64x512xf32>
    tpu.vector_store %arg3[%swap3A, %swap3A_6, %swap3A_7], %swap3A_10 {strides = array<i32>} : memref<2x64x512xf32, #tpu.memory_space<vmem>>, vector<1x64x512xf32>,
    %slice3A_11 = vector.extract_strided_slice %dot_general3A_5 {offsets = [0, 512], sizes = [64, 512], strides = [1, 1]} : vector<64x1024xf32> to vector<64x512xf32>
    %swap3A_12 = arith.constant 1 : index
    %swap3A_13 = arith.constant 0 : index
    %swap3A_14 = arith.constant 0 : index
    %swap3A_15 = vector.load %arg3[%swap3A_12, %swap3A_13, %swap3A_14] : memref<2x64x512xf32, #tpu.memory_space<vmem>>, vector<1x64x512xf32>
    %swap3A_16 = vector.shape_cast %swap3A_15 : vector<1x64x512xf32> to vector<64x512xf32>
    %swap3A_17 = vector.shape_cast %slice3A_11 : vector<64x512xf32> to vector<1x64x512xf32>
    tpu.vector_store %arg3[%swap3A_12, %swap3A_13, %swap3A_14], %swap3A_17 {strides = array<i32>} : memref<2x64x512xf32, #tpu.memory_space<vmem>>, vector<1x64x512xf32>,
    return
  }
  func.func @transform_0(%arg0: i32) -> (i32, i32) {
    %c0_i32 = arith.constant 0 : i32
    %c0_i32_0 = arith.constant 0 : i32
    return %arg0, %c0_i32 : i32, i32
  }
  func.func @transform_1(%arg0: i32) -> (i32, i32) {
    %c0_i32 = arith.constant 0 : i32
    %c0_i32_0 = arith.constant 0 : i32
    %c0_i32_1 = arith.constant 0 : i32
    return %c0_i32, %c0_i32_0 : i32, i32
  }
  func.func @transform_2(%arg0: i32) -> (i32, i32, i32) {
    %c0_i32 = arith.constant 0 : i32
    %c0_i32_0 = arith.constant 0 : i32
    %c0_i32_1 = arith.constant 0 : i32
    return %arg0, %c0_i32, %c0_i32_0 : i32, i32, i32
  }
}

</mosaic_0001>

<sc_bundles>
// kernel: kernel.4.cloned.1.call-start
scs
__scs_entry_jumppad:
0x0: {  	(pc) =	sbr.rel $0x88, $3  }
0x1: {  	(tag) =	ssettag $0x0;
	lr =	simm.s32 $0x1  }
0x2: {  	[smem:$0x3F9F] =	sst lr;
	_ =	strace $0xD0000000  }
0x3: {  	_ = 	snop  }
0x4: {  	_ = 	snop  }
0x5: {  	_ = 	snop  }
0x6: {  	_ = 	snop  }
0x7: {  	_ = 	snop  }
__scs_overlays_trampoline_lowered:
0x8: {  	[smem:$0x3FAE] =	sst s0  }
0x9: {  	[smem:$0x3FAF] =	sst s1  }
0xa: {  	[smem:$0x3FB0] =	sst s2  }
0xb: {  	[smem:$0x3FB1] =	sst s3  }
0xc: {  	[smem:$0x3FB2] =	sst s4  }
0xd: {  	[smem:$0x3FB3] =	sst s5  }
0xe: {  	[smem:$0x3FB4] =	sst s6  }
0xf: {  	[smem:$0x3FB5] =	sst s7  }
0x10: {  	[smem:$0x3FB6] =	sst s8  }
0x11: {  	[smem:$0x3FB7] =	sst s9;
	s0 =	simm.s32 @!p0 $0x0  }
0x12: {  	s1 =	sld [smem:$0x3F9D];
	s0 =	simm.s32 @p0 $0x1  }
0x13: {  	[smem:$0x3FB8] =	sst s0;
	s0 =	simm.s32 @!p1 $0x0  }
0x14: {  	s2 =	sld [smem:$0x3F9C];
	s0 =	simm.s32 @p1 $0x1  }
0x15: {  	[smem:$0x3FB9] =	sst s0;
	s0 =	simm.s32 @!p2 $0x0  }
0x16: {  	s3 =	sld [smem:$0x3FDB];
	s0 =	simm.s32 @p2 $0x1  }
0x17: {  	s4 =	simm.s32 $0x1BF5;
	[smem:$0x3FBB] =	sst s0  }
0x18: {  	s0 =	sld [smem:$0x3F9E];
	_ =	swait.ge [sflag:s4], $0x0  }
0x19: {  	s7 =	sld [smem:$0x3F9F]  }
0x1a: {  	s8 =	sadd.s32 $0xFFFFE003, lr  }
0x1b: {  	s9 =	sadd.s32 $0xFFFFFEF7, lr;
	s5 =	simm.s32 $0xFFFFFFFF;
	p2 =	slt.u32 s8, $0xFFFFF086  }
0x1c: {  	p1 =	slt.u32 s9, $0xF7A;
	s5 =	simm.s32 @!p2 $0x0  }
0x1d: {  	s5 =	simm.s32 @p1 $0x1;
	p0 =	seq.s32 s7, s2  }
0x1e: {  	s7 =	smul.u32 @!p0 $0xF7A, s2;
	p2 =	seq.s32 @!p0 s5, $0x0  }
0x1f: {  	s9 =	smul.u32 $0xF7A, s1;
	s8 =	simm.s32 @!p0 $0x1BF5;
	p2 =	por !p2, p0  }
0x20: {  	[sflag:s8] =	ssyncset.s32 @!p0 $0xFFFFF086;
	s6 =	sadd.s32 @!p0 s3, s7;
	s7 =	simm.s32 @!p0 $0x108  }
0x21: {  	s3 =	sadd.s32 s3, s9;
	s6 =	sadd.s32 @!p0 $0x88, s6;
	s7 =	simm.s32 @p2 $0x1082  }
0x22: {  	[simem:s7], [sflag:s8] =	dma.local @!p0 [hbm:s6], $0xF7A  }
0x23: {  	s9 =	sor.u32 $0xD0000000, s2;
	s6 =	simm.s32 $0x108;
	_ =	swait.ge @!p0 [sflag:s8], $0x0  }
0x24: {  	s3 =	sadd.s32 $0x88, s3;
	s6 =	simm.s32 @!p1 $0x1082;
	[sflag:s4] =	ssyncset.s32 $0xFFFFF086  }
0x25: {  	[simem:s6], [sflag:s4] =	dma.local [hbm:s3], $0xF7A  }
0x26: {  	[smem:$0x3F9F] =	sst s1;
	(tag) =	ssettag s2;
	_ =	strace s9  }
0x27: {  	s1 =	sld [smem:$0x3FAF]  }
0x28: {  	s2 =	sld [smem:$0x3FB0]  }
0x29: {  	s4 =	sld [smem:$0x3FB2]  }
0x2a: {  	p0 =	seq.s32 s5, $0x0;
	s5 =	sld [smem:$0x3FB3]  }
0x2b: {  	s6 =	sld [smem:$0x3FB4]  }
0x2c: {  	s7 =	sld [smem:$0x3FB5]  }
0x2d: {  	s3 =	simm.s32 $0x108;
	s8 =	sld [smem:$0x3FB6]  }
0x2e: {  	s3 =	simm.s32 @!p0 $0x1082;
	s9 =	sld [smem:$0x3FB7]  }
0x2f: {  	lr =	sadd.s32 s0, s3;
	s0 =	sld [smem:$0x3FAE]  }
0x30: {  	s3 =	sld [smem:$0x3FB1]  }
0x31: {  	[smem:$0x3FBA] =	sst s10  }
0x32: {  	s10 =	sld [smem:$0x3FB8];
	_ =	sdelay $0x3  }
0x33: {  	p0 =	seq.s32 s10, $0x1;
	s10 =	sld [smem:$0x3FBA];
	_ =	sdelay $0x3  }
0x34: {  	[smem:$0x3FBA] =	sst s10  }
0x35: {  	s10 =	sld [smem:$0x3FB9];
	_ =	sdelay $0x3  }
0x36: {  	p1 =	seq.s32 s10, $0x1;
	s10 =	sld [smem:$0x3FBA];
	_ =	sdelay $0x3  }
0x37: {  	[smem:$0x3FBA] =	sst s10  }
0x38: {  	s10 =	sld [smem:$0x3FBB]  }
0x39: {  	_ = 	snop;
	(pc) =	sbr.ind lr, $3  }
0x3a: {  	_ = 	snop  }
0x3b: {  	_ = 	snop  }
0x3c: {  	p2 =	seq.s32 s10, $0x1;
	s10 =	sld [smem:$0x3FBA]  }
0x3d: {  	_ =	shalt  }
0x3e: {  	_ =	shalt  }
0x3f: {  	_ =	shalt  }
0x40: {  	_ =	shalt  }
0x41: {  	_ =	shalt  }
0x42: {  	_ =	shalt  }
0x43: {  	_ =	shalt  }
0x44: {  	_ =	shalt  }
0x45: {  	_ =	shalt  }
0x46: {  	_ =	shalt  }
0x47: {  	_ =	shalt  }
0x48: {  	_ =	shalt  }
0x49: {  	_ =	shalt  }
0x4a: {  	_ =	shalt  }
0x4b: {  	_ =	shalt  }
0x4c: {  	_ =	shalt  }
0x4d: {  	_ =	shalt  }
0x4e: {  	_ =	shalt  }
0x4f: {  	_ =	shalt  }
0x50: {  	_ =	shalt  }
0x51: {  	_ =	shalt  }
0x52: {  	_ =	shalt  }
0x53: {  	_ =	shalt  }
0x54: {  	_ =	shalt  }
0x55: {  	_ =	shalt  }
0x56: {  	_ =	shalt  }
0x57: {  	_ =	shalt  }
0x58: {  	_ =	shalt  }
0x59: {  	_ =	shalt  }
0x5a: {  	_ =	shalt  }
0x5b: {  	_ =	shalt  }
0x5c: {  	_ =	shalt  }
0x5d: {  	_ =	shalt  }
0x5e: {  	_ =	shalt  }
0x5f: {  	_ =	shalt  }
0x60: {  	_ =	shalt  }
0x61: {  	_ =	shalt  }
0x62: {  	_ =	shalt  }
0x63: {  	_ =	shalt  }
0x64: {  	_ =	shalt  }
0x65: {  	_ =	shalt  }
0x66: {  	_ =	shalt  }
0x67: {  	_ =	shalt  }
0x68: {  	_ =	shalt  }
0x69: {  	_ =	shalt  }
0x6a: {  	_ =	shalt  }
0x6b: {  	_ =	shalt  }
0x6c: {  	_ =	shalt  }
0x6d: {  	_ =	shalt  }
0x6e: {  	_ =	shalt  }
0x6f: {  	_ =	shalt  }
0x70: {  	_ =	shalt  }
0x71: {  	_ =	shalt  }
0x72: {  	_ =	shalt  }
0x73: {  	_ =	shalt  }
0x74: {  	_ =	shalt  }
0x75: {  	_ =	shalt  }
0x76: {  	_ =	shalt  }
0x77: {  	_ =	shalt  }
0x78: {  	_ =	shalt  }
0x79: {  	_ =	shalt  }
0x7a: {  	_ =	shalt  }
0x7b: {  	_ =	shalt  }
0x7c: {  	_ =	shalt  }
0x7d: {  	_ =	shalt  }
0x7e: {  	_ =	shalt  }
0x7f: {  	_ =	shalt  }
0x80: {  	_ =	shalt  }
0x81: {  	_ =	shalt  }
0x82: {  	_ =	shalt  }
0x83: {  	_ =	shalt  }
0x84: {  	_ =	shalt  }
0x85: {  	_ =	shalt  }
0x86: {  	_ =	shalt  }
0x87: {  	_ =	shalt  }
.Lfunc_end0:
.L_simem_size_0:
called_computation_lowered:
.L_overlay_start_0:
0x88: {  	s2 =	sld [smem:$0x3FD9]  }
0x89: {  	s3 =	sld [smem:$0x3FFE];
	_ =	sdelay $0x1  }
0x8a: {  	s1 =	srdreg.scid  }
0x8b: {  	s0 =	sand.u32 $0x1, s1  }
0x8c: {  	s16 =	sshll.u32 s0, $0xA;
	s2 =	sadd.s32 s3, s2  }
0x8d: {  	s2 =	sadd.s32 s2, s16  }
0x8e: {  	[smem:$0x3FC6] =	sst s2  }
0x8f: {  	_ = 	snop  }
0x90: {  	(tm) =	ssettm $0x1  }
0x91: {  	s17 =	sld [smem:$0x3FFB];
	_ =	sdelay $0x3  }
0x92: {  	_ =	strace s17  }
0x93: {  	s2 =	sld [smem:$0x3FFC];
	_ =	sdelay $0x3  }
0x94: {  	_ =	strace s2  }
0x95: {  	s2 =	sld [smem:$0x3FFD];
	_ =	sdelay $0x3  }
0x96: {  	_ =	strace s2  }
0x97: {  	_ =	strace $0x8FFFFFFF  }
0x98: {  	s18 =	sld [smem:$0x3FDB];
	_ =	sdelay $0x1  }
0x99: {  	s19 =	simm.s32 $_scs_section_size  }
0x9a: {  	s4 =	simm.s32 $_size__tile_overlayer_lowered;
	s5 =	simm.s32 $_tile_overlayer_lowered  }
0x9b: {  	s22 =	simm.s32 $0x1BFF;
	s21 =	sshll.u32 s5, $0x1;
	s2 =	sadd.s32 s19, s18  }
0x9c: {  	s6 =	simm.s32 $0x0;
	s20 =	sshll.u32 s4, $0x1;
	s4 =	sadd.s32 s21, s2  }
0x9d: {  	[timem:s6], [sflag:s22] =	dma.local [hbm:s4], s20  }
0x9e: {  	_ =	swait.ge [sflag:s22], s20  }
0x9f: {  	s3 =	ssub.s32 $0x0, s20;
	[sflag:s22] =	ssyncset.done $0x0  }
0xa0: {  	[sflag:s22] =	ssyncadd.s32 s3;
	_ =	sdelay $0x1  }
0xa1: {  	s23 =	simm.s32 $0x1B8B  }
0xa2: {  	_ =	swait.ge [sflag:s23], $0x1  }
0xa3: {  	[sflag:s23] =	ssyncset.done $0x0  }
0xa4: {  	s25 =	simm.s32 $0x1B8E;
	s24 =	sld [smem:$0x3FFE];
	[sflag:s23] =	ssyncadd.s32 $0xFFFFFFFF  }
0xa5: {  	s26 =	simm.s32 $execute0_lowered;
	[smem:$0x3FD2] =	sst s25  }
0xa6: {  	s4 =	sshll.u32 s26, $0x1;
	_ =	strace $0x80000046;
	[dreg:$0x1] =	wrdreg $0xFFFFFFFF  }
0xa7: {  	s28 =	simm.s32 $_size_execute0_lowered;
	s2 =	sadd.s32 s2, s4;
	[dreg:$0x0] =	wrdreg $0x0  }
0xa8: {  	s4 =	sshll.u32 s28, $0x1;
	[dreg:$0x2] =	wrdreg s2  }
0xa9: {  	[dreg:$0x3] =	wrdreg s4  }
0xaa: {  	[dreg:$0x4] =	wrdreg $0xC0  }
0xab: {  	_ =	task [dreg:s6], $0x5FFFF  }
0xac: {  	[dreg:$0x1] =	wrdreg $0xFFFFFFFF  }
0xad: {  	[dreg:$0x0] =	wrdreg $0x60  }
0xae: {  	[dreg:$0x2] =	wrdreg s24  }
0xaf: {  	[dreg:$0x3] =	wrdreg $0x9  }
0xb0: {  	_ =	task.clear_ibuf [dreg:s6], $0x4FFFF;
	_ =	strace $0x90000046  }
0xb1: {  	s29 =	simm.s32 $0x9;
	_ =	strace $0x80000048  }
0xb2: {  	_ =	swait.ge [sflag:s29], $0x1  }
0xb3: {  	[sflag:s29] =	ssyncadd.s32 $0xFFFFFFFF  }
0xb4: {  	_ =	strace $0x90000048  }
0xb5: {  	_ =	sfence  }
0xb6: {  	s30 =	sld [smem:$0x0];
	_ =	sdelay $0x2  }
0xb7: {  	s31 =	sshll.u32 s1, $0xD;
	s1 =	sshrl.u32 s1, $0x2  }
0xb8: {  	s3 =	sand.u32 $0x4000, s31;
	s1 =	sadd.s32 s1, s30  }
0xb9: {  	s0 =	sor.u32 s3, s0;
	s1 =	sshll.u32 s1, $0x11  }
0xba: {  	s0 =	sor.u32 s1, s0  }
0xbb: {  	s0 =	sadd.s32 $0x8F2B, s0  }
0xbc: {  	[sflag:s0] =	ssyncadd.remote.s32 $0x1  }
0xbd: {  	_ =	sfence.sel $0xFFFF  }
0xbe: {  	[dreg:$0x0] =	wrdreg $0xFFFFFFFF;
	(pc) =	sbr.abs _section_cstart, $3  }
0xbf: {  	[dreg:$0x1] =	wrdreg $0xFFFFFFFF  }
0xc0: {  	_ =	task.clear_ibuf [dreg:s6], $0x2FFFF;
	_ =	strace $0x9FFFFFFF  }
0xc1: {  	(tm) =	ssettm $0x7FFFFFFF  }
tec
execute0_lowered:
.L_overlay_start_1:
0x0: {  	(tag) =	ssettag $0x1  }
0x1: {  	s1 =	srdreg.scid;
	s2 =	stileid.u32  }
0x2: {  	s5 =	simm.s32 $0x0;
	s1 =	sand.u32 $0x1, s1;
	s2 =	sshll.u32 s2, $0x1  }
0x3: {  	[smem:$0x7FF] =	sst s5;
	s2 =	sor.u32 s1, s2  }
0x4: {  	s0 =	rddreg [dreg:$0x0];
	_ =	strace $0x80000047;
	s3 =	sshll.u32 s2, $0xC  }
0x5: {  	s1 =	ssub.s32 $0x2, s1;
	s2 =	sshll.u32 s2, $0x8;
	s3 =	sadd.s32 s3, s0  }
0x6: {  	s4 =	sshrl.u32 s1, $0x1;
	s0 =	sadd.s32 s2, s0;
	s30 =	sadd.s32 $0xA00, s3  }
0x7: {  	s1 =	ssub.s32 s1, s4;
	s0 =	sadd.s32 $0x20A00, s0;
	[dreg:$0x2] =	wrdreg s30  }
0x8: {  	s31 =	smax.u32 s1, $0x1;
	[dreg:$0x3] =	wrdreg s0  }
0x9: {  	v0 =	vimm.s32 $0x0;
	s2 =	simm.s32 $0x0;
	s1 =	simm.s32 $0x1;
	[dreg:$0x4] =	wrdreg s31  }
.LBB2_1:
0xa: {  	[dreg:$0x5] =	wrdreg s2  }
0xb: {  	s0 =	rddreg [dreg:$0x2]  }
0xc: {  	[tilespmem:s5], [sflag:$0x1] =	stream.linear.gather [hbm4b:s0+s5], $0x8000, $0x38;
	[tilespmem:$0x8800] =	vst v63  }
0xd: {  	_ =	swait.ge [sflag:s1], $0x8000  }
0xe: {  	[sflag:s1] =	ssyncset.done $0x0  }
0xf: {  	s2 =	simm.s32 $0xFFFFFFFC;
	[sflag:s1] =	ssyncadd.s32 $0xFFFF8000;
	s1 =	simm.s32 $0x0  }
.LBB2_2:
0x10: {  	s2 =	sadd.s32 $0x4, s2  }
0x11: {  	s0 =	sshll.u32 s2, $0x7  }
0x12: {  	s11 =	sand.u32 $0x40, s1;
	s0 =	sand.u32 $0x3FFFFC00, s0  }
0x13: {  	[dreg:$0x6] =	wrdreg s1;
	s1 =	sor.u32 s11, s0  }
0x14: {  	v1 =	vld [tilespmem:s1+$0x0]  }
0x15: {  	v2 =	vld [tilespmem:s1+$0x80]  }
0x16: {  	v3 =	vld [tilespmem:s1+$0x100]  }
0x17: {  	v5 =	vld [tilespmem:s1+$0x180]  }
0x18: {  	v7 =	vld [tilespmem:s1+$0x200]  }
0x19: {  	v23 =	vld [tilespmem:s1+$0x280]  }
0x1a: {  	s9 =	sadd.s32 $0x1000, s0;
	v24 =	vld [tilespmem:s1+$0x300]  }
0x1b: {  	s3 =	sadd.s32 $0x1080, s0;
	v25 =	vld [tilespmem:s1+$0x380];
	s7 =	sor.u32 s11, s9  }
0x1c: {  	s4 =	sadd.s32 $0x1100, s0;
	s8 =	sor.u32 s11, s3;
	v26 =	vld [tilespmem:s7+$0x0]  }
0x1d: {  	s5 =	sadd.s32 $0x1180, s0;
	s10 =	sor.u32 s11, s4;
	v27 =	vld [tilespmem:s8+$0x0]  }
0x1e: {  	s6 =	sadd.s32 $0x1200, s0;
	s12 =	sor.u32 s11, s5;
	v28 =	vld [tilespmem:s10+$0x0]  }
0x1f: {  	s28 =	sadd.s32 $0x1380, s0;
	s13 =	sor.u32 s11, s6;
	v29 =	vld [tilespmem:s12+$0x0]  }
0x20: {  	s30 =	sadd.s32 $0x2000, s0;
	s16 =	sor.u32 s11, s28;
	v30 =	vld [tilespmem:s13+$0x0]  }
0x21: {  	s31 =	sadd.s32 $0x2080, s0;
	s17 =	sor.u32 s11, s30;
	v33 =	vld [tilespmem:s16+$0x0]  }
0x22: {  	s22 =	sadd.s32 $0x2200, s0;
	s18 =	sor.u32 s11, s31;
	v34 =	vld [tilespmem:s17+$0x0]  }
0x23: {  	s29 =	sadd.s32 $0x2280, s0;
	s21 =	sor.u32 s11, s22;
	v35 =	vld [tilespmem:s18+$0x0]  }
0x24: {  	s23 =	sor.u32 s11, s29;
	s7 =	sadd.s32 $0x1280, s0;
	v38 =	vld [tilespmem:s21+$0x0]  }
0x25: {  	s8 =	sadd.s32 $0x1300, s0;
	v39 =	vld [tilespmem:s23+$0x0];
	s14 =	sor.u32 s11, s7  }
0x26: {  	s17 =	sadd.s32 $0x2100, s0;
	s15 =	sor.u32 s11, s8;
	v31 =	vld [tilespmem:s14+$0x0]  }
0x27: {  	s18 =	sadd.s32 $0x2180, s0;
	s19 =	sor.u32 s11, s17;
	v32 =	vld [tilespmem:s15+$0x0]  }
0x28: {  	s13 =	sadd.s32 $0x2380, s0;
	s20 =	sor.u32 s11, s18;
	v36 =	vld [tilespmem:s19+$0x0]  }
0x29: {  	s10 =	sadd.s32 $0x3100, s0;
	s25 =	sor.u32 s11, s13;
	v37 =	vld [tilespmem:s20+$0x0];
	vm0 =	vgt.f32 v1, $-Inf  }
0x2a: {  	s12 =	sadd.s32 $0x3180, s0;
	s1 =	sor.u32 s11, s10;
	v41 =	vld [tilespmem:s25+$0x0];
	vm12 =	vgt.f32 v2, v1;
	v4 =	vsel vm0, $0xFF800000, v1  }
0x2b: {  	s14 =	sadd.s32 $0x2300, s0;
	v44 =	vld [tilespmem:s1+$0x0];
	s1 =	sor.u32 s11, s12;
	vm1 =	vmneg vm12;
	vm2 =	vgt.f32 v2, v4  }
0x2c: {  	s19 =	sadd.s32 $0x3080, s0;
	s24 =	sor.u32 s11, s14;
	v45 =	vld [tilespmem:s1+$0x0];
	v4 =	vmax.f32 v4, v2;
	vm2 =	vmand vm1, vm2  }
0x2d: {  	[dreg:$0x7] =	wrdreg s2;
	s15 =	sadd.s32 $0x3200, s0;
	s2 =	sor.u32 s11, s19;
	v40 =	vld [tilespmem:s24+$0x0];
	v4 =	vsel vm1, v4, v1;
	v1 =	vmax.f32 v1, v2;
	v6 =	vsel vm2, $0x1, v0  }
0x2e: {  	s25 =	sadd.s32 $0x4000, s0;
	s1 =	sor.u32 s11, s15;
	v43 =	vld [tilespmem:s2+$0x0];
	vm13 =	vgt.f32 v3, v4;
	vm14 =	vgt.f32 v3, v1;
	v4 =	vmax.f32 v4, v3  }
0x2f: {  	[smem:$0x7F0] =	sst s15;
	s15 =	sadd.s32 $0x3280, s0;
	s23 =	sor.u32 s11, s25;
	v46 =	vld [tilespmem:s1+$0x0];
	v2 =	vsel vm12, $0x1, v0;
	v6 =	vsel vm13, $0x2, v6;
	v4 =	vsel vm14, v1, v4  }
0x30: {  	s20 =	sadd.s32 $0x3300, s0;
	s16 =	sor.u32 s11, s15;
	v50 =	vld [tilespmem:s23+$0x0];
	v1 =	vmax.f32 v1, v3;
	v6 =	vsel vm14, v2, v6;
	v2 =	vsel vm14, $0x2, v2  }
0x31: {  	s24 =	sadd.s32 $0x3000, s0;
	s1 =	sor.u32 s11, s20;
	v47 =	vld [tilespmem:s16+$0x0];
	vm15 =	vgt.f32 v5, v4;
	vm4 =	vgt.f32 v5, v1;
	v3 =	vmax.f32 v4, v5  }
0x32: {  	[smem:$0x7EE] =	sst s10;
	s23 =	sadd.s32 $0x4100, s0;
	s26 =	sor.u32 s11, s24;
	v48 =	vld [tilespmem:s1+$0x0];
	v22 =	vsel vm15, $0x3, v6;
	v3 =	vsel vm4, v1, v3;
	v1 =	vmax.f32 v1, v5  }
0x33: {  	[smem:$0x7EF] =	sst s12;
	s12 =	sadd.s32 $0x4180, s0;
	s10 =	sor.u32 s11, s23;
	v42 =	vld [tilespmem:s26+$0x0];
	v4 =	vsel vm4, v2, v22;
	v2 =	vsel vm4, $0x3, v2;
	vm5 =	vgt.f32 v7, v3  }
0x34: {  	s1 =	sor.u32 s11, s12;
	s26 =	sadd.s32 $0x3380, s0;
	v52 =	vld [tilespmem:s10+$0x0];
	vm6 =	vgt.f32 v7, v1;
	v3 =	vmax.f32 v3, v7;
	v4 =	vsel vm5, $0x4, v4  }
0x35: {  	s16 =	sadd.s32 $0x4200, s0;
	v53 =	vld [tilespmem:s1+$0x0];
	s21 =	sor.u32 s11, s26;
	v3 =	vsel vm6, v1, v3;
	v1 =	vmax.f32 v1, v7;
	v4 =	vsel vm6, v2, v4  }
0x36: {  	s1 =	sor.u32 s11, s16;
	v49 =	vld [tilespmem:s21+$0x0];
	s21 =	sadd.s32 $0x4080, s0;
	vm7 =	vgt.f32 v23, v3;
	vm8 =	vgt.f32 v23, v1;
	v3 =	vmax.f32 v3, v23  }
0x37: {  	[smem:$0x7F1] =	sst s20;
	s20 =	sadd.s32 $0x4280, s0;
	v54 =	vld [tilespmem:s1+$0x0];
	s2 =	sor.u32 s11, s21;
	v2 =	vsel vm6, $0x4, v2;
	v4 =	vsel vm7, $0x5, v4;
	v3 =	vsel vm8, v1, v3  }
0x38: {  	s1 =	sor.u32 s11, s20;
	v51 =	vld [tilespmem:s2+$0x0];
	s2 =	sadd.s32 $0x4300, s0;
	v1 =	vmax.f32 v1, v23;
	v4 =	vsel vm8, v2, v4;
	v2 =	vsel vm8, $0x5, v2  }
0x39: {  	[smem:$0x7E4] =	sst s12;
	s10 =	sadd.s32 $0x4380, s0;
	v55 =	vld [tilespmem:s1+$0x0];
	s1 =	sor.u32 s11, s2;
	vm9 =	vgt.f32 v24, v3;
	vm10 =	vgt.f32 v24, v1;
	v3 =	vmax.f32 v3, v24  }
0x3a: {  	[smem:$0x7F6] =	sst s2;
	s2 =	sadd.s32 $0x5080, s0;
	v56 =	vld [tilespmem:s1+$0x0];
	s1 =	sor.u32 s11, s10;
	v4 =	vsel vm9, $0x6, v4;
	v3 =	vsel vm10, v1, v3;
	v1 =	vmax.f32 v1, v24  }
0x3b: {  	s12 =	sadd.s32 $0x5000, s0;
	[smem:$0x7F4] =	sst s16;
	s16 =	sor.u32 s11, s2;
	v57 =	vld [tilespmem:s1+$0x0];
	v4 =	vsel vm10, v2, v4;
	v2 =	vsel vm10, $0x6, v2;
	vm11 =	vgt.f32 v25, v3  }
0x3c: {  	[smem:$0x7F5] =	sst s20;
	s20 =	sadd.s32 $0x5100, s0;
	s1 =	sor.u32 s11, s12;
	v59 =	vld [tilespmem:s16+$0x0];
	vm12 =	vgt.f32 v25, v1;
	v3 =	vmax.f32 v3, v25;
	v4 =	vsel vm11, $0x7, v4  }
0x3d: {  	[smem:$0x7F7] =	sst s10;
	s10 =	sadd.s32 $0x5180, s0;
	v58 =	vld [tilespmem:s1+$0x0];
	s1 =	sor.u32 s11, s20;
	v3 =	vsel vm12, v1, v3;
	v1 =	vmax.f32 v1, v25;
	v4 =	vsel vm12, v2, v4  }
0x3e: {  	[smem:$0x7F8] =	sst s12;
	s12 =	sadd.s32 $0x5200, s0;
	v60 =	vld [tilespmem:s1+$0x0];
	s1 =	sor.u32 s11, s10;
	vm13 =	vgt.f32 v26, v3;
	vm14 =	vgt.f32 v26, v1;
	v3 =	vmax.f32 v3, v26  }
0x3f: {  	s16 =	sadd.s32 $0x5280, s0;
	v61 =	vld [tilespmem:s1+$0x0];
	s1 =	sor.u32 s11, s12;
	v2 =	vsel vm12, $0x7, v2;
	v4 =	vsel vm13, $0x8, v4;
	v3 =	vsel vm14, v1, v3  }
0x40: {  	[smem:$0x7FA] =	sst s20;
	s20 =	sadd.s32 $0x5300, s0;
	v62 =	vld [tilespmem:s1+$0x0];
	s1 =	sor.u32 s11, s16;
	v1 =	vmax.f32 v1, v26;
	v4 =	vsel vm14, v2, v4;
	v2 =	vsel vm14, $0x8, v2  }
0x41: {  	[smem:$0x7FB] =	sst s10;
	s10 =	sadd.s32 $0x5380, s0;
	v63 =	vld [tilespmem:s1+$0x0];
	s1 =	sor.u32 s11, s20;
	vm15 =	vgt.f32 v27, v3;
	vm4 =	vgt.f32 v27, v1;
	v3 =	vmax.f32 v3, v27  }
0x42: {  	[smem:$0x7FC] =	sst s12;
	s12 =	sadd.s32 $0x6000, s0;
	v9 =	vld [tilespmem:s1+$0x0];
	s1 =	sor.u32 s11, s10;
	v4 =	vsel vm15, $0x9, v4;
	v3 =	vsel vm4, v1, v3;
	v1 =	vmax.f32 v1, v27  }
0x43: {  	[dreg:$0x12] =	wrdreg s16;
	s16 =	sadd.s32 $0x6080, s0;
	v10 =	vld [tilespmem:s1+$0x0];
	s1 =	sor.u32 s11, s12;
	v4 =	vsel vm4, v2, v4;
	v2 =	vsel vm4, $0x9, v2;
	vm5 =	vgt.f32 v28, v3  }
0x44: {  	[smem:$0x7FD] =	sst s20;
	s20 =	sadd.s32 $0x6100, s0;
	v11 =	vld [tilespmem:s1+$0x0];
	s1 =	sor.u32 s11, s16;
	vm6 =	vgt.f32 v28, v1;
	v3 =	vmax.f32 v3, v28;
	v4 =	vsel vm5, $0xA, v4  }
0x45: {  	[dreg:$0x13] =	wrdreg s10;
	s10 =	sadd.s32 $0x6180, s0;
	v12 =	vld [tilespmem:s1+$0x0];
	s1 =	sor.u32 s11, s20;
	v3 =	vsel vm6, v1, v3;
	v1 =	vmax.f32 v1, v28;
	v4 =	vsel vm6, v2, v4  }
0x46: {  	[smem:$0x7DE] =	sst s12;
	s12 =	sadd.s32 $0x6200, s0;
	v13 =	vld [tilespmem:s1+$0x0];
	s1 =	sor.u32 s11, s10;
	vm7 =	vgt.f32 v29, v3;
	vm8 =	vgt.f32 v29, v1;
	v3 =	vmax.f32 v3, v29  }
0x47: {  	[dreg:$0x14] =	wrdreg s16;
	s16 =	sadd.s32 $0x6280, s0;
	v14 =	vld [tilespmem:s1+$0x0];
	s1 =	sor.u32 s11, s12;
	v2 =	vsel vm6, $0xA, v2;
	v4 =	vsel vm7, $0xB, v4;
	v3 =	vsel vm8, v1, v3  }
0x48: {  	[dreg:$0x15] =	wrdreg s20;
	s20 =	sadd.s32 $0x6300, s0;
	v15 =	vld [tilespmem:s1+$0x0];
	s1 =	sor.u32 s11, s16;
	v1 =	vmax.f32 v1, v29;
	v4 =	vsel vm8, v2, v4;
	v2 =	vsel vm8, $0xB, v2  }
0x49: {  	[dreg:$0x16] =	wrdreg s10;
	s10 =	sadd.s32 $0x6380, s0;
	v16 =	vld [tilespmem:s1+$0x0];
	s1 =	sor.u32 s11, s20;
	vm9 =	vgt.f32 v30, v3;
	vm10 =	vgt.f32 v30, v1;
	v3 =	vmax.f32 v3, v30  }
0x4a: {  	[dreg:$0x17] =	wrdreg s12;
	s12 =	sadd.s32 $0x7000, s0;
	v17 =	vld [tilespmem:s1+$0x0];
	s1 =	sor.u32 s11, s10;
	v4 =	vsel vm9, $0xC, v4;
	v3 =	vsel vm10, v1, v3;
	v1 =	vmax.f32 v1, v30  }
0x4b: {  	[dreg:$0x11] =	wrdreg s12;
	v18 =	vld [tilespmem:s1+$0x0];
	s1 =	sor.u32 s11, s12;
	s12 =	sor.u32 $0x10, s11;
	v4 =	vsel vm10, v2, v4;
	v2 =	vsel vm10, $0xC, v2;
	vm11 =	vgt.f32 v31, v3  }
0x4c: {  	[dreg:$0x1a] =	wrdreg s10;
	s10 =	sor.u32 s12, s0;
	vm12 =	vgt.f32 v31, v1;
	v3 =	vmax.f32 v3, v31;
	v4 =	vsel vm11, $0xD, v4  }
0x4d: {  	v21 =	vld [tilespmem:s10+$0x0];
	v3 =	vsel vm12, v1, v3;
	v1 =	vmax.f32 v1, v31;
	v4 =	vsel vm12, v2, v4  }
0x4e: {  	v8 =	vld [tilespmem:s10+$0x80];
	vm13 =	vgt.f32 v32, v3;
	vm14 =	vgt.f32 v32, v1;
	v3 =	vmax.f32 v3, v32  }
0x4f: {  	v2 =	vsel vm12, $0xD, v2;
	v4 =	vsel vm13, $0xE, v4;
	v3 =	vsel vm14, v1, v3  }
0x50: {  	v1 =	vmax.f32 v1, v32;
	v4 =	vsel vm14, v2, v4;
	v2 =	vsel vm14, $0xE, v2  }
0x51: {  	vm15 =	vgt.f32 v33, v3;
	vm4 =	vgt.f32 v33, v1;
	v3 =	vmax.f32 v3, v33  }
0x52: {  	v4 =	vsel vm15, $0xF, v4;
	v3 =	vsel vm4, v1, v3;
	v1 =	vmax.f32 v1, v33  }
0x53: {  	v7 =	vmax.f32 v21, v8;
	v4 =	vsel vm4, v2, v4;
	v2 =	vsel vm4, $0xF, v2  }
0x54: {  	vm5 =	vgt.f32 v34, v3;
	vm6 =	vgt.f32 v34, v1;
	v3 =	vmax.f32 v3, v34  }
0x55: {  	v4 =	vsel vm5, $0x10, v4;
	v3 =	vsel vm6, v1, v3;
	v1 =	vmax.f32 v1, v34  }
0x56: {  	v4 =	vsel vm6, v2, v4;
	v2 =	vsel vm6, $0x10, v2;
	vm7 =	vgt.f32 v35, v3  }
0x57: {  	vm8 =	vgt.f32 v35, v1;
	v3 =	vmax.f32 v3, v35;
	v4 =	vsel vm7, $0x11, v4  }
0x58: {  	v3 =	vsel vm8, v1, v3;
	v1 =	vmax.f32 v1, v35;
	v4 =	vsel vm8, v2, v4  }
0x59: {  	vm9 =	vgt.f32 v36, v3;
	vm10 =	vgt.f32 v36, v1;
	v3 =	vmax.f32 v3, v36  }
0x5a: {  	v2 =	vsel vm8, $0x11, v2;
	v4 =	vsel vm9, $0x12, v4;
	v3 =	vsel vm10, v1, v3  }
0x5b: {  	v1 =	vmax.f32 v1, v36;
	v4 =	vsel vm10, v2, v4;
	v2 =	vsel vm10, $0x12, v2  }
0x5c: {  	vm11 =	vgt.f32 v37, v3;
	vm12 =	vgt.f32 v37, v1;
	v3 =	vmax.f32 v3, v37  }
0x5d: {  	v4 =	vsel vm11, $0x13, v4;
	v3 =	vsel vm12, v1, v3;
	v1 =	vmax.f32 v1, v37  }
0x5e: {  	v4 =	vsel vm12, v2, v4;
	v2 =	vsel vm12, $0x13, v2;
	vm13 =	vgt.f32 v38, v3  }
0x5f: {  	vm14 =	vgt.f32 v38, v1;
	v3 =	vmax.f32 v3, v38;
	v4 =	vsel vm13, $0x14, v4  }
0x60: {  	v3 =	vsel vm14, v1, v3;
	v1 =	vmax.f32 v1, v38;
	v4 =	vsel vm14, v2, v4  }
0x61: {  	vm15 =	vgt.f32 v39, v3;
	vm4 =	vgt.f32 v39, v1;
	v3 =	vmax.f32 v3, v39  }
0x62: {  	v2 =	vsel vm14, $0x14, v2;
	v4 =	vsel vm15, $0x15, v4;
	v3 =	vsel vm4, v1, v3  }
0x63: {  	v1 =	vmax.f32 v1, v39;
	v4 =	vsel vm4, v2, v4;
	v2 =	vsel vm4, $0x15, v2  }
0x64: {  	vm5 =	vgt.f32 v40, v3;
	vm6 =	vgt.f32 v40, v1;
	v3 =	vmax.f32 v3, v40  }
0x65: {  	v4 =	vsel vm5, $0x16, v4;
	v3 =	vsel vm6, v1, v3;
	v1 =	vmax.f32 v1, v40  }
0x66: {  	v4 =	vsel vm6, v2, v4;
	v2 =	vsel vm6, $0x16, v2;
	vm7 =	vgt.f32 v41, v3  }
0x67: {  	vm8 =	vgt.f32 v41, v1;
	v3 =	vmax.f32 v3, v41;
	v4 =	vsel vm7, $0x17, v4  }
0x68: {  	v3 =	vsel vm8, v1, v3;
	v1 =	vmax.f32 v1, v41;
	v4 =	vsel vm8, v2, v4  }
0x69: {  	vm9 =	vgt.f32 v42, v3;
	vm10 =	vgt.f32 v42, v1;
	v3 =	vmax.f32 v3, v42  }
0x6a: {  	v2 =	vsel vm8, $0x17, v2;
	v4 =	vsel vm9, $0x18, v4;
	v3 =	vsel vm10, v1, v3  }
0x6b: {  	v1 =	vmax.f32 v1, v42;
	v4 =	vsel vm10, v2, v4;
	v2 =	vsel vm10, $0x18, v2  }
0x6c: {  	vm11 =	vgt.f32 v43, v3;
	vm12 =	vgt.f32 v43, v1;
	v3 =	vmax.f32 v3, v43  }
0x6d: {  	v4 =	vsel vm11, $0x19, v4;
	v3 =	vsel vm12, v1, v3;
	v1 =	vmax.f32 v1, v43  }
0x6e: {  	v4 =	vsel vm12, v2, v4;
	v2 =	vsel vm12, $0x19, v2;
	vm13 =	vgt.f32 v44, v3  }
0x6f: {  	vm14 =	vgt.f32 v44, v1;
	v3 =	vmax.f32 v3, v44;
	v4 =	vsel vm13, $0x1A, v4  }
0x70: {  	v3 =	vsel vm14, v1, v3;
	v1 =	vmax.f32 v1, v44;
	v4 =	vsel vm14, v2, v4  }
0x71: {  	vm15 =	vgt.f32 v45, v3;
	vm4 =	vgt.f32 v45, v1;
	v3 =	vmax.f32 v3, v45  }
0x72: {  	v2 =	vsel vm14, $0x1A, v2;
	v4 =	vsel vm15, $0x1B, v4;
	v3 =	vsel vm4, v1, v3  }
0x73: {  	v1 =	vmax.f32 v1, v45;
	v4 =	vsel vm4, v2, v4;
	v2 =	vsel vm4, $0x1B, v2  }
0x74: {  	vm5 =	vgt.f32 v46, v3;
	vm6 =	vgt.f32 v46, v1;
	v3 =	vmax.f32 v3, v46  }
0x75: {  	v4 =	vsel vm5, $0x1C, v4;
	v3 =	vsel vm6, v1, v3;
	v1 =	vmax.f32 v1, v46  }
0x76: {  	v4 =	vsel vm6, v2, v4;
	v2 =	vsel vm6, $0x1C, v2;
	vm7 =	vgt.f32 v47, v3  }
0x77: {  	vm8 =	vgt.f32 v47, v1;
	v3 =	vmax.f32 v3, v47;
	v4 =	vsel vm7, $0x1D, v4  }
0x78: {  	v3 =	vsel vm8, v1, v3;
	v1 =	vmax.f32 v1, v47;
	v4 =	vsel vm8, v2, v4  }
0x79: {  	vm9 =	vgt.f32 v48, v3;
	vm10 =	vgt.f32 v48, v1;
	v3 =	vmax.f32 v3, v48  }
0x7a: {  	v2 =	vsel vm8, $0x1D, v2;
	v4 =	vsel vm9, $0x1E, v4;
	v3 =	vsel vm10, v1, v3  }
0x7b: {  	v1 =	vmax.f32 v1, v48;
	v4 =	vsel vm10, v2, v4;
	v2 =	vsel vm10, $0x1E, v2  }
0x7c: {  	vm11 =	vgt.f32 v49, v3;
	vm12 =	vgt.f32 v49, v1;
	v3 =	vmax.f32 v3, v49  }
0x7d: {  	v4 =	vsel vm11, $0x1F, v4;
	v3 =	vsel vm12, v1, v3;
	v1 =	vmax.f32 v1, v49  }
0x7e: {  	v4 =	vsel vm12, v2, v4;
	v2 =	vsel vm12, $0x1F, v2;
	vm13 =	vgt.f32 v50, v3  }
0x7f: {  	vm14 =	vgt.f32 v50, v1;
	v3 =	vmax.f32 v3, v50;
	v4 =	vsel vm13, $0x20, v4  }
0x80: {  	v3 =	vsel vm14, v1, v3;
	v1 =	vmax.f32 v1, v50;
	v4 =	vsel vm14, v2, v4  }
0x81: {  	vm15 =	vgt.f32 v51, v3;
	vm4 =	vgt.f32 v51, v1;
	v3 =	vmax.f32 v3, v51  }
0x82: {  	v2 =	vsel vm14, $0x20, v2;
	v4 =	vsel vm15, $0x21, v4;
	v3 =	vsel vm4, v1, v3  }
0x83: {  	v1 =	vmax.f32 v1, v51;
	v4 =	vsel vm4, v2, v4;
	v2 =	vsel vm4, $0x21, v2  }
0x84: {  	vm5 =	vgt.f32 v52, v3;
	vm6 =	vgt.f32 v52, v1;
	v3 =	vmax.f32 v3, v52  }
0x85: {  	v4 =	vsel vm5, $0x22, v4;
	v3 =	vsel vm6, v1, v3;
	v1 =	vmax.f32 v1, v52  }
0x86: {  	v4 =	vsel vm6, v2, v4;
	v2 =	vsel vm6, $0x22, v2;
	vm7 =	vgt.f32 v53, v3  }
0x87: {  	vm8 =	vgt.f32 v53, v1;
	v3 =	vmax.f32 v3, v53;
	v4 =	vsel vm7, $0x23, v4  }
0x88: {  	v3 =	vsel vm8, v1, v3;
	v1 =	vmax.f32 v1, v53;
	v4 =	vsel vm8, v2, v4  }
0x89: {  	vm9 =	vgt.f32 v54, v3;
	vm10 =	vgt.f32 v54, v1;
	v3 =	vmax.f32 v3, v54  }
0x8a: {  	v2 =	vsel vm8, $0x23, v2;
	v4 =	vsel vm9, $0x24, v4;
	v3 =	vsel vm10, v1, v3  }
0x8b: {  	v1 =	vmax.f32 v1, v54;
	v4 =	vsel vm10, v2, v4;
	v2 =	vsel vm10, $0x24, v2  }
0x8c: {  	vm11 =	vgt.f32 v55, v3;
	vm12 =	vgt.f32 v55, v1;
	v3 =	vmax.f32 v3, v55  }
0x8d: {  	v4 =	vsel vm11, $0x25, v4;
	v3 =	vsel vm12, v1, v3;
	v1 =	vmax.f32 v1, v55  }
0x8e: {  	v4 =	vsel vm12, v2, v4;
	v2 =	vsel vm12, $0x25, v2;
	vm13 =	vgt.f32 v56, v3  }
0x8f: {  	vm14 =	vgt.f32 v56, v1;
	v3 =	vmax.f32 v3, v56;
	v4 =	vsel vm13, $0x26, v4  }
0x90: {  	v3 =	vsel vm14, v1, v3;
	v1 =	vmax.f32 v1, v56;
	v4 =	vsel vm14, v2, v4  }
0x91: {  	vm15 =	vgt.f32 v57, v3;
	vm4 =	vgt.f32 v57, v1;
	v3 =	vmax.f32 v3, v57  }
0x92: {  	v2 =	vsel vm14, $0x26, v2;
	v4 =	vsel vm15, $0x27, v4;
	v3 =	vsel vm4, v1, v3  }
0x93: {  	v1 =	vmax.f32 v1, v57;
	v4 =	vsel vm4, v2, v4;
	v2 =	vsel vm4, $0x27, v2  }
0x94: {  	vm5 =	vgt.f32 v58, v3;
	vm6 =	vgt.f32 v58, v1;
	v3 =	vmax.f32 v3, v58  }
0x95: {  	v4 =	vsel vm5, $0x28, v4;
	v3 =	vsel vm6, v1, v3;
	v1 =	vmax.f32 v1, v58  }
0x96: {  	v4 =	vsel vm6, v2, v4;
	v2 =	vsel vm6, $0x28, v2;
	vm7 =	vgt.f32 v59, v3  }
0x97: {  	vm8 =	vgt.f32 v59, v1;
	v3 =	vmax.f32 v3, v59;
	v4 =	vsel vm7, $0x29, v4  }
0x98: {  	v3 =	vsel vm8, v1, v3;
	v1 =	vmax.f32 v1, v59;
	v4 =	vsel vm8, v2, v4  }
0x99: {  	vm9 =	vgt.f32 v60, v3;
	vm10 =	vgt.f32 v60, v1;
	v3 =	vmax.f32 v3, v60  }
0x9a: {  	v2 =	vsel vm8, $0x29, v2;
	v4 =	vsel vm9, $0x2A, v4;
	v3 =	vsel vm10, v1, v3  }
0x9b: {  	v1 =	vmax.f32 v1, v60;
	v4 =	vsel vm10, v2, v4;
	v2 =	vsel vm10, $0x2A, v2  }
0x9c: {  	vm11 =	vgt.f32 v61, v3;
	vm12 =	vgt.f32 v61, v1;
	v3 =	vmax.f32 v3, v61  }
0x9d: {  	v4 =	vsel vm11, $0x2B, v4;
	v3 =	vsel vm12, v1, v3;
	v1 =	vmax.f32 v1, v61  }
0x9e: {  	v4 =	vsel vm12, v2, v4;
	v2 =	vsel vm12, $0x2B, v2;
	vm13 =	vgt.f32 v62, v3  }
0x9f: {  	vm14 =	vgt.f32 v62, v1;
	v3 =	vmax.f32 v3, v62;
	v4 =	vsel vm13, $0x2C, v4  }
0xa0: {  	v3 =	vsel vm14, v1, v3;
	v1 =	vmax.f32 v1, v62;
	v4 =	vsel vm14, v2, v4  }
0xa1: {  	vm15 =	vgt.f32 v63, v3;
	vm4 =	vgt.f32 v63, v1;
	v3 =	vmax.f32 v3, v63  }
0xa2: {  	v2 =	vsel vm14, $0x2C, v2;
	v4 =	vsel vm15, $0x2D, v4;
	v3 =	vsel vm4, v1, v3  }
0xa3: {  	v1 =	vmax.f32 v1, v63;
	v4 =	vsel vm4, v2, v4;
	v2 =	vsel vm4, $0x2D, v2  }
0xa4: {  	vm5 =	vgt.f32 v9, v3;
	vm6 =	vgt.f32 v9, v1;
	v3 =	vmax.f32 v3, v9  }
0xa5: {  	v4 =	vsel vm5, $0x2E, v4;
	v3 =	vsel vm6, v1, v3;
	v1 =	vmax.f32 v1, v9  }
0xa6: {  	v4 =	vsel vm6, v2, v4;
	v2 =	vsel vm6, $0x2E, v2;
	vm7 =	vgt.f32 v10, v3  }
0xa7: {  	vm8 =	vgt.f32 v10, v1;
	v3 =	vmax.f32 v3, v10;
	v4 =	vsel vm7, $0x2F, v4  }
0xa8: {  	v3 =	vsel vm8, v1, v3;
	v1 =	vmax.f32 v1, v10;
	v4 =	vsel vm8, v2, v4  }
0xa9: {  	vm9 =	vgt.f32 v11, v3;
	vm10 =	vgt.f32 v11, v1;
	v3 =	vmax.f32 v3, v11  }
0xaa: {  	v2 =	vsel vm8, $0x2F, v2;
	v4 =	vsel vm9, $0x30, v4;
	v3 =	vsel vm10, v1, v3  }
0xab: {  	v1 =	vmax.f32 v1, v11;
	v4 =	vsel vm10, v2, v4;
	v2 =	vsel vm10, $0x30, v2  }
0xac: {  	vm11 =	vgt.f32 v12, v3;
	vm12 =	vgt.f32 v12, v1;
	v3 =	vmax.f32 v3, v12  }
0xad: {  	v4 =	vsel vm11, $0x31, v4;
	v3 =	vsel vm12, v1, v3;
	v1 =	vmax.f32 v1, v12  }
0xae: {  	v4 =	vsel vm12, v2, v4;
	v2 =	vsel vm12, $0x31, v2;
	vm13 =	vgt.f32 v13, v3  }
0xaf: {  	vm14 =	vgt.f32 v13, v1;
	v3 =	vmax.f32 v3, v13;
	v4 =	vsel vm13, $0x32, v4  }
0xb0: {  	v3 =	vsel vm14, v1, v3;
	v1 =	vmax.f32 v1, v13;
	v4 =	vsel vm14, v2, v4  }
0xb1: {  	vm15 =	vgt.f32 v14, v3;
	vm4 =	vgt.f32 v14, v1;
	v3 =	vmax.f32 v3, v14  }
0xb2: {  	v2 =	vsel vm14, $0x32, v2;
	v4 =	vsel vm15, $0x33, v4;
	v3 =	vsel vm4, v1, v3  }
0xb3: {  	v1 =	vmax.f32 v1, v14;
	v4 =	vsel vm4, v2, v4;
	v2 =	vsel vm4, $0x33, v2  }
0xb4: {  	vm5 =	vgt.f32 v15, v3;
	vm6 =	vgt.f32 v15, v1;
	v3 =	vmax.f32 v3, v15  }
0xb5: {  	v4 =	vsel vm5, $0x34, v4;
	v3 =	vsel vm6, v1, v3;
	v1 =	vmax.f32 v1, v15  }
0xb6: {  	vm5 =	vgt.f32 v21, $-Inf;
	v4 =	vsel vm6, v2, v4;
	v2 =	vsel vm6, $0x34, v2  }
0xb7: {  	vm7 =	vgt.f32 v16, v3;
	vm8 =	vgt.f32 v16, v1;
	v3 =	vmax.f32 v3, v16  }
0xb8: {  	v10 =	vsel vm5, $0xFF800000, v21;
	vm6 =	vgt.f32 v8, v21;
	v4 =	vsel vm7, $0x35, v4  }
0xb9: {  	v9 =	vld [tilespmem:s10+$0x100];
	v3 =	vsel vm8, v1, v3;
	v1 =	vmax.f32 v1, v16;
	vm7 =	vmneg vm6  }
0xba: {  	vm3 =	vgt.f32 v8, v10;
	v23 =	vmax.f32 v10, v8;
	v25 =	vsel vm6, $0x1, v0  }
0xbb: {  	v4 =	vsel vm8, v2, v4;
	v2 =	vsel vm8, $0x35, v2;
	vm9 =	vgt.f32 v17, v3  }
0xbc: {  	vm10 =	vgt.f32 v17, v1;
	v3 =	vmax.f32 v3, v17;
	vm3 =	vmand vm7, vm3  }
0xbd: {  	v5 =	vsel vm7, v23, v21;
	v4 =	vsel vm9, $0x36, v4;
	v3 =	vsel vm10, v1, v3  }
0xbe: {  	v1 =	vmax.f32 v1, v17;
	v11 =	vsel vm3, $0x1, v0;
	vm8 =	vgt.f32 v9, v5  }
0xbf: {  	v24 =	vld [tilespmem:s10+$0x180];
	vm9 =	vgt.f32 v9, v7;
	v5 =	vmax.f32 v5, v9;
	v4 =	vsel vm10, v2, v4  }
0xc0: {  	v19 =	vld [tilespmem:s1+$0x0];
	v2 =	vsel vm10, $0x36, v2;
	vm11 =	vgt.f32 v18, v3;
	vm12 =	vgt.f32 v18, v1  }
0xc1: {  	v3 =	vmax.f32 v3, v18;
	v11 =	vsel vm8, $0x2, v11;
	v5 =	vsel vm9, v7, v5  }
0xc2: {  	v7 =	vmax.f32 v7, v9;
	v8 =	vsel vm9, $0x2, v25;
	v4 =	vsel vm11, $0x37, v4  }
0xc3: {  	[dreg:$0x18] =	wrdreg s16;
	s16 =	sadd.s32 $0x7080, s0;
	v3 =	vsel vm12, v1, v3;
	v1 =	vmax.f32 v1, v18;
	v11 =	vsel vm9, v25, v11  }
0xc4: {  	s1 =	sor.u32 s11, s16;
	vm11 =	vgt.f32 v24, v5;
	v5 =	vmax.f32 v5, v24;
	v4 =	vsel vm12, v2, v4  }
0xc5: {  	v20 =	vld [tilespmem:s1+$0x0];
	vm13 =	vgt.f32 v19, v1;
	vm14 =	vgt.f32 v19, v3;
	v3 =	vmax.f32 v3, v19  }
0xc6: {  	v12 =	vld [tilespmem:s10+$0x200];
	v2 =	vsel vm12, $0x37, v2;
	vm12 =	vgt.f32 v24, v7;
	v26 =	vsel vm11, $0x3, v11  }
0xc7: {  	[dreg:$0x19] =	wrdreg s20;
	s20 =	sadd.s32 $0x7100, s0;
	v4 =	vsel vm14, $0x38, v4;
	v3 =	vsel vm13, v1, v3;
	v1 =	vmax.f32 v1, v19  }
0xc8: {  	[dreg:$0x1b] =	wrdreg s20;
	s20 =	sor.u32 s11, s20;
	v5 =	vsel vm12, v7, v5;
	v9 =	vsel vm12, v8, v26;
	v7 =	vmax.f32 v7, v24  }
0xc9: {  	v22 =	vld [tilespmem:s20+$0x0];
	v8 =	vsel vm12, $0x3, v8;
	v4 =	vsel vm13, v2, v4;
	v2 =	vsel vm13, $0x38, v2  }
0xca: {  	vm15 =	vgt.f32 v20, v1;
	vm4 =	vgt.f32 v20, v3;
	v3 =	vmax.f32 v3, v20  }
0xcb: {  	v27 =	vld [tilespmem:s10+$0x280];
	vm13 =	vgt.f32 v12, v5;
	vm14 =	vgt.f32 v12, v7;
	v5 =	vmax.f32 v5, v12  }
0xcc: {  	v4 =	vsel vm4, $0x39, v4;
	v3 =	vsel vm15, v1, v3;
	v1 =	vmax.f32 v1, v20  }
0xcd: {  	v9 =	vsel vm13, $0x4, v9;
	v5 =	vsel vm14, v7, v5;
	v7 =	vmax.f32 v7, v12  }
0xce: {  	[dreg:$0x9] =	wrdreg s3;
	s20 =	sadd.s32 $0x7180, s0;
	v4 =	vsel vm15, v2, v4;
	v2 =	vsel vm15, $0x39, v2;
	vm0 =	vgt.f32 v22, v1  }
0xcf: {  	[dreg:$0x10] =	wrdreg s16;
	s16 =	sor.u32 s12, s3;
	s3 =	sor.u32 s11, s20;
	v28 =	vld [tilespmem:s10+$0x300];
	vm10 =	vgt.f32 v22, v3;
	v3 =	vmax.f32 v3, v22;
	v9 =	vsel vm14, v8, v9  }
0xd0: {  	v33 =	vld [tilespmem:s3+$0x0];
	v8 =	vsel vm14, $0x4, v8;
	vm15 =	vgt.f32 v27, v5;
	vm4 =	vgt.f32 v27, v7  }
0xd1: {  	v5 =	vmax.f32 v5, v27;
	v4 =	vsel vm10, $0x3A, v4;
	v9 =	vsel vm15, $0x5, v9  }
0xd2: {  	v3 =	vsel vm0, v1, v3;
	v5 =	vsel vm4, v7, v5;
	v7 =	vmax.f32 v7, v27  }
0xd3: {  	v1 =	vmax.f32 v1, v22;
	v9 =	vsel vm4, v8, v9;
	v8 =	vsel vm4, $0x5, v8  }
0xd4: {  	[dreg:$0xb] =	wrdreg s4;
	s4 =	sor.u32 s12, s4;
	v29 =	vld [tilespmem:s10+$0x380];
	s3 =	sadd.s32 $0x7200, s0;
	vm5 =	vgt.f32 v28, v5;
	vm6 =	vgt.f32 v28, v7;
	v5 =	vmax.f32 v5, v28  }
0xd5: {  	v34 =	vld [tilespmem:s4+$0x0];
	s4 =	sor.u32 s11, s3;
	v4 =	vsel vm0, v2, v4;
	v2 =	vsel vm0, $0x3A, v2;
	vm0 =	vgt.f32 v33, v1  }
0xd6: {  	v42 =	vld [tilespmem:s4+$0x0];
	vm15 =	vgt.f32 v33, v3;
	v3 =	vmax.f32 v3, v33;
	v9 =	vsel vm5, $0x6, v9  }
0xd7: {  	[dreg:$0x8] =	wrdreg s9;
	s9 =	sor.u32 s12, s9;
	v5 =	vsel vm6, v7, v5;
	v7 =	vmax.f32 v7, v28;
	v4 =	vsel vm15, $0x3B, v4  }
0xd8: {  	v30 =	vld [tilespmem:s9+$0x0];
	v3 =	vsel vm0, v1, v3;
	v1 =	vmax.f32 v1, v33;
	v9 =	vsel vm6, v8, v9  }
0xd9: {  	v8 =	vsel vm6, $0x6, v8;
	vm7 =	vgt.f32 v29, v5;
	vm8 =	vgt.f32 v29, v7  }
0xda: {  	v31 =	vld [tilespmem:s16+$0x0];
	v5 =	vmax.f32 v5, v29;
	v4 =	vsel vm0, v2, v4;
	v2 =	vsel vm0, $0x3B, v2  }
0xdb: {  	vm0 =	vgt.f32 v42, v1;
	v9 =	vsel vm7, $0x7, v9;
	v5 =	vsel vm8, v7, v5  }
0xdc: {  	v7 =	vmax.f32 v7, v29;
	v32 =	vsel vm8, v8, v9;
	v8 =	vsel vm8, $0x7, v8  }
0xdd: {  	vm9 =	vgt.f32 v30, v5;
	vm10 =	vgt.f32 v30, v7;
	v5 =	vmax.f32 v5, v30  }
0xde: {  	v6 =	vsel vm9, $0x8, v32;
	v5 =	vsel vm10, v7, v5;
	v7 =	vmax.f32 v7, v30  }
0xdf: {  	[dreg:$0xc] =	wrdreg s5;
	s5 =	sor.u32 s12, s5;
	v6 =	vsel vm10, v8, v6;
	v8 =	vsel vm10, $0x8, v8;
	vm11 =	vgt.f32 v31, v5  }
0xe0: {  	v35 =	vld [tilespmem:s5+$0x0];
	vm12 =	vgt.f32 v31, v7;
	v5 =	vmax.f32 v5, v31;
	v6 =	vsel vm11, $0x9, v6  }
0xe1: {  	[dreg:$0xd] =	wrdreg s6;
	s6 =	sor.u32 s12, s6;
	v5 =	vsel vm12, v7, v5;
	v7 =	vmax.f32 v7, v31;
	v6 =	vsel vm12, v8, v6  }
0xe2: {  	v36 =	vld [tilespmem:s6+$0x0];
	vm13 =	vgt.f32 v34, v5;
	vm14 =	vgt.f32 v34, v7;
	v5 =	vmax.f32 v5, v34  }
0xe3: {  	v8 =	vsel vm12, $0x9, v8;
	v6 =	vsel vm13, $0xA, v6;
	v5 =	vsel vm14, v7, v5  }
0xe4: {  	s9 =	sor.u32 s12, s7;
	v7 =	vmax.f32 v7, v34;
	v6 =	vsel vm14, v8, v6;
	v8 =	vsel vm14, $0xA, v8  }
0xe5: {  	v37 =	vld [tilespmem:s9+$0x0];
	vm6 =	vgt.f32 v35, v5;
	vm7 =	vgt.f32 v35, v7;
	v5 =	vmax.f32 v5, v35  }
0xe6: {  	v6 =	vsel vm6, $0xB, v6;
	v5 =	vsel vm7, v7, v5;
	v7 =	vmax.f32 v7, v35  }
0xe7: {  	s10 =	sor.u32 s12, s8;
	v6 =	vsel vm7, v8, v6;
	v8 =	vsel vm7, $0xB, v8;
	vm8 =	vgt.f32 v36, v5  }
0xe8: {  	[smem:$0x7EA] =	sst s22;
	v38 =	vld [tilespmem:s10+$0x0];
	vm9 =	vgt.f32 v36, v7;
	v5 =	vmax.f32 v5, v36;
	v6 =	vsel vm8, $0xC, v6  }
0xe9: {  	[dreg:$0xe] =	wrdreg s7;
	v5 =	vsel vm9, v7, v5;
	v7 =	vmax.f32 v7, v36;
	v6 =	vsel vm9, v8, v6  }
0xea: {  	s7 =	sor.u32 s12, s22;
	s10 =	smov.u32 s22;
	s22 =	sadd.s32 $0x7280, s0;
	vm10 =	vgt.f32 v37, v5;
	vm11 =	vgt.f32 v37, v7;
	v5 =	vmax.f32 v5, v37  }
0xeb: {  	[dreg:$0x1d] =	wrdreg s3;
	s3 =	sor.u32 s11, s22;
	v8 =	vsel vm9, $0xC, v8;
	v6 =	vsel vm10, $0xD, v6;
	v5 =	vsel vm11, v7, v5  }
0xec: {  	s16 =	sor.u32 s12, s28;
	v51 =	vld [tilespmem:s3+$0x0];
	v7 =	vmax.f32 v7, v37;
	vm10 =	vgt.f32 v42, v3;
	v3 =	vmax.f32 v3, v42  }
0xed: {  	v39 =	vld [tilespmem:s16+$0x0];
	v6 =	vsel vm11, v8, v6;
	v8 =	vsel vm11, $0xD, v8;
	vm12 =	vgt.f32 v38, v5  }
0xee: {  	vm13 =	vgt.f32 v38, v7;
	v5 =	vmax.f32 v5, v38;
	v4 =	vsel vm10, $0x3C, v4  }
0xef: {  	[dreg:$0xa] =	wrdreg s28;
	s28 =	sor.u32 s12, s30;
	v3 =	vsel vm0, v1, v3;
	v1 =	vmax.f32 v1, v42;
	v6 =	vsel vm12, $0xE, v6  }
0xf0: {  	v40 =	vld [tilespmem:s28+$0x0];
	v5 =	vsel vm13, v7, v5;
	v7 =	vmax.f32 v7, v38;
	v4 =	vsel vm0, v2, v4  }
0xf1: {  	s1 =	sor.u32 s12, s31;
	v2 =	vsel vm0, $0x3C, v2;
	vm0 =	vgt.f32 v51, v1;
	v6 =	vsel vm13, v8, v6  }
0xf2: {  	v41 =	vld [tilespmem:s1+$0x0];
	vm14 =	vgt.f32 v39, v5;
	vm15 =	vgt.f32 v39, v7;
	v5 =	vmax.f32 v5, v39  }
0xf3: {  	v8 =	vsel vm13, $0xE, v8;
	v6 =	vsel vm14, $0xF, v6;
	v5 =	vsel vm15, v7, v5  }
0xf4: {  	s5 =	sor.u32 s12, s17;
	v7 =	vmax.f32 v7, v39;
	v6 =	vsel vm15, v8, v6;
	v8 =	vsel vm15, $0xF, v8  }
0xf5: {  	v43 =	vld [tilespmem:s5+$0x0];
	vm4 =	vgt.f32 v40, v5;
	vm5 =	vgt.f32 v40, v7;
	v5 =	vmax.f32 v5, v40  }
0xf6: {  	v6 =	vsel vm4, $0x10, v6;
	v5 =	vsel vm5, v7, v5;
	v7 =	vmax.f32 v7, v40  }
0xf7: {  	s6 =	sor.u32 s12, s18;
	v6 =	vsel vm5, v8, v6;
	v8 =	vsel vm5, $0x10, v8;
	vm6 =	vgt.f32 v41, v5  }
0xf8: {  	v44 =	vld [tilespmem:s6+$0x0];
	vm7 =	vgt.f32 v41, v7;
	v5 =	vmax.f32 v5, v41;
	v6 =	vsel vm6, $0x11, v6  }
0xf9: {  	v5 =	vsel vm7, v7, v5;
	v7 =	vmax.f32 v7, v41;
	v6 =	vsel vm7, v8, v6  }
0xfa: {  	v45 =	vld [tilespmem:s7+$0x0];
	vm8 =	vgt.f32 v43, v5;
	vm9 =	vgt.f32 v43, v7;
	v5 =	vmax.f32 v5, v43  }
0xfb: {  	v8 =	vsel vm7, $0x11, v8;
	v6 =	vsel vm8, $0x12, v6;
	v5 =	vsel vm9, v7, v5  }
0xfc: {  	[dreg:$0xf] =	wrdreg s8;
	s8 =	sor.u32 s12, s29;
	v7 =	vmax.f32 v7, v43;
	v6 =	vsel vm9, v8, v6;
	v8 =	vsel vm9, $0x12, v8  }
0xfd: {  	v46 =	vld [tilespmem:s8+$0x0];
	vm11 =	vgt.f32 v44, v5;
	vm12 =	vgt.f32 v44, v7;
	v5 =	vmax.f32 v5, v44  }
0xfe: {  	v6 =	vsel vm11, $0x13, v6;
	v5 =	vsel vm12, v7, v5;
	v7 =	vmax.f32 v7, v44  }
0xff: {  	[smem:$0x7DF] =	sst s14;
	s14 =	sor.u32 s12, s14;
	v6 =	vsel vm12, v8, v6;
	v8 =	vsel vm12, $0x13, v8;
	vm13 =	vgt.f32 v45, v5  }
0x100: {  	[smem:$0x7E1] =	sst s15;
	v47 =	vld [tilespmem:s14+$0x0];
	vm14 =	vgt.f32 v45, v7;
	v5 =	vmax.f32 v5, v45;
	v6 =	vsel vm13, $0x14, v6  }
0x101: {  	[smem:$0x7E2] =	sst s21;
	v5 =	vsel vm14, v7, v5;
	v7 =	vmax.f32 v7, v45;
	v6 =	vsel vm14, v8, v6  }
0x102: {  	[dreg:$0x1c] =	wrdreg s20;
	s20 =	sadd.s32 $0x7300, s0;
	vm15 =	vgt.f32 v46, v5;
	vm4 =	vgt.f32 v46, v7;
	v5 =	vmax.f32 v5, v46  }
0x103: {  	s7 =	sor.u32 s12, s15;
	s15 =	sor.u32 s12, s21;
	s21 =	sor.u32 s11, s20;
	v8 =	vsel vm14, $0x14, v8;
	v6 =	vsel vm15, $0x15, v6;
	v5 =	vsel vm4, v7, v5  }
0x104: {  	s16 =	sor.u32 s12, s13;
	v60 =	vld [tilespmem:s21+$0x0];
	v7 =	vmax.f32 v7, v46;
	vm15 =	vgt.f32 v51, v3;
	v3 =	vmax.f32 v3, v51  }
0x105: {  	v48 =	vld [tilespmem:s16+$0x0];
	v6 =	vsel vm4, v8, v6;
	v8 =	vsel vm4, $0x15, v8;
	vm5 =	vgt.f32 v47, v5  }
0x106: {  	vm6 =	vgt.f32 v47, v7;
	v5 =	vmax.f32 v5, v47;
	v4 =	vsel vm15, $0x3D, v4  }
0x107: {  	[smem:$0x7E8] =	sst s17;
	s28 =	smov.u32 s17;
	s17 =	sor.u32 s12, s24;
	v3 =	vsel vm0, v1, v3;
	v1 =	vmax.f32 v1, v51;
	v6 =	vsel vm5, $0x16, v6  }
0x108: {  	[smem:$0x7E9] =	sst s18;
	s9 =	smov.u32 s18;
	s18 =	sor.u32 s12, s19;
	v49 =	vld [tilespmem:s17+$0x0];
	v5 =	vsel vm6, v7, v5;
	v7 =	vmax.f32 v7, v47;
	v4 =	vsel vm0, v2, v4  }
0x109: {  	v50 =	vld [tilespmem:s18+$0x0];
	s18 =	sld [smem:$0x7EE];
	v2 =	vsel vm0, $0x3D, v2;
	vm0 =	vgt.f32 v60, v1;
	v6 =	vsel vm6, v8, v6  }
0x10a: {  	vm7 =	vgt.f32 v48, v5;
	vm8 =	vgt.f32 v48, v7;
	v5 =	vmax.f32 v5, v48  }
0x10b: {  	v8 =	vsel vm6, $0x16, v8;
	v6 =	vsel vm7, $0x17, v6;
	v5 =	vsel vm8, v7, v5  }
0x10c: {  	s17 =	sld [smem:$0x7EF];
	s4 =	sor.u32 s12, s18;
	v7 =	vmax.f32 v7, v48;
	v6 =	vsel vm8, v8, v6;
	v8 =	vsel vm8, $0x17, v8  }
0x10d: {  	s16 =	sld [smem:$0x7F0];
	v52 =	vld [tilespmem:s4+$0x0];
	vm9 =	vgt.f32 v49, v5;
	vm10 =	vgt.f32 v49, v7;
	v5 =	vmax.f32 v5, v49  }
0x10e: {  	v6 =	vsel vm9, $0x18, v6;
	v5 =	vsel vm10, v7, v5;
	v7 =	vmax.f32 v7, v49  }
0x10f: {  	s5 =	sor.u32 s12, s17;
	v6 =	vsel vm10, v8, v6;
	v8 =	vsel vm10, $0x18, v8;
	vm11 =	vgt.f32 v50, v5  }
0x110: {  	s6 =	sor.u32 s12, s16;
	v53 =	vld [tilespmem:s5+$0x0];
	vm12 =	vgt.f32 v50, v7;
	v5 =	vmax.f32 v5, v50;
	v6 =	vsel vm11, $0x19, v6  }
0x111: {  	s14 =	sor.u32 s12, s25;
	v54 =	vld [tilespmem:s6+$0x0];
	v5 =	vsel vm12, v7, v5;
	v7 =	vmax.f32 v7, v50;
	v6 =	vsel vm12, v8, v6  }
0x112: {  	v58 =	vld [tilespmem:s14+$0x0];
	s14 =	sld [smem:$0x7F5];
	vm13 =	vgt.f32 v52, v5;
	vm14 =	vgt.f32 v52, v7;
	v5 =	vmax.f32 v5, v52  }
0x113: {  	[dreg:$0x1e] =	wrdreg s22;
	v8 =	vsel vm12, $0x19, v8;
	v6 =	vsel vm13, $0x1A, v6;
	v5 =	vsel vm14, v7, v5  }
0x114: {  	s22 =	sld [smem:$0x7F1];
	v7 =	vmax.f32 v7, v52;
	v6 =	vsel vm14, v8, v6;
	v8 =	vsel vm14, $0x1A, v8  }
0x115: {  	v55 =	vld [tilespmem:s7+$0x0];
	vm6 =	vgt.f32 v53, v5;
	vm7 =	vgt.f32 v53, v7;
	v5 =	vmax.f32 v5, v53  }
0x116: {  	s6 =	sor.u32 s12, s14;
	v6 =	vsel vm6, $0x1B, v6;
	v5 =	vsel vm7, v7, v5;
	v7 =	vmax.f32 v7, v53  }
0x117: {  	s8 =	sor.u32 s12, s22;
	v16 =	vld [tilespmem:s6+$0x0];
	s6 =	sld [smem:$0x7F7];
	v6 =	vsel vm7, v8, v6;
	v8 =	vsel vm7, $0x1B, v8;
	vm8 =	vgt.f32 v54, v5  }
0x118: {  	[smem:$0x7E3] =	sst s23;
	v56 =	vld [tilespmem:s8+$0x0];
	vm9 =	vgt.f32 v54, v7;
	v5 =	vmax.f32 v5, v54;
	v6 =	vsel vm8, $0x1C, v6  }
0x119: {  	[smem:$0x7F9] =	sst s2;
	v5 =	vsel vm9, v7, v5;
	v7 =	vmax.f32 v7, v54;
	v6 =	vsel vm9, v8, v6  }
0x11a: {  	s1 =	sor.u32 s12, s23;
	s23 =	sadd.s32 $0x7380, s0;
	s8 =	sor.u32 s12, s6;
	vm10 =	vgt.f32 v55, v5;
	vm11 =	vgt.f32 v55, v7;
	v5 =	vmax.f32 v5, v55  }
0x11b: {  	s21 =	sor.u32 s12, s2;
	v18 =	vld [tilespmem:s8+$0x0];
	s8 =	smov.u32 s2;
	s2 =	sor.u32 s11, s23;
	v8 =	vsel vm9, $0x1C, v8;
	v6 =	vsel vm10, $0x1D, v6;
	v5 =	vsel vm11, v7, v5  }
0x11c: {  	[smem:$0x7E0] =	sst s13;
	s13 =	sor.u32 s12, s26;
	v21 =	vld [tilespmem:s2+$0x0];
	v7 =	vmax.f32 v7, v55;
	vm10 =	vgt.f32 v60, v3;
	v3 =	vmax.f32 v3, v60  }
0x11d: {  	v57 =	vld [tilespmem:s13+$0x0];
	v6 =	vsel vm11, v8, v6;
	v8 =	vsel vm11, $0x1D, v8;
	vm12 =	vgt.f32 v56, v5  }
0x11e: {  	vm13 =	vgt.f32 v56, v7;
	v5 =	vmax.f32 v5, v56;
	v4 =	vsel vm10, $0x3E, v4  }
0x11f: {  	v3 =	vsel vm0, v1, v3;
	v1 =	vmax.f32 v1, v60;
	v6 =	vsel vm12, $0x1E, v6  }
0x120: {  	v5 =	vsel vm13, v7, v5;
	v7 =	vmax.f32 v7, v56;
	v4 =	vsel vm0, v2, v4  }
0x121: {  	v2 =	vsel vm0, $0x3E, v2;
	vm0 =	vgt.f32 v21, v1;
	v13 =	vmax.f32 v3, v21  }
0x122: {  	v6 =	vsel vm13, v8, v6;
	v8 =	vsel vm13, $0x1E, v8;
	vm14 =	vgt.f32 v57, v5  }
0x123: {  	vm15 =	vgt.f32 v57, v7;
	v5 =	vmax.f32 v5, v57;
	v13 =	vsel vm0, v1, v13  }
0x124: {  	v59 =	vld [tilespmem:s15+$0x0];
	v1 =	vmax.f32 v1, v21;
	v6 =	vsel vm14, $0x1F, v6;
	v5 =	vsel vm15, v7, v5  }
0x125: {  	s3 =	sld [smem:$0x7E4];
	v7 =	vmax.f32 v7, v57;
	v1 =	vsub.f32 v13, v1;
	v6 =	vsel vm15, v8, v6  }
0x126: {  	vm4 =	vgt.f32 v58, v5;
	vm5 =	vgt.f32 v58, v7;
	v5 =	vmax.f32 v5, v58  }
0x127: {  	v61 =	vld [tilespmem:s1+$0x0];
	v8 =	vsel vm15, $0x1F, v8;
	v6 =	vsel vm4, $0x20, v6;
	v5 =	vsel vm5, v7, v5  }
0x128: {  	s4 =	sor.u32 s12, s3;
	s3 =	sld [smem:$0x7F4];
	v7 =	vmax.f32 v7, v58;
	v1 =	vmul.f32 $1.442695020e+00, v1;
	v6 =	vsel vm5, v8, v6  }
0x129: {  	vm6 =	vgt.f32 v59, v5;
	vm7 =	vgt.f32 v59, v7;
	v5 =	vmax.f32 v5, v59  }
0x12a: {  	v62 =	vld [tilespmem:s4+$0x0];
	v8 =	vsel vm5, $0x20, v8;
	v6 =	vsel vm6, $0x21, v6;
	v5 =	vsel vm7, v7, v5  }
0x12b: {  	s5 =	sor.u32 s12, s3;
	v7 =	vmax.f32 v7, v59;
	(erf) = vpow2.f32 v1;
	v6 =	vsel vm7, v8, v6  }
0x12c: {  	v63 =	vld [tilespmem:s5+$0x0];
	vm8 =	vgt.f32 v61, v5;
	vm9 =	vgt.f32 v61, v7;
	v5 =	vmax.f32 v5, v61  }
0x12d: {  	v8 =	vsel vm7, $0x21, v8;
	v6 =	vsel vm8, $0x22, v6;
	v5 =	vsel vm9, v7, v5  }
0x12e: {  	s15 =	sld [smem:$0x7F6];
	v7 =	vmax.f32 v7, v61;
	v6 =	vsel vm9, v8, v6;
	v8 =	vsel vm9, $0x22, v8  }
0x12f: {  	vm11 =	vgt.f32 v62, v5;
	vm12 =	vgt.f32 v62, v7;
	v5 =	vmax.f32 v5, v62  }
0x130: {  	v6 =	vsel vm11, $0x23, v6;
	v5 =	vsel vm12, v7, v5;
	v7 =	vmax.f32 v7, v62  }
0x131: {  	s7 =	sor.u32 s12, s15;
	v6 =	vsel vm12, v8, v6;
	v8 =	vsel vm12, $0x23, v8;
	vm13 =	vgt.f32 v63, v5  }
0x132: {  	v17 =	vld [tilespmem:s7+$0x0];
	s7 =	sld [smem:$0x7F8];
	vm14 =	vgt.f32 v63, v7;
	v5 =	vmax.f32 v5, v63;
	v6 =	vsel vm13, $0x24, v6  }
0x133: {  	v5 =	vsel vm14, v7, v5;
	v7 =	vmax.f32 v7, v63;
	v6 =	vsel vm14, v8, v6  }
0x134: {  	vm15 =	vgt.f32 v16, v5;
	vm4 =	vgt.f32 v16, v7;
	v5 =	vmax.f32 v5, v16  }
0x135: {  	s13 =	sor.u32 s12, s7;
	v8 =	vsel vm14, $0x24, v8;
	v6 =	vsel vm15, $0x25, v6;
	v5 =	vsel vm4, v7, v5  }
0x136: {  	v19 =	vld [tilespmem:s13+$0x0];
	s13 =	sld [smem:$0x7FA];
	v7 =	vmax.f32 v7, v16;
	v6 =	vsel vm4, v8, v6;
	v8 =	vsel vm4, $0x25, v8  }
0x137: {  	vm5 =	vgt.f32 v17, v5;
	vm6 =	vgt.f32 v17, v7;
	v5 =	vmax.f32 v5, v17  }
0x138: {  	[smem:$0x7E5] =	sst s23;
	v41 =	vpop (erf);
	v6 =	vsel vm5, $0x26, v6;
	v5 =	vsel vm6, v7, v5;
	v7 =	vmax.f32 v7, v17  }
0x139: {  	s23 =	rddreg [dreg:$0x12];
	v20 =	vld [tilespmem:s21+$0x0];
	s4 =	sor.u32 s12, s13;
	v10 =	vadd.f32 $1.000000000e+00, v41;
	v6 =	vsel vm6, v8, v6;
	v8 =	vsel vm6, $0x26, v8  }
0x13a: {  	s1 =	sld [smem:$0x7FB];
	v22 =	vld [tilespmem:s4+$0x0];
	s4 =	sor.u32 s12, s23;
	vm7 =	vgt.f32 v18, v5;
	vm8 =	vgt.f32 v18, v7;
	v5 =	vmax.f32 v5, v18  }
0x13b: {  	v25 =	vld [tilespmem:s4+$0x0];
	s4 =	sld [smem:$0x7FD];
	v6 =	vsel vm7, $0x27, v6;
	v5 =	vsel vm8, v7, v5;
	v7 =	vmax.f32 v7, v18  }
0x13c: {  	(erf) = vrcp.f32 v10;
	v6 =	vsel vm8, v8, v6;
	v8 =	vsel vm8, $0x27, v8  }
0x13d: {  	s5 =	sor.u32 s12, s1;
	s2 =	sld [smem:$0x7FC];
	vm9 =	vgt.f32 v19, v5;
	vm10 =	vgt.f32 v19, v7;
	v5 =	vmax.f32 v5, v19  }
0x13e: {  	[dreg:$0x1f] =	wrdreg s20;
	v23 =	vld [tilespmem:s5+$0x0];
	s5 =	sor.u32 s12, s4;
	v6 =	vsel vm9, $0x28, v6;
	v5 =	vsel vm10, v7, v5;
	v7 =	vmax.f32 v7, v19  }
0x13f: {  	v26 =	vld [tilespmem:s5+$0x0];
	s5 =	sld [smem:$0x7DE];
	v6 =	vsel vm10, v8, v6;
	v8 =	vsel vm10, $0x28, v8;
	vm11 =	vgt.f32 v20, v5  }
0x140: {  	s20 =	rddreg [dreg:$0x13];
	s21 =	sor.u32 s12, s2;
	vm12 =	vgt.f32 v20, v7;
	v5 =	vmax.f32 v5, v20;
	v6 =	vsel vm11, $0x29, v6  }
0x141: {  	v24 =	vld [tilespmem:s21+$0x0];
	s21 =	sor.u32 s12, s20;
	v5 =	vsel vm12, v7, v5;
	v7 =	vmax.f32 v7, v20;
	v6 =	vsel vm12, v8, v6  }
0x142: {  	v27 =	vld [tilespmem:s21+$0x0];
	s21 =	rddreg [dreg:$0x14];
	s23 =	sor.u32 s12, s5;
	vm13 =	vgt.f32 v22, v5;
	vm14 =	vgt.f32 v22, v7;
	v5 =	vmax.f32 v5, v22  }
0x143: {  	s20 =	sor.u32 s12, s21;
	v28 =	vld [tilespmem:s23+$0x0];
	s23 =	rddreg [dreg:$0x15];
	v8 =	vsel vm12, $0x29, v8;
	v6 =	vsel vm13, $0x2A, v6;
	v5 =	vsel vm14, v7, v5  }
0x144: {  	s21 =	rddreg [dreg:$0x16];
	v29 =	vld [tilespmem:s20+$0x0];
	s20 =	sor.u32 s12, s23;
	v7 =	vmax.f32 v7, v22;
	v6 =	vsel vm14, v8, v6;
	v8 =	vsel vm14, $0x2A, v8  }
0x145: {  	s23 =	rddreg [dreg:$0x17];
	v33 =	vld [tilespmem:s20+$0x0];
	s20 =	sor.u32 s12, s21;
	vm15 =	vgt.f32 v23, v5;
	vm4 =	vgt.f32 v23, v7;
	v5 =	vmax.f32 v5, v23  }
0x146: {  	s21 =	rddreg [dreg:$0x18];
	v36 =	vld [tilespmem:s20+$0x0];
	s20 =	sor.u32 s12, s23;
	v6 =	vsel vm15, $0x2B, v6;
	v5 =	vsel vm4, v7, v5;
	v7 =	vmax.f32 v7, v23  }
0x147: {  	s23 =	rddreg [dreg:$0x19];
	v37 =	vld [tilespmem:s20+$0x0];
	s20 =	sor.u32 s12, s21;
	vm15 =	vgt.f32 v21, v3;
	v6 =	vsel vm4, v8, v6;
	v8 =	vsel vm4, $0x2B, v8  }
0x148: {  	s21 =	rddreg [dreg:$0x1a];
	v40 =	vld [tilespmem:s20+$0x0];
	s20 =	sor.u32 s12, s23;
	vm5 =	vgt.f32 v24, v5;
	vm6 =	vgt.f32 v24, v7;
	v5 =	vmax.f32 v5, v24  }
0x149: {  	s23 =	rddreg [dreg:$0x11];
	v42 =	vld [tilespmem:s20+$0x0];
	s20 =	sor.u32 s12, s21;
	v4 =	vsel vm15, $0x3F, v4;
	v6 =	vsel vm5, $0x2C, v6;
	v5 =	vsel vm6, v7, v5  }
0x14a: {  	v43 =	vld [tilespmem:s20+$0x0];
	s20 =	sor.u32 s12, s23;
	v7 =	vmax.f32 v7, v24;
	v6 =	vsel vm6, v8, v6;
	v8 =	vsel vm6, $0x2C, v8  }
0x14b: {  	s21 =	rddreg [dreg:$0x10];
	v44 =	vld [tilespmem:s20+$0x0];
	s20 =	sor.u32 $0x20, s11;
	vm7 =	vgt.f32 v25, v5;
	vm8 =	vgt.f32 v25, v7;
	v5 =	vmax.f32 v5, v25  }
0x14c: {  	s23 =	sor.u32 s12, s21;
	s21 =	sor.u32 s20, s0;
	v6 =	vsel vm7, $0x2D, v6;
	v5 =	vsel vm8, v7, v5;
	v7 =	vmax.f32 v7, v25  }
0x14d: {  	v46 =	vld [tilespmem:s21+$0x0];
	v6 =	vsel vm8, v8, v6;
	v8 =	vsel vm8, $0x2D, v8;
	vm9 =	vgt.f32 v26, v5  }
0x14e: {  	v47 =	vld [tilespmem:s21+$0x80];
	vm10 =	vgt.f32 v26, v7;
	v5 =	vmax.f32 v5, v26;
	v6 =	vsel vm9, $0x2E, v6  }
0x14f: {  	v5 =	vsel vm10, v7, v5;
	v7 =	vmax.f32 v7, v26;
	v6 =	vsel vm10, v8, v6  }
0x150: {  	v8 =	vsel vm10, $0x2E, v8;
	vm11 =	vgt.f32 v27, v5;
	vm12 =	vgt.f32 v27, v7  }
0x151: {  	v5 =	vmax.f32 v5, v27;
	v31 =	vmax.f32 v7, v27;
	v6 =	vsel vm11, $0x2F, v6  }
0x152: {  	v1 =	vsel vm12, v7, v5;
	v32 =	vsel vm12, $0x2F, v8;
	vm14 =	vgt.f32 v28, v31  }
0x153: {  	v34 =	vmax.f32 v31, v28;
	v7 =	vmax.f32 v46, v47;
	v30 =	vsel vm12, v8, v6  }
0x154: {  	vm13 =	vgt.f32 v28, v1;
	v1 =	vmax.f32 v1, v28;
	v35 =	vsel vm14, $0x30, v32  }
0x155: {  	vm7 =	vgt.f32 v29, v34;
	v5 =	vsel vm13, $0x30, v30;
	v1 =	vsel vm14, v31, v1  }
0x156: {  	v6 =	vsel vm7, $0x31, v35;
	v3 =	vsel vm14, v32, v5;
	vm6 =	vgt.f32 v29, v1  }
0x157: {  	v1 =	vmax.f32 v1, v29;
	v5 =	vmax.f32 v34, v29;
	v3 =	vsel vm6, $0x31, v3  }
0x158: {  	v1 =	vsel vm7, v34, v1;
	vm9 =	vgt.f32 v33, v5;
	v3 =	vsel vm7, v35, v3  }
0x159: {  	vm8 =	vgt.f32 v33, v1;
	v38 =	vmax.f32 v1, v33;
	v1 =	vsel vm0, v2, v4  }
0x15a: {  	v2 =	vcvt.s32.f32 v2;
	v3 =	vsel vm8, $0x32, v3;
	v39 =	vsel vm9, v5, v38  }
0x15b: {  	v5 =	vmax.f32 v5, v33;
	v1 =	vcvt.s32.f32 v1;
	v3 =	vsel vm9, v6, v3  }
0x15c: {  	v6 =	vsel vm9, $0x32, v6;
	vm10 =	vgt.f32 v36, v39;
	vm11 =	vgt.f32 v36, v5  }
0x15d: {  	v4 =	vmax.f32 v39, v36;
	v2 =	vsel vm0, $0x427C0000, v2;
	v3 =	vsel vm10, $0x33, v3  }
0x15e: {  	v4 =	vsel vm11, v5, v4;
	v5 =	vmax.f32 v5, v36;
	v3 =	vsel vm11, v6, v3  }
0x15f: {  	vm12 =	vgt.f32 v37, v4;
	vm13 =	vgt.f32 v37, v5;
	v4 =	vmax.f32 v4, v37  }
0x160: {  	v6 =	vsel vm11, $0x33, v6;
	v3 =	vsel vm12, $0x34, v3;
	v4 =	vsel vm13, v5, v4  }
0x161: {  	v5 =	vmax.f32 v5, v37;
	vm12 =	vgt.f32 v46, $-Inf;
	v3 =	vsel vm13, v6, v3  }
0x162: {  	v6 =	vsel vm13, $0x34, v6;
	vm14 =	vgt.f32 v40, v4;
	vm15 =	vgt.f32 v40, v5  }
0x163: {  	v4 =	vmax.f32 v4, v40;
	v49 =	vsel vm12, $0xFF800000, v46;
	vm13 =	vgt.f32 v47, v46  }
0x164: {  	v48 =	vld [tilespmem:s21+$0x100];
	v3 =	vsel vm14, $0x35, v3;
	v4 =	vsel vm15, v5, v4;
	v5 =	vmax.f32 v5, v40  }
0x165: {  	vm14 =	vmneg vm13;
	v11 =	vmax.f32 v49, v47;
	v52 =	vsel vm13, $0x1, v0  }
0x166: {  	v3 =	vsel vm15, v6, v3;
	v6 =	vsel vm15, $0x35, v6;
	vm4 =	vgt.f32 v42, v4  }
0x167: {  	vm5 =	vgt.f32 v42, v5;
	v4 =	vmax.f32 v4, v42;
	vm15 =	vgt.f32 v47, v49  }
0x168: {  	v11 =	vsel vm14, v11, v46;
	v3 =	vsel vm4, $0x36, v3;
	v4 =	vsel vm5, v5, v4  }
0x169: {  	v5 =	vmax.f32 v5, v42;
	vm3 =	vmand vm14, vm15;
	vm1 =	vgt.f32 v48, v11  }
0x16a: {  	v50 =	vld [tilespmem:s21+$0x180];
	vm4 =	vgt.f32 v48, v7;
	v11 =	vmax.f32 v11, v48;
	v3 =	vsel vm5, v6, v3  }
0x16b: {  	v6 =	vsel vm5, $0x36, v6;
	vm6 =	vgt.f32 v43, v4;
	vm7 =	vgt.f32 v43, v5  }
0x16c: {  	v4 =	vmax.f32 v4, v43;
	v51 =	vsel vm3, $0x1, v0;
	v53 =	vsel vm4, v7, v11  }
0x16d: {  	v7 =	vmax.f32 v7, v48;
	v56 =	vsel vm4, $0x2, v52;
	v3 =	vsel vm6, $0x37, v3  }
0x16e: {  	v4 =	vsel vm7, v5, v4;
	v5 =	vmax.f32 v5, v43;
	v13 =	vsel vm1, $0x2, v51  }
0x16f: {  	v14 =	vld [tilespmem:s21+$0x200];
	vm5 =	vgt.f32 v50, v53;
	vm6 =	vgt.f32 v50, v7;
	v57 =	vmax.f32 v53, v50  }
0x170: {  	v45 =	vld [tilespmem:s23+$0x0];
	v3 =	vsel vm7, v6, v3;
	vm8 =	vgt.f32 v44, v5;
	vm9 =	vgt.f32 v44, v4  }
0x171: {  	s23 =	rddreg [dreg:$0x1b];
	v4 =	vmax.f32 v4, v44;
	v6 =	vsel vm7, $0x37, v6;
	v54 =	vsel vm4, v52, v13  }
0x172: {  	s23 =	sor.u32 s12, s23;
	v9 =	vsel vm6, v7, v57;
	v7 =	vmax.f32 v7, v50;
	v8 =	vsel vm6, $0x3, v56  }
0x173: {  	v55 =	vld [tilespmem:s23+$0x0];
	v3 =	vsel vm9, $0x38, v3;
	v4 =	vsel vm8, v5, v4;
	v5 =	vmax.f32 v5, v44  }
0x174: {  	v60 =	vld [tilespmem:s21+$0x300];
	v58 =	vsel vm5, $0x3, v54;
	vm7 =	vgt.f32 v14, v9;
	v9 =	vmax.f32 v9, v14  }
0x175: {  	s23 =	rddreg [dreg:$0x8];
	v59 =	vld [tilespmem:s21+$0x280];
	v3 =	vsel vm8, v6, v3;
	v6 =	vsel vm8, $0x38, v6;
	vm10 =	vgt.f32 v45, v5  }
0x176: {  	v61 =	vld [tilespmem:s21+$0x380];
	s21 =	sor.u32 s20, s23;
	s23 =	rddreg [dreg:$0x9];
	vm11 =	vgt.f32 v45, v4;
	v4 =	vmax.f32 v4, v45;
	v10 =	vsel vm6, v56, v58  }
0x177: {  	v62 =	vld [tilespmem:s21+$0x0];
	s21 =	sor.u32 s20, s23;
	s23 =	rddreg [dreg:$0xb];
	vm8 =	vgt.f32 v14, v7;
	v3 =	vsel vm11, $0x39, v3;
	v4 =	vsel vm10, v5, v4  }
0x178: {  	v63 =	vld [tilespmem:s21+$0x0];
	s21 =	sor.u32 s20, s23;
	s23 =	rddreg [dreg:$0xc];
	v5 =	vmax.f32 v5, v45;
	v10 =	vsel vm7, $0x4, v10;
	v9 =	vsel vm8, v7, v9  }
0x179: {  	v16 =	vld [tilespmem:s21+$0x0];
	s21 =	sor.u32 s20, s23;
	s23 =	rddreg [dreg:$0xd];
	v7 =	vmax.f32 v7, v14;
	v3 =	vsel vm10, v6, v3;
	v6 =	vsel vm10, $0x39, v6  }
0x17a: {  	v17 =	vld [tilespmem:s21+$0x0];
	s21 =	sor.u32 s20, s23;
	s23 =	rddreg [dreg:$0x1c];
	vm0 =	vgt.f32 v55, v5;
	v10 =	vsel vm8, v8, v10;
	v8 =	vsel vm8, $0x4, v8  }
0x17b: {  	v18 =	vld [tilespmem:s21+$0x0];
	s21 =	sor.u32 s12, s23;
	vm9 =	vgt.f32 v59, v9;
	vm10 =	vgt.f32 v59, v7;
	v9 =	vmax.f32 v9, v59  }
0x17c: {  	v19 =	vld [tilespmem:s21+$0x0];
	vm11 =	vgt.f32 v55, v4;
	v4 =	vmax.f32 v4, v55;
	v10 =	vsel vm9, $0x5, v10  }
0x17d: {  	v9 =	vsel vm10, v7, v9;
	v7 =	vmax.f32 v7, v59;
	v3 =	vsel vm11, $0x3A, v3  }
0x17e: {  	v4 =	vsel vm0, v5, v4;
	v5 =	vmax.f32 v5, v55;
	v10 =	vsel vm10, v8, v10  }
0x17f: {  	v8 =	vsel vm10, $0x5, v8;
	vm12 =	vgt.f32 v60, v9;
	vm13 =	vgt.f32 v60, v7  }
0x180: {  	v9 =	vmax.f32 v9, v60;
	v3 =	vsel vm0, v6, v3;
	v6 =	vsel vm0, $0x3A, v6  }
0x181: {  	s23 =	rddreg [dreg:$0xe];
	vm0 =	vgt.f32 v19, v5;
	v10 =	vsel vm12, $0x6, v10;
	v9 =	vsel vm13, v7, v9  }
0x182: {  	s21 =	sor.u32 s20, s23;
	s23 =	rddreg [dreg:$0xf];
	v7 =	vmax.f32 v7, v60;
	v10 =	vsel vm13, v8, v10;
	v8 =	vsel vm13, $0x6, v8  }
0x183: {  	v20 =	vld [tilespmem:s21+$0x0];
	s21 =	sor.u32 s20, s23;
	s23 =	rddreg [dreg:$0xa];
	vm14 =	vgt.f32 v61, v9;
	vm15 =	vgt.f32 v61, v7;
	v9 =	vmax.f32 v9, v61  }
0x184: {  	[smem:$0x7E6] =	sst s30;
	v21 =	vld [tilespmem:s21+$0x0];
	s21 =	sor.u32 s20, s23;
	s23 =	sor.u32 s20, s30;
	v10 =	vsel vm14, $0x7, v10;
	v9 =	vsel vm15, v7, v9;
	v7 =	vmax.f32 v7, v61  }
0x185: {  	s30 =	sor.u32 s20, s31;
	v23 =	vld [tilespmem:s23+$0x0];
	s23 =	sor.u32 s20, s9;
	s9 =	rddreg [dreg:$0x1d];
	v10 =	vsel vm15, v8, v10;
	v8 =	vsel vm15, $0x7, v8;
	vm6 =	vgt.f32 v62, v9  }
0x186: {  	v24 =	vld [tilespmem:s30+$0x0];
	s30 =	sor.u32 s12, s9;
	vm7 =	vgt.f32 v62, v7;
	v9 =	vmax.f32 v9, v62;
	v10 =	vsel vm6, $0x8, v10  }
0x187: {  	v28 =	vld [tilespmem:s30+$0x0];
	v9 =	vsel vm7, v7, v9;
	v7 =	vmax.f32 v7, v62;
	vm6 =	vgt.f32 v19, v4  }
0x188: {  	v4 =	vmax.f32 v4, v19;
	v10 =	vsel vm7, v8, v10;
	v8 =	vsel vm7, $0x8, v8  }
0x189: {  	vm8 =	vgt.f32 v63, v9;
	vm9 =	vgt.f32 v63, v7;
	v9 =	vmax.f32 v9, v63  }
0x18a: {  	v3 =	vsel vm6, $0x3B, v3;
	v4 =	vsel vm0, v5, v4;
	v5 =	vmax.f32 v5, v19  }
0x18b: {  	v10 =	vsel vm8, $0x9, v10;
	v9 =	vsel vm9, v7, v9;
	v7 =	vmax.f32 v7, v63  }
0x18c: {  	v3 =	vsel vm0, v6, v3;
	v6 =	vsel vm0, $0x3B, v6;
	vm0 =	vgt.f32 v28, v5  }
0x18d: {  	v10 =	vsel vm9, v8, v10;
	v8 =	vsel vm9, $0x9, v8;
	vm10 =	vgt.f32 v16, v9  }
0x18e: {  	vm11 =	vgt.f32 v16, v7;
	v9 =	vmax.f32 v9, v16;
	v10 =	vsel vm10, $0xA, v10  }
0x18f: {  	v9 =	vsel vm11, v7, v9;
	v7 =	vmax.f32 v7, v16;
	v10 =	vsel vm11, v8, v10  }
0x190: {  	vm12 =	vgt.f32 v17, v9;
	vm13 =	vgt.f32 v17, v7;
	v9 =	vmax.f32 v9, v17  }
0x191: {  	v8 =	vsel vm11, $0xA, v8;
	v10 =	vsel vm12, $0xB, v10;
	v9 =	vsel vm13, v7, v9  }
0x192: {  	v7 =	vmax.f32 v7, v17;
	v10 =	vsel vm13, v8, v10;
	v8 =	vsel vm13, $0xB, v8  }
0x193: {  	vm14 =	vgt.f32 v18, v9;
	vm15 =	vgt.f32 v18, v7;
	v9 =	vmax.f32 v9, v18  }
0x194: {  	v10 =	vsel vm14, $0xC, v10;
	v9 =	vsel vm15, v7, v9;
	v7 =	vmax.f32 v7, v18  }
0x195: {  	v10 =	vsel vm15, v8, v10;
	v8 =	vsel vm15, $0xC, v8;
	vm4 =	vgt.f32 v20, v9  }
0x196: {  	v22 =	vld [tilespmem:s21+$0x0];
	vm5 =	vgt.f32 v20, v7;
	v9 =	vmax.f32 v9, v20;
	v10 =	vsel vm4, $0xD, v10  }
0x197: {  	v9 =	vsel vm5, v7, v9;
	v7 =	vmax.f32 v7, v20;
	v10 =	vsel vm5, v8, v10  }
0x198: {  	vm7 =	vgt.f32 v21, v9;
	vm8 =	vgt.f32 v21, v7;
	v9 =	vmax.f32 v9, v21  }
0x199: {  	v8 =	vsel vm5, $0xD, v8;
	v10 =	vsel vm7, $0xE, v10;
	v9 =	vsel vm8, v7, v9  }
0x19a: {  	s30 =	sld [smem:$0x7DF];
	v7 =	vmax.f32 v7, v21;
	v10 =	vsel vm8, v8, v10;
	v8 =	vsel vm8, $0xE, v8  }
0x19b: {  	[smem:$0x7E7] =	sst s31;
	s31 =	sor.u32 s20, s28;
	s28 =	sor.u32 s20, s10;
	vm9 =	vgt.f32 v22, v9;
	vm10 =	vgt.f32 v22, v7;
	v9 =	vmax.f32 v9, v22  }
0x19c: {  	v27 =	vld [tilespmem:s28+$0x0];
	s28 =	sor.u32 s20, s19;
	v10 =	vsel vm9, $0xF, v10;
	v9 =	vsel vm10, v7, v9;
	v7 =	vmax.f32 v7, v22  }
0x19d: {  	s10 =	sor.u32 s20, s30;
	v33 =	vld [tilespmem:s28+$0x0];
	s28 =	rddreg [dreg:$0x1e];
	v10 =	vsel vm10, v8, v10;
	v8 =	vsel vm10, $0xF, v8;
	vm11 =	vgt.f32 v23, v9  }
0x19e: {  	v30 =	vld [tilespmem:s10+$0x0];
	s10 =	sor.u32 s20, s17;
	s17 =	sor.u32 s12, s28;
	vm12 =	vgt.f32 v23, v7;
	v9 =	vmax.f32 v9, v23;
	v10 =	vsel vm11, $0x10, v10  }
0x19f: {  	v37 =	vld [tilespmem:s17+$0x0];
	v9 =	vsel vm12, v7, v9;
	v7 =	vmax.f32 v7, v23;
	vm11 =	vgt.f32 v28, v4  }
0x1a0: {  	v25 =	vld [tilespmem:s31+$0x0];
	v4 =	vmax.f32 v4, v28;
	v10 =	vsel vm12, v8, v10;
	v8 =	vsel vm12, $0x10, v8  }
0x1a1: {  	vm13 =	vgt.f32 v24, v9;
	vm14 =	vgt.f32 v24, v7;
	v9 =	vmax.f32 v9, v24  }
0x1a2: {  	v3 =	vsel vm11, $0x3C, v3;
	v4 =	vsel vm0, v5, v4;
	v5 =	vmax.f32 v5, v28  }
0x1a3: {  	v26 =	vld [tilespmem:s23+$0x0];
	v10 =	vsel vm13, $0x11, v10;
	v9 =	vsel vm14, v7, v9;
	v7 =	vmax.f32 v7, v24  }
0x1a4: {  	v3 =	vsel vm0, v6, v3;
	v6 =	vsel vm0, $0x3C, v6;
	vm0 =	vgt.f32 v37, v5  }
0x1a5: {  	v10 =	vsel vm14, v8, v10;
	v8 =	vsel vm14, $0x11, v8;
	vm15 =	vgt.f32 v25, v9  }
0x1a6: {  	vm4 =	vgt.f32 v25, v7;
	v9 =	vmax.f32 v9, v25;
	v10 =	vsel vm15, $0x12, v10  }
0x1a7: {  	s31 =	sor.u32 s20, s29;
	v9 =	vsel vm4, v7, v9;
	v7 =	vmax.f32 v7, v25;
	v10 =	vsel vm4, v8, v10  }
0x1a8: {  	v29 =	vld [tilespmem:s31+$0x0];
	vm5 =	vgt.f32 v26, v9;
	vm6 =	vgt.f32 v26, v7;
	v9 =	vmax.f32 v9, v26  }
0x1a9: {  	v8 =	vsel vm4, $0x12, v8;
	v10 =	vsel vm5, $0x13, v10;
	v9 =	vsel vm6, v7, v9  }
0x1aa: {  	s31 =	sld [smem:$0x7E0];
	v7 =	vmax.f32 v7, v26;
	v10 =	vsel vm6, v8, v10;
	v8 =	vsel vm6, $0x13, v8  }
0x1ab: {  	vm7 =	vgt.f32 v27, v9;
	vm8 =	vgt.f32 v27, v7;
	v9 =	vmax.f32 v9, v27  }
0x1ac: {  	v10 =	vsel vm7, $0x14, v10;
	v9 =	vsel vm8, v7, v9;
	v7 =	vmax.f32 v7, v27  }
0x1ad: {  	s23 =	sor.u32 s20, s31;
	v10 =	vsel vm8, v8, v10;
	v8 =	vsel vm8, $0x14, v8;
	vm9 =	vgt.f32 v29, v9  }
0x1ae: {  	v31 =	vld [tilespmem:s23+$0x0];
	vm10 =	vgt.f32 v29, v7;
	v9 =	vmax.f32 v9, v29;
	v10 =	vsel vm9, $0x15, v10  }
0x1af: {  	[smem:$0x7EC] =	sst s24;
	s24 =	sor.u32 s20, s24;
	v9 =	vsel vm10, v7, v9;
	v7 =	vmax.f32 v7, v29;
	v10 =	vsel vm10, v8, v10  }
0x1b0: {  	[smem:$0x7ED] =	sst s19;
	s19 =	sor.u32 s20, s22;
	s22 =	sor.u32 s20, s26;
	v32 =	vld [tilespmem:s24+$0x0];
	vm12 =	vgt.f32 v30, v9;
	vm13 =	vgt.f32 v30, v7;
	v9 =	vmax.f32 v9, v30  }
0x1b1: {  	v40 =	vld [tilespmem:s22+$0x0];
	s22 =	sld [smem:$0x7E2];
	v8 =	vsel vm10, $0x15, v8;
	v10 =	vsel vm12, $0x16, v10;
	v9 =	vsel vm13, v7, v9  }
0x1b2: {  	v7 =	vmax.f32 v7, v30;
	v10 =	vsel vm13, v8, v10;
	v8 =	vsel vm13, $0x16, v8  }
0x1b3: {  	vm14 =	vgt.f32 v31, v9;
	vm15 =	vgt.f32 v31, v7;
	v9 =	vmax.f32 v9, v31  }
0x1b4: {  	[smem:$0x7EB] =	sst s29;
	s24 =	sor.u32 s20, s22;
	v10 =	vsel vm14, $0x17, v10;
	v9 =	vsel vm15, v7, v9;
	v7 =	vmax.f32 v7, v31  }
0x1b5: {  	s29 =	sor.u32 s20, s18;
	v42 =	vld [tilespmem:s24+$0x0];
	s24 =	rddreg [dreg:$0x1f];
	v10 =	vsel vm15, v8, v10;
	v8 =	vsel vm15, $0x17, v8;
	vm6 =	vgt.f32 v32, v9  }
0x1b6: {  	v34 =	vld [tilespmem:s29+$0x0];
	s29 =	sor.u32 s20, s3;
	s3 =	sor.u32 s12, s24;
	vm7 =	vgt.f32 v32, v7;
	v9 =	vmax.f32 v9, v32;
	v10 =	vsel vm6, $0x18, v10  }
0x1b7: {  	v46 =	vld [tilespmem:s3+$0x0];
	v9 =	vsel vm7, v7, v9;
	v7 =	vmax.f32 v7, v32;
	vm6 =	vgt.f32 v37, v4  }
0x1b8: {  	v4 =	vmax.f32 v4, v37;
	v10 =	vsel vm7, v8, v10;
	v8 =	vsel vm7, $0x18, v8  }
0x1b9: {  	vm8 =	vgt.f32 v33, v9;
	vm9 =	vgt.f32 v33, v7;
	v9 =	vmax.f32 v9, v33  }
0x1ba: {  	v3 =	vsel vm6, $0x3D, v3;
	v4 =	vsel vm0, v5, v4;
	v5 =	vmax.f32 v5, v37  }
0x1bb: {  	v10 =	vsel vm8, $0x19, v10;
	v9 =	vsel vm9, v7, v9;
	v7 =	vmax.f32 v7, v33  }
0x1bc: {  	v35 =	vld [tilespmem:s10+$0x0];
	v3 =	vsel vm0, v6, v3;
	v6 =	vsel vm0, $0x3D, v6;
	vm0 =	vgt.f32 v46, v5  }
0x1bd: {  	s16 =	sor.u32 s20, s16;
	s17 =	sld [smem:$0x7E1];
	v13 =	vmax.f32 v5, v46;
	v10 =	vsel vm9, v8, v10;
	v8 =	vsel vm9, $0x19, v8  }
0x1be: {  	v36 =	vld [tilespmem:s16+$0x0];
	vm10 =	vgt.f32 v34, v9;
	vm11 =	vgt.f32 v34, v7;
	v9 =	vmax.f32 v9, v34  }
0x1bf: {  	v59 =	vsel vm0, $0x3E, v6;
	v10 =	vsel vm10, $0x1A, v10;
	v9 =	vsel vm11, v7, v9  }
0x1c0: {  	s18 =	sor.u32 s20, s17;
	v7 =	vmax.f32 v7, v34;
	v10 =	vsel vm11, v8, v10;
	v8 =	vsel vm11, $0x1A, v8  }
0x1c1: {  	v38 =	vld [tilespmem:s18+$0x0];
	vm12 =	vgt.f32 v35, v9;
	vm13 =	vgt.f32 v35, v7;
	v9 =	vmax.f32 v9, v35  }
0x1c2: {  	v10 =	vsel vm12, $0x1B, v10;
	v9 =	vsel vm13, v7, v9;
	v7 =	vmax.f32 v7, v35  }
0x1c3: {  	v10 =	vsel vm13, v8, v10;
	v8 =	vsel vm13, $0x1B, v8;
	vm14 =	vgt.f32 v36, v9  }
0x1c4: {  	v39 =	vld [tilespmem:s19+$0x0];
	vm15 =	vgt.f32 v36, v7;
	v9 =	vmax.f32 v9, v36;
	v10 =	vsel vm14, $0x1C, v10  }
0x1c5: {  	v9 =	vsel vm15, v7, v9;
	v7 =	vmax.f32 v7, v36;
	v10 =	vsel vm15, v8, v10  }
0x1c6: {  	vm4 =	vgt.f32 v38, v9;
	vm5 =	vgt.f32 v38, v7;
	v9 =	vmax.f32 v9, v38  }
0x1c7: {  	s18 =	sld [smem:$0x7E3];
	v8 =	vsel vm15, $0x1C, v8;
	v10 =	vsel vm4, $0x1D, v10;
	v9 =	vsel vm5, v7, v9  }
0x1c8: {  	s23 =	sor.u32 s20, s25;
	v7 =	vmax.f32 v7, v38;
	v10 =	vsel vm5, v8, v10;
	v8 =	vsel vm5, $0x1D, v8  }
0x1c9: {  	v41 =	vld [tilespmem:s23+$0x0];
	vm7 =	vgt.f32 v39, v9;
	vm8 =	vgt.f32 v39, v7;
	v9 =	vmax.f32 v9, v39  }
0x1ca: {  	[smem:$0x7F3] =	sst s25;
	s25 =	sor.u32 s20, s18;
	v10 =	vsel vm7, $0x1E, v10;
	v9 =	vsel vm8, v7, v9;
	v7 =	vmax.f32 v7, v39  }
0x1cb: {  	s19 =	sld [smem:$0x7E4];
	v43 =	vld [tilespmem:s25+$0x0];
	s25 =	sor.u32 s20, s13;
	v10 =	vsel vm8, v8, v10;
	v8 =	vsel vm8, $0x1E, v8;
	vm9 =	vgt.f32 v40, v9  }
0x1cc: {  	v52 =	vld [tilespmem:s25+$0x0];
	s25 =	sld [smem:$0x7E5];
	vm10 =	vgt.f32 v40, v7;
	v9 =	vmax.f32 v9, v40;
	v10 =	vsel vm9, $0x1F, v10  }
0x1cd: {  	v9 =	vsel vm10, v7, v9;
	v7 =	vmax.f32 v7, v40;
	v10 =	vsel vm10, v8, v10  }
0x1ce: {  	[smem:$0x7F2] =	sst s26;
	s26 =	sor.u32 s20, s19;
	vm11 =	vgt.f32 v41, v9;
	vm12 =	vgt.f32 v41, v7;
	v9 =	vmax.f32 v9, v41  }
0x1cf: {  	v44 =	vld [tilespmem:s26+$0x0];
	s26 =	sor.u32 s20, s1;
	s1 =	sor.u32 s12, s25;
	v8 =	vsel vm10, $0x1F, v8;
	v10 =	vsel vm11, $0x20, v10;
	v9 =	vsel vm12, v7, v9  }
0x1d0: {  	v57 =	vld [tilespmem:s1+$0x0];
	v7 =	vmax.f32 v7, v41;
	vm11 =	vgt.f32 v46, v4;
	v4 =	vmax.f32 v4, v46  }
0x1d1: {  	v10 =	vsel vm12, v8, v10;
	v8 =	vsel vm12, $0x20, v8;
	vm13 =	vgt.f32 v42, v9  }
0x1d2: {  	vm14 =	vgt.f32 v42, v7;
	v9 =	vmax.f32 v9, v42;
	v3 =	vsel vm11, $0x3E, v3  }
0x1d3: {  	v4 =	vsel vm0, v5, v4;
	v5 =	vcvt.s32.f32 v59;
	v10 =	vsel vm13, $0x21, v10  }
0x1d4: {  	v9 =	vsel vm14, v7, v9;
	v7 =	vmax.f32 v7, v42;
	v3 =	vsel vm0, v6, v3  }
0x1d5: {  	vm0 =	vgt.f32 v57, v13;
	v63 =	vmax.f32 v4, v57;
	v10 =	vsel vm14, v8, v10  }
0x1d6: {  	v8 =	vsel vm14, $0x21, v8;
	vm15 =	vgt.f32 v43, v9;
	vm4 =	vgt.f32 v43, v7  }
0x1d7: {  	v45 =	vld [tilespmem:s29+$0x0];
	v9 =	vmax.f32 v9, v43;
	v5 =	vsel vm0, $0x427C0000, v5;
	v10 =	vsel vm15, $0x22, v10  }
0x1d8: {  	s10 =	sor.u32 s20, s14;
	v9 =	vsel vm4, v7, v9;
	v7 =	vmax.f32 v7, v43;
	v10 =	vsel vm4, v8, v10  }
0x1d9: {  	v47 =	vld [tilespmem:s10+$0x0];
	vm5 =	vgt.f32 v44, v9;
	vm6 =	vgt.f32 v44, v7;
	v9 =	vmax.f32 v9, v44  }
0x1da: {  	v8 =	vsel vm4, $0x22, v8;
	v10 =	vsel vm5, $0x23, v10;
	v9 =	vsel vm6, v7, v9  }
0x1db: {  	s14 =	sor.u32 s20, s15;
	v7 =	vmax.f32 v7, v44;
	v10 =	vsel vm6, v8, v10;
	v8 =	vsel vm6, $0x23, v8  }
0x1dc: {  	v48 =	vld [tilespmem:s14+$0x0];
	vm7 =	vgt.f32 v45, v9;
	vm8 =	vgt.f32 v45, v7;
	v9 =	vmax.f32 v9, v45  }
0x1dd: {  	v10 =	vsel vm7, $0x24, v10;
	v9 =	vsel vm8, v7, v9;
	v7 =	vmax.f32 v7, v45  }
0x1de: {  	s15 =	sor.u32 s20, s6;
	v10 =	vsel vm8, v8, v10;
	v8 =	vsel vm8, $0x24, v8;
	vm9 =	vgt.f32 v47, v9  }
0x1df: {  	v49 =	vld [tilespmem:s15+$0x0];
	vm10 =	vgt.f32 v47, v7;
	v9 =	vmax.f32 v9, v47;
	v10 =	vsel vm9, $0x25, v10  }
0x1e0: {  	s16 =	sor.u32 s20, s7;
	v9 =	vsel vm10, v7, v9;
	v7 =	vmax.f32 v7, v47;
	v10 =	vsel vm10, v8, v10  }
0x1e1: {  	v50 =	vld [tilespmem:s16+$0x0];
	vm12 =	vgt.f32 v48, v9;
	vm13 =	vgt.f32 v48, v7;
	v9 =	vmax.f32 v9, v48  }
0x1e2: {  	v8 =	vsel vm10, $0x25, v8;
	v10 =	vsel vm12, $0x26, v10;
	v9 =	vsel vm13, v7, v9  }
0x1e3: {  	s23 =	sor.u32 s20, s8;
	v7 =	vmax.f32 v7, v48;
	v10 =	vsel vm13, v8, v10;
	v8 =	vsel vm13, $0x26, v8  }
0x1e4: {  	v51 =	vld [tilespmem:s23+$0x0];
	vm14 =	vgt.f32 v49, v9;
	vm15 =	vgt.f32 v49, v7;
	v9 =	vmax.f32 v9, v49  }
0x1e5: {  	v10 =	vsel vm14, $0x27, v10;
	v9 =	vsel vm15, v7, v9;
	v7 =	vmax.f32 v7, v49  }
0x1e6: {  	v10 =	vsel vm15, v8, v10;
	v8 =	vsel vm15, $0x27, v8;
	vm6 =	vgt.f32 v50, v9  }
0x1e7: {  	vm7 =	vgt.f32 v50, v7;
	v9 =	vmax.f32 v9, v50;
	v10 =	vsel vm6, $0x28, v10  }
0x1e8: {  	v9 =	vsel vm7, v7, v9;
	v7 =	vmax.f32 v7, v50;
	v10 =	vsel vm7, v8, v10  }
0x1e9: {  	v53 =	vld [tilespmem:s26+$0x0];
	vm8 =	vgt.f32 v51, v9;
	vm9 =	vgt.f32 v51, v7;
	v9 =	vmax.f32 v9, v51  }
0x1ea: {  	v8 =	vsel vm7, $0x28, v8;
	v10 =	vsel vm8, $0x29, v10;
	v9 =	vsel vm9, v7, v9  }
0x1eb: {  	v7 =	vmax.f32 v7, v51;
	v10 =	vsel vm9, v8, v10;
	v8 =	vsel vm9, $0x29, v8  }
0x1ec: {  	s29 =	sor.u32 s20, s2;
	vm10 =	vgt.f32 v52, v9;
	vm11 =	vgt.f32 v52, v7;
	v9 =	vmax.f32 v9, v52  }
0x1ed: {  	v54 =	vld [tilespmem:s29+$0x0];
	v10 =	vsel vm10, $0x2A, v10;
	v55 =	vsel vm11, v7, v9;
	v7 =	vmax.f32 v7, v52  }
0x1ee: {  	s16 =	rddreg [dreg:$0x12];
	v56 =	vsel vm11, v8, v10;
	v8 =	vsel vm11, $0x2A, v8;
	vm12 =	vgt.f32 v53, v55  }
0x1ef: {  	s2 =	sor.u32 s20, s16;
	vm13 =	vgt.f32 v53, v7;
	v15 =	vmax.f32 v55, v53;
	v9 =	vsel vm12, $0x2B, v56  }
0x1f0: {  	v58 =	vld [tilespmem:s2+$0x0];
	v60 =	vsel vm13, v7, v15;
	v7 =	vmax.f32 v7, v53;
	v15 =	vsel vm0, v13, v63  }
0x1f1: {  	v13 =	vmax.f32 v13, v57;
	v9 =	vsel vm13, v8, v9;
	v8 =	vsel vm13, $0x2B, v8  }
0x1f2: {  	s3 =	sor.u32 s20, s4;
	vm14 =	vgt.f32 v54, v60;
	vm15 =	vgt.f32 v54, v7;
	v6 =	vmax.f32 v60, v54  }
0x1f3: {  	v61 =	vld [tilespmem:s3+$0x0];
	v13 =	vsub.f32 v15, v13;
	v9 =	vsel vm14, $0x2C, v9;
	v6 =	vsel vm15, v7, v6  }
0x1f4: {  	s15 =	rddreg [dreg:$0x13];
	v7 =	vmax.f32 v7, v54;
	v9 =	vsel vm15, v8, v9;
	v8 =	vsel vm15, $0x2C, v8  }
0x1f5: {  	s4 =	sor.u32 s20, s15;
	vm4 =	vgt.f32 v58, v6;
	vm5 =	vgt.f32 v58, v7;
	v6 =	vmax.f32 v6, v58  }
0x1f6: {  	v62 =	vld [tilespmem:s4+$0x0];
	v13 =	vmul.f32 $1.442695020e+00, v13;
	v9 =	vsel vm4, $0x2D, v9;
	v6 =	vsel vm5, v7, v6  }
0x1f7: {  	v7 =	vmax.f32 v7, v58;
	v9 =	vsel vm5, v8, v9;
	v8 =	vsel vm5, $0x2D, v8  }
0x1f8: {  	s6 =	sor.u32 s20, s5;
	vm6 =	vgt.f32 v61, v6;
	vm7 =	vgt.f32 v61, v7;
	v6 =	vmax.f32 v6, v61  }
0x1f9: {  	v18 =	vld [tilespmem:s6+$0x0];
	(erf) = vpow2.f32 v13;
	v9 =	vsel vm6, $0x2E, v9;
	v6 =	vsel vm7, v7, v6  }
0x1fa: {  	s29 =	rddreg [dreg:$0x14];
	v7 =	vmax.f32 v7, v61;
	vm6 =	vgt.f32 v57, v4;
	v9 =	vsel vm7, v8, v9  }
0x1fb: {  	s7 =	sor.u32 s20, s29;
	v8 =	vsel vm7, $0x2E, v8;
	vm8 =	vgt.f32 v62, v6;
	vm9 =	vgt.f32 v62, v7  }
0x1fc: {  	v19 =	vld [tilespmem:s7+$0x0];
	v6 =	vmax.f32 v6, v62;
	v3 =	vsel vm6, $0x3F, v3;
	v9 =	vsel vm8, $0x2F, v9  }
0x1fd: {  	s14 =	rddreg [dreg:$0x15];
	v6 =	vsel vm9, v7, v6;
	v7 =	vmax.f32 v7, v62;
	v3 =	vsel vm0, v59, v3  }
0x1fe: {  	s8 =	sor.u32 s20, s14;
	v9 =	vsel vm9, v8, v9;
	v8 =	vsel vm9, $0x2F, v8;
	vm10 =	vgt.f32 v18, v6  }
0x1ff: {  	s13 =	rddreg [dreg:$0x16];
	v20 =	vld [tilespmem:s8+$0x0];
	vm11 =	vgt.f32 v18, v7;
	v6 =	vmax.f32 v6, v18;
	v9 =	vsel vm10, $0x30, v9  }
0x200: {  	s10 =	sor.u32 s20, s13;
	v6 =	vsel vm11, v7, v6;
	v7 =	vmax.f32 v7, v18;
	v9 =	vsel vm11, v8, v9  }
0x201: {  	v21 =	vld [tilespmem:s10+$0x0];
	vm12 =	vgt.f32 v19, v6;
	vm13 =	vgt.f32 v19, v7;
	v6 =	vmax.f32 v6, v19  }
0x202: {  	s10 =	rddreg [dreg:$0x17];
	v8 =	vsel vm11, $0x30, v8;
	v9 =	vsel vm12, $0x31, v9;
	v6 =	vsel vm13, v7, v6  }
0x203: {  	s23 =	sor.u32 s20, s10;
	v7 =	vmax.f32 v7, v19;
	v9 =	vsel vm13, v8, v9;
	v8 =	vsel vm13, $0x31, v8  }
0x204: {  	s21 =	sor.u32 $0x30, s11;
	v22 =	vld [tilespmem:s23+$0x0];
	vm14 =	vgt.f32 v20, v6;
	vm15 =	vgt.f32 v20, v7;
	v6 =	vmax.f32 v6, v20  }
0x205: {  	s0 =	sor.u32 s21, s0;
	s8 =	rddreg [dreg:$0x18];
	v9 =	vsel vm14, $0x32, v9;
	v6 =	vsel vm15, v7, v6;
	v7 =	vmax.f32 v7, v20  }
0x206: {  	s1 =	sor.u32 s20, s8;
	v33 =	vld [tilespmem:s0+$0x0];
	v9 =	vsel vm15, v8, v9;
	v8 =	vsel vm15, $0x32, v8;
	vm4 =	vgt.f32 v21, v6  }
0x207: {  	v23 =	vld [tilespmem:s1+$0x0];
	vm5 =	vgt.f32 v21, v7;
	v6 =	vmax.f32 v6, v21;
	v9 =	vsel vm4, $0x33, v9  }
0x208: {  	v34 =	vld [tilespmem:s0+$0x80];
	v24 =	vsel vm5, v7, v6;
	v7 =	vmax.f32 v7, v21;
	v25 =	vsel vm5, v8, v9  }
0x209: {  	s7 =	rddreg [dreg:$0x19];
	vm7 =	vgt.f32 v22, v24;
	vm8 =	vgt.f32 v22, v7;
	v4 =	vmax.f32 v24, v22  }
0x20a: {  	s2 =	sor.u32 s20, s7;
	v8 =	vsel vm5, $0x33, v8;
	v6 =	vsel vm7, $0x34, v25;
	v4 =	vsel vm8, v7, v4  }
0x20b: {  	v26 =	vld [tilespmem:s2+$0x0];
	v7 =	vmax.f32 v7, v22;
	vm7 =	vgt.f32 v33, $-Inf;
	v6 =	vsel vm8, v8, v6  }
0x20c: {  	s6 =	rddreg [dreg:$0x1a];
	v8 =	vsel vm8, $0x34, v8;
	vm9 =	vgt.f32 v23, v4;
	vm10 =	vgt.f32 v23, v7  }
0x20d: {  	s3 =	sor.u32 s20, s6;
	v4 =	vmax.f32 v4, v23;
	v36 =	vsel vm7, $0xFF800000, v33;
	vm8 =	vgt.f32 v34, v33  }
0x20e: {  	v27 =	vld [tilespmem:s3+$0x0];
	v6 =	vsel vm9, $0x35, v6;
	v28 =	vsel vm10, v7, v4;
	v7 =	vmax.f32 v7, v23  }
0x20f: {  	v35 =	vld [tilespmem:s0+$0x100];
	v11 =	vmax.f32 v36, v34;
	v38 =	vsel vm8, $0x1, v0;
	v6 =	vsel vm10, v8, v6  }
0x210: {  	s26 =	smov.u32 s5;
	s5 =	rddreg [dreg:$0x11];
	v8 =	vsel vm10, $0x35, v8;
	vm11 =	vgt.f32 v26, v28;
	vm12 =	vgt.f32 v26, v7  }
0x211: {  	s4 =	sor.u32 s20, s5;
	v12 =	vmax.f32 v28, v26;
	vm10 =	vmneg vm8;
	v6 =	vsel vm11, $0x36, v6  }
0x212: {  	v29 =	vld [tilespmem:s4+$0x0];
	v12 =	vsel vm12, v7, v12;
	v7 =	vmax.f32 v7, v26;
	v11 =	vsel vm10, v11, v33  }
0x213: {  	v4 =	vpop (erf);
	v6 =	vsel vm12, v8, v6;
	v8 =	vsel vm12, $0x36, v8;
	vm13 =	vgt.f32 v27, v12  }
0x214: {  	s4 =	rddreg [dreg:$0x10];
	v13 =	vpop (erf);
	vm14 =	vgt.f32 v27, v7;
	v12 =	vmax.f32 v12, v27;
	vm11 =	vgt.f32 v35, v11  }
0x215: {  	s23 =	sor.u32 s20, s4;
	v11 =	vmax.f32 v11, v35;
	v13 =	vadd.f32 $1.000000000e+00, v13;
	v6 =	vsel vm13, $0x37, v6  }
0x216: {  	v30 =	vld [tilespmem:s23+$0x0];
	v12 =	vsel vm14, v7, v12;
	v7 =	vmax.f32 v7, v27;
	v6 =	vsel vm14, v8, v6  }
0x217: {  	v8 =	vsel vm14, $0x37, v8;
	vm15 =	vgt.f32 v29, v12;
	vm4 =	vgt.f32 v29, v7  }
0x218: {  	v37 =	vld [tilespmem:s0+$0x180];
	v32 =	vmax.f32 v12, v29;
	v12 =	vmax.f32 v33, v34;
	(erf) = vrcp.f32 v13  }
0x219: {  	s3 =	rddreg [dreg:$0x1b];
	v6 =	vsel vm15, $0x38, v6;
	v10 =	vsel vm4, v7, v32;
	v7 =	vmax.f32 v7, v29  }
0x21a: {  	s1 =	sor.u32 s20, s3;
	vm12 =	vgt.f32 v35, v12;
	v9 =	vmax.f32 v12, v35;
	v6 =	vsel vm4, v8, v6  }
0x21b: {  	v31 =	vld [tilespmem:s1+$0x0];
	v8 =	vsel vm4, $0x38, v8;
	vm5 =	vgt.f32 v30, v10;
	vm6 =	vgt.f32 v30, v7  }
0x21c: {  	v17 =	vld [tilespmem:s0+$0x200];
	v10 =	vmax.f32 v10, v30;
	vm4 =	vgt.f32 v34, v36;
	v11 =	vsel vm12, v12, v11  }
0x21d: {  	s1 =	rddreg [dreg:$0x1c];
	v41 =	vld [tilespmem:s0+$0x280];
	v39 =	vsel vm12, $0x2, v38;
	vm14 =	vgt.f32 v37, v9;
	v6 =	vsel vm5, $0x39, v6  }
0x21e: {  	s2 =	sor.u32 s20, s1;
	v42 =	vld [tilespmem:s0+$0x300];
	v10 =	vsel vm6, v7, v10;
	v7 =	vmax.f32 v7, v30;
	vm4 =	vmand vm10, vm4  }
0x21f: {  	v44 =	vld [tilespmem:s2+$0x0];
	s2 =	rddreg [dreg:$0x8];
	vm13 =	vgt.f32 v37, v11;
	v11 =	vmax.f32 v11, v37;
	v12 =	vsel vm14, $0x3, v39  }
0x220: {  	s23 =	rddreg [dreg:$0x9];
	v45 =	vld [tilespmem:s0+$0x380];
	s0 =	sor.u32 s21, s2;
	v6 =	vsel vm6, v8, v6;
	v8 =	vsel vm6, $0x39, v8;
	vm0 =	vgt.f32 v31, v7  }
0x221: {  	s2 =	rddreg [dreg:$0xb];
	v46 =	vld [tilespmem:s0+$0x0];
	s0 =	sor.u32 s21, s23;
	vm9 =	vgt.f32 v31, v10;
	v10 =	vmax.f32 v10, v31;
	v16 =	vsel vm4, $0x1, v0  }
0x222: {  	s23 =	rddreg [dreg:$0xc];
	v47 =	vld [tilespmem:s0+$0x0];
	s0 =	sor.u32 s21, s2;
	v11 =	vsel vm14, v9, v11;
	v9 =	vmax.f32 v9, v37;
	v6 =	vsel vm9, $0x3A, v6  }
0x223: {  	s2 =	rddreg [dreg:$0xd];
	v48 =	vld [tilespmem:s0+$0x0];
	s0 =	sor.u32 s21, s23;
	v16 =	vsel vm11, $0x2, v16;
	v10 =	vsel vm0, v7, v10;
	vm15 =	vgt.f32 v17, v11  }
0x224: {  	s23 =	rddreg [dreg:$0xe];
	v49 =	vld [tilespmem:s0+$0x0];
	s0 =	sor.u32 s21, s2;
	vm4 =	vgt.f32 v17, v9;
	v11 =	vmax.f32 v11, v17;
	v7 =	vmax.f32 v7, v31  }
0x225: {  	v50 =	vld [tilespmem:s0+$0x0];
	s0 =	sor.u32 s21, s23;
	s23 =	sor.u32 s20, s9;
	v16 =	vsel vm12, v38, v16;
	v6 =	vsel vm0, v8, v6;
	v11 =	vsel vm4, v9, v11  }
0x226: {  	v53 =	vld [tilespmem:s23+$0x0];
	v9 =	vmax.f32 v9, v17;
	v8 =	vsel vm0, $0x3A, v8;
	vm0 =	vgt.f32 v44, v7  }
0x227: {  	vm11 =	vgt.f32 v44, v10;
	v10 =	vmax.f32 v10, v44;
	v40 =	vsel vm13, $0x3, v16  }
0x228: {  	vm5 =	vgt.f32 v41, v11;
	vm6 =	vgt.f32 v41, v9;
	v11 =	vmax.f32 v11, v41  }
0x229: {  	v6 =	vsel vm11, $0x3B, v6;
	v10 =	vsel vm0, v7, v10;
	v7 =	vmax.f32 v7, v44  }
0x22a: {  	v14 =	vsel vm14, v39, v40;
	v11 =	vsel vm6, v9, v11;
	v9 =	vmax.f32 v9, v41  }
0x22b: {  	v6 =	vsel vm0, v8, v6;
	v8 =	vsel vm0, $0x3B, v8;
	vm0 =	vgt.f32 v53, v7  }
0x22c: {  	v14 =	vsel vm15, $0x4, v14;
	vm7 =	vgt.f32 v42, v11;
	vm8 =	vgt.f32 v42, v9  }
0x22d: {  	v11 =	vmax.f32 v11, v42;
	v43 =	vsel vm4, v12, v14;
	v12 =	vsel vm4, $0x4, v12  }
0x22e: {  	v11 =	vsel vm8, v9, v11;
	v9 =	vmax.f32 v9, v42;
	v14 =	vmax.f32 v7, v53  }
0x22f: {  	v13 =	vsel vm5, $0x5, v43;
	vm9 =	vgt.f32 v45, v11;
	vm10 =	vgt.f32 v45, v9  }
0x230: {  	v11 =	vmax.f32 v11, v45;
	v13 =	vsel vm6, v12, v13;
	v12 =	vsel vm6, $0x5, v12  }
0x231: {  	v11 =	vsel vm10, v9, v11;
	v9 =	vmax.f32 v9, v45;
	v13 =	vsel vm7, $0x6, v13  }
0x232: {  	vm12 =	vgt.f32 v46, v11;
	vm13 =	vgt.f32 v46, v9;
	v11 =	vmax.f32 v11, v46  }
0x233: {  	v13 =	vsel vm8, v12, v13;
	v12 =	vsel vm8, $0x6, v12;
	v11 =	vsel vm13, v9, v11  }
0x234: {  	v9 =	vmax.f32 v9, v46;
	v13 =	vsel vm9, $0x7, v13;
	vm14 =	vgt.f32 v47, v11  }
0x235: {  	vm15 =	vgt.f32 v47, v9;
	v11 =	vmax.f32 v11, v47;
	v13 =	vsel vm10, v12, v13  }
0x236: {  	v12 =	vsel vm10, $0x7, v12;
	v11 =	vsel vm15, v9, v11;
	v9 =	vmax.f32 v9, v47  }
0x237: {  	v13 =	vsel vm12, $0x8, v13;
	vm6 =	vgt.f32 v48, v11;
	vm7 =	vgt.f32 v48, v9  }
0x238: {  	v11 =	vmax.f32 v11, v48;
	v13 =	vsel vm13, v12, v13;
	v12 =	vsel vm13, $0x8, v12  }
0x239: {  	v11 =	vsel vm7, v9, v11;
	v9 =	vmax.f32 v9, v48;
	v13 =	vsel vm14, $0x9, v13  }
0x23a: {  	vm8 =	vgt.f32 v49, v11;
	vm9 =	vgt.f32 v49, v9;
	v11 =	vmax.f32 v11, v49  }
0x23b: {  	v51 =	vld [tilespmem:s0+$0x0];
	v13 =	vsel vm15, v12, v13;
	v12 =	vsel vm15, $0x9, v12;
	v11 =	vsel vm9, v9, v11  }
0x23c: {  	s2 =	rddreg [dreg:$0xf];
	v9 =	vmax.f32 v9, v49;
	v13 =	vsel vm6, $0xA, v13;
	vm10 =	vgt.f32 v50, v11  }
0x23d: {  	s0 =	sor.u32 s21, s2;
	vm11 =	vgt.f32 v50, v9;
	v11 =	vmax.f32 v11, v50;
	vm6 =	vgt.f32 v53, v10  }
0x23e: {  	v52 =	vld [tilespmem:s0+$0x0];
	v10 =	vmax.f32 v10, v53;
	v13 =	vsel vm7, v12, v13;
	v12 =	vsel vm7, $0xA, v12  }
0x23f: {  	s2 =	rddreg [dreg:$0xa];
	v11 =	vsel vm11, v9, v11;
	v9 =	vmax.f32 v9, v50;
	v6 =	vsel vm6, $0x3C, v6  }
0x240: {  	s0 =	sor.u32 s21, s2;
	s23 =	sld [smem:$0x7E6];
	v10 =	vsel vm0, v7, v10;
	v13 =	vsel vm8, $0xB, v13;
	vm12 =	vgt.f32 v51, v11  }
0x241: {  	v54 =	vld [tilespmem:s0+$0x0];
	vm13 =	vgt.f32 v51, v9;
	v11 =	vmax.f32 v11, v51;
	v18 =	vsel vm0, v8, v6  }
0x242: {  	s2 =	sld [smem:$0x7E7];
	v13 =	vsel vm9, v12, v13;
	v12 =	vsel vm9, $0xB, v12;
	v11 =	vsel vm13, v9, v11  }
0x243: {  	s0 =	sor.u32 s21, s23;
	v9 =	vmax.f32 v9, v51;
	v13 =	vsel vm10, $0xC, v13;
	vm14 =	vgt.f32 v52, v11  }
0x244: {  	v55 =	vld [tilespmem:s0+$0x0];
	vm15 =	vgt.f32 v52, v9;
	v11 =	vmax.f32 v11, v52;
	v13 =	vsel vm11, v12, v13  }
0x245: {  	s23 =	sld [smem:$0x7E8];
	s0 =	sor.u32 s21, s2;
	v12 =	vsel vm11, $0xC, v12;
	v11 =	vsel vm15, v9, v11;
	v9 =	vmax.f32 v9, v52  }
0x246: {  	v56 =	vld [tilespmem:s0+$0x0];
	v13 =	vsel vm12, $0xD, v13;
	vm4 =	vgt.f32 v54, v11;
	vm5 =	vgt.f32 v54, v9  }
0x247: {  	s2 =	sld [smem:$0x7E9];
	v11 =	vmax.f32 v11, v54;
	v13 =	vsel vm13, v12, v13;
	v12 =	vsel vm13, $0xD, v12  }
0x248: {  	s0 =	sor.u32 s21, s23;
	s23 =	sld [smem:$0x7EA];
	v11 =	vsel vm5, v9, v11;
	v9 =	vmax.f32 v9, v54;
	v13 =	vsel vm14, $0xE, v13  }
0x249: {  	v57 =	vld [tilespmem:s0+$0x0];
	vm7 =	vgt.f32 v55, v11;
	vm8 =	vgt.f32 v55, v9;
	v11 =	vmax.f32 v11, v55  }
0x24a: {  	s0 =	sor.u32 s21, s2;
	v13 =	vsel vm15, v12, v13;
	v12 =	vsel vm15, $0xE, v12;
	v11 =	vsel vm8, v9, v11  }
0x24b: {  	v58 =	vld [tilespmem:s0+$0x0];
	s0 =	sor.u32 s21, s23;
	s23 =	sld [smem:$0x7EB];
	v9 =	vmax.f32 v9, v55;
	v13 =	vsel vm4, $0xF, v13;
	vm9 =	vgt.f32 v56, v11  }
0x24c: {  	vm10 =	vgt.f32 v56, v9;
	v11 =	vmax.f32 v11, v56;
	v13 =	vsel vm5, v12, v13  }
0x24d: {  	v12 =	vsel vm5, $0xF, v12;
	v11 =	vsel vm10, v9, v11;
	v9 =	vmax.f32 v9, v56  }
0x24e: {  	v59 =	vld [tilespmem:s0+$0x0];
	s0 =	sor.u32 s21, s23;
	s23 =	sor.u32 s21, s30;
	s30 =	sor.u32 s20, s28;
	v13 =	vsel vm7, $0x10, v13;
	vm11 =	vgt.f32 v57, v11;
	vm12 =	vgt.f32 v57, v9  }
0x24f: {  	v21 =	vld [tilespmem:s30+$0x0];
	v11 =	vmax.f32 v11, v57;
	v13 =	vsel vm8, v12, v13;
	v12 =	vsel vm8, $0x10, v12  }
0x250: {  	v11 =	vsel vm12, v9, v11;
	v9 =	vmax.f32 v9, v57;
	v13 =	vsel vm9, $0x11, v13  }
0x251: {  	vm13 =	vgt.f32 v58, v11;
	vm14 =	vgt.f32 v58, v9;
	v11 =	vmax.f32 v11, v58  }
0x252: {  	v60 =	vld [tilespmem:s0+$0x0];
	v13 =	vsel vm10, v12, v13;
	v12 =	vsel vm10, $0x11, v12;
	v61 =	vsel vm14, v9, v11  }
0x253: {  	v9 =	vmax.f32 v9, v58;
	v13 =	vsel vm11, $0x12, v13;
	vm15 =	vgt.f32 v59, v61  }
0x254: {  	vm4 =	vgt.f32 v59, v9;
	v6 =	vmax.f32 v61, v59;
	vm11 =	vgt.f32 v21, v10  }
0x255: {  	v63 =	vld [tilespmem:s23+$0x0];
	v10 =	vmax.f32 v10, v21;
	v13 =	vsel vm12, v12, v13;
	v12 =	vsel vm12, $0x12, v12  }
0x256: {  	s23 =	sld [smem:$0x7EC];
	v6 =	vsel vm4, v9, v6;
	v9 =	vmax.f32 v9, v59;
	v13 =	vsel vm13, $0x13, v13  }
0x257: {  	s31 =	sor.u32 s21, s31;
	vm5 =	vgt.f32 v60, v6;
	vm6 =	vgt.f32 v60, v9;
	v23 =	vmax.f32 v6, v60  }
0x258: {  	v22 =	vld [tilespmem:s31+$0x0];
	v6 =	vsel vm0, $0x3C, v8;
	vm0 =	vgt.f32 v21, v14;
	v62 =	vsel vm14, v12, v13  }
0x259: {  	s0 =	sor.u32 s21, s23;
	s30 =	sld [smem:$0x7ED];
	v12 =	vsel vm14, $0x13, v12;
	v24 =	vsel vm6, v9, v23;
	v9 =	vmax.f32 v9, v60  }
0x25a: {  	v25 =	vld [tilespmem:s0+$0x0];
	v11 =	vsel vm15, $0x14, v62;
	vm7 =	vgt.f32 v63, v24;
	vm8 =	vgt.f32 v63, v9  }
0x25b: {  	s31 =	sld [smem:$0x7EE];
	v8 =	vmax.f32 v24, v63;
	v20 =	vsel vm4, v12, v11;
	v12 =	vsel vm4, $0x14, v12  }
0x25c: {  	s0 =	sor.u32 s21, s30;
	v8 =	vsel vm8, v9, v8;
	v9 =	vmax.f32 v9, v63;
	v7 =	vsel vm5, $0x15, v20  }
0x25d: {  	v26 =	vld [tilespmem:s0+$0x0];
	vm9 =	vgt.f32 v22, v8;
	vm10 =	vgt.f32 v22, v9;
	v8 =	vmax.f32 v8, v22  }
0x25e: {  	s0 =	sor.u32 s21, s31;
	v7 =	vsel vm6, v12, v7;
	v12 =	vsel vm6, $0x15, v12;
	v8 =	vsel vm10, v9, v8  }
0x25f: {  	s23 =	sld [smem:$0x7EF];
	v27 =	vld [tilespmem:s0+$0x0];
	v9 =	vmax.f32 v9, v22;
	v7 =	vsel vm7, $0x16, v7;
	vm12 =	vgt.f32 v25, v8  }
0x260: {  	vm13 =	vgt.f32 v25, v9;
	v8 =	vmax.f32 v8, v25;
	v7 =	vsel vm8, v12, v7  }
0x261: {  	v12 =	vsel vm8, $0x16, v12;
	v8 =	vsel vm13, v9, v8;
	v9 =	vmax.f32 v9, v25  }
0x262: {  	s30 =	sld [smem:$0x7F0];
	s0 =	sor.u32 s21, s23;
	v7 =	vsel vm9, $0x17, v7;
	vm14 =	vgt.f32 v26, v8;
	vm15 =	vgt.f32 v26, v9  }
0x263: {  	v28 =	vld [tilespmem:s0+$0x0];
	v8 =	vmax.f32 v8, v26;
	v13 =	vmax.f32 v9, v26;
	v7 =	vsel vm10, v12, v7  }
0x264: {  	v12 =	vsel vm10, $0x17, v12;
	v8 =	vsel vm15, v9, v8;
	vm6 =	vgt.f32 v27, v13  }
0x265: {  	s0 =	sor.u32 s21, s30;
	v7 =	vsel vm12, $0x18, v7;
	vm5 =	vgt.f32 v27, v8;
	v31 =	vmax.f32 v8, v27  }
0x266: {  	s31 =	sor.u32 s20, s24;
	v30 =	vld [tilespmem:s0+$0x0];
	v8 =	vsel vm0, v14, v10;
	v14 =	vmax.f32 v14, v21;
	v7 =	vsel vm13, v12, v7  }
0x267: {  	v9 =	vld [tilespmem:s31+$0x0];
	v12 =	vsel vm13, $0x18, v12;
	v32 =	vsel vm6, v13, v31;
	v13 =	vmax.f32 v13, v27  }
0x268: {  	s17 =	sor.u32 s21, s17;
	s23 =	sld [smem:$0x7F1];
	v29 =	vsel vm14, $0x19, v7;
	v7 =	vsel vm11, $0x3D, v18;
	vm7 =	vgt.f32 v28, v32  }
0x269: {  	v33 =	vld [tilespmem:s17+$0x0];
	vm8 =	vgt.f32 v28, v13;
	v10 =	vmax.f32 v32, v28;
	v17 =	vsel vm15, v12, v29  }
0x26a: {  	v12 =	vsel vm15, $0x19, v12;
	v10 =	vsel vm8, v13, v10;
	v13 =	vmax.f32 v13, v28  }
0x26b: {  	s30 =	sld [smem:$0x7F2];
	s0 =	sor.u32 s21, s23;
	v17 =	vsel vm5, $0x1A, v17;
	vm9 =	vgt.f32 v30, v10;
	vm10 =	vgt.f32 v30, v13  }
0x26c: {  	v35 =	vld [tilespmem:s0+$0x0];
	v10 =	vmax.f32 v10, v30;
	vm1 =	vgt.f32 v9, v14;
	v37 =	vmax.f32 v8, v9  }
0x26d: {  	v17 =	vsel vm6, v12, v17;
	v12 =	vsel vm6, $0x1A, v12;
	v10 =	vsel vm10, v13, v10  }
0x26e: {  	s0 =	sor.u32 s21, s30;
	s31 =	sld [smem:$0x7F3];
	v13 =	vmax.f32 v13, v30;
	v17 =	vsel vm7, $0x1B, v17;
	vm11 =	vgt.f32 v33, v10  }
0x26f: {  	v36 =	vld [tilespmem:s0+$0x0];
	vm12 =	vgt.f32 v33, v13;
	v10 =	vmax.f32 v10, v33;
	v34 =	vsel vm8, v12, v17  }
0x270: {  	v12 =	vsel vm8, $0x1B, v12;
	v10 =	vsel vm12, v13, v10;
	v13 =	vmax.f32 v13, v33  }
0x271: {  	s0 =	sor.u32 s21, s31;
	v11 =	vsel vm9, $0x1C, v34;
	vm13 =	vgt.f32 v35, v10;
	vm14 =	vgt.f32 v35, v13  }
0x272: {  	v38 =	vld [tilespmem:s0+$0x0];
	v19 =	vmax.f32 v10, v35;
	v10 =	vsel vm1, v14, v37;
	v14 =	vmax.f32 v14, v9  }
0x273: {  	v11 =	vsel vm10, v12, v11;
	v12 =	vsel vm10, $0x1C, v12;
	v39 =	vsel vm14, v13, v19  }
0x274: {  	s23 =	sor.u32 s21, s22;
	v13 =	vmax.f32 v13, v35;
	v11 =	vsel vm11, $0x1D, v11;
	vm15 =	vgt.f32 v36, v39  }
0x275: {  	v41 =	vld [tilespmem:s23+$0x0];
	vm6 =	vgt.f32 v36, v13;
	v18 =	vmax.f32 v39, v36;
	v11 =	vsel vm12, v12, v11  }
0x276: {  	s30 =	sor.u32 s21, s18;
	v12 =	vsel vm12, $0x1D, v12;
	v18 =	vsel vm6, v13, v18;
	v13 =	vmax.f32 v13, v36  }
0x277: {  	v42 =	vld [tilespmem:s30+$0x0];
	v11 =	vsel vm13, $0x1E, v11;
	vm7 =	vgt.f32 v38, v18;
	vm8 =	vgt.f32 v38, v13  }
0x278: {  	v18 =	vmax.f32 v18, v38;
	v40 =	vsel vm14, v12, v11;
	v12 =	vsel vm14, $0x1E, v12  }
0x279: {  	s17 =	sor.u32 s20, s25;
	v18 =	vsel vm8, v13, v18;
	v13 =	vmax.f32 v13, v38;
	v19 =	vsel vm15, $0x1F, v40  }
0x27a: {  	s31 =	sor.u32 s21, s19;
	v11 =	vld [tilespmem:s17+$0x0];
	vm9 =	vgt.f32 v41, v18;
	vm10 =	vgt.f32 v41, v13;
	v18 =	vmax.f32 v18, v41  }
0x27b: {  	v43 =	vld [tilespmem:s31+$0x0];
	s17 =	sld [smem:$0x7F4];
	v19 =	vsel vm6, v12, v19;
	v12 =	vsel vm6, $0x1F, v12;
	v18 =	vsel vm10, v13, v18  }
0x27c: {  	v13 =	vmax.f32 v13, v41;
	v19 =	vsel vm7, $0x20, v19;
	vm11 =	vgt.f32 v42, v18  }
0x27d: {  	vm12 =	vgt.f32 v42, v13;
	v18 =	vmax.f32 v18, v42;
	v19 =	vsel vm8, v12, v19  }
0x27e: {  	s18 =	sld [smem:$0x7F5];
	s0 =	sor.u32 s21, s17;
	v12 =	vsel vm8, $0x20, v12;
	v18 =	vsel vm12, v13, v18;
	v13 =	vmax.f32 v13, v42  }
0x27f: {  	v44 =	vld [tilespmem:s0+$0x0];
	vm2 =	vgt.f32 v11, v14;
	v19 =	vsel vm9, $0x21, v19;
	v20 =	vmax.f32 v10, v11  }
0x280: {  	vm13 =	vgt.f32 v43, v18;
	vm14 =	vgt.f32 v43, v13;
	v18 =	vmax.f32 v18, v43  }
0x281: {  	s19 =	sld [smem:$0x7F6];
	s0 =	sor.u32 s21, s18;
	v19 =	vsel vm10, v12, v19;
	v12 =	vsel vm10, $0x21, v12;
	v20 =	vsel vm2, v14, v20  }
0x282: {  	v45 =	vld [tilespmem:s0+$0x0];
	v14 =	vmax.f32 v14, v11;
	v18 =	vsel vm14, v13, v18;
	v19 =	vsel vm11, $0x22, v19  }
0x283: {  	v13 =	vmax.f32 v13, v43;
	v14 =	vsub.f32 v20, v14;
	v19 =	vsel vm12, v12, v19  }
0x284: {  	s22 =	sld [smem:$0x7F7];
	s0 =	sor.u32 s21, s19;
	v12 =	vsel vm12, $0x22, v12;
	v19 =	vsel vm13, $0x23, v19;
	vm15 =	vgt.f32 v44, v18  }
0x285: {  	v46 =	vld [tilespmem:s0+$0x0];
	vm8 =	vgt.f32 v44, v13;
	v18 =	vmax.f32 v18, v44;
	v14 =	vmul.f32 $1.442695020e+00, v14  }
0x286: {  	v19 =	vsel vm14, v12, v19;
	v12 =	vsel vm14, $0x23, v12;
	v18 =	vsel vm8, v13, v18  }
0x287: {  	s23 =	sld [smem:$0x7F8];
	s0 =	sor.u32 s21, s22;
	v13 =	vmax.f32 v13, v44;
	v19 =	vsel vm15, $0x24, v19;
	vm9 =	vgt.f32 v45, v18  }
0x288: {  	v47 =	vld [tilespmem:s0+$0x0];
	vm10 =	vgt.f32 v45, v13;
	v18 =	vmax.f32 v18, v45;
	(erf) = vpow2.f32 v14  }
0x289: {  	s30 =	sld [smem:$0x7F9];
	v19 =	vsel vm8, v12, v19;
	v12 =	vsel vm8, $0x24, v12;
	v18 =	vsel vm10, v13, v18  }
0x28a: {  	s0 =	sor.u32 s21, s23;
	v13 =	vmax.f32 v13, v45;
	v19 =	vsel vm9, $0x25, v19;
	vm11 =	vgt.f32 v46, v18  }
0x28b: {  	v48 =	vld [tilespmem:s0+$0x0];
	vm12 =	vgt.f32 v46, v13;
	v18 =	vmax.f32 v18, v46;
	v19 =	vsel vm10, v12, v19  }
0x28c: {  	s31 =	sld [smem:$0x7FA];
	s0 =	sor.u32 s21, s30;
	v12 =	vsel vm10, $0x25, v12;
	v49 =	vsel vm12, v13, v18;
	v13 =	vmax.f32 v13, v46  }
0x28d: {  	v51 =	vld [tilespmem:s0+$0x0];
	v19 =	vsel vm11, $0x26, v19;
	vm13 =	vgt.f32 v47, v49;
	vm14 =	vgt.f32 v47, v13  }
0x28e: {  	s17 =	sld [smem:$0x7FB];
	v14 =	vmax.f32 v49, v47;
	v50 =	vsel vm12, v12, v19;
	v12 =	vsel vm12, $0x26, v12  }
0x28f: {  	s0 =	sor.u32 s21, s31;
	v14 =	vsel vm14, v13, v14;
	v13 =	vmax.f32 v13, v47;
	v18 =	vsel vm13, $0x27, v50  }
0x290: {  	s18 =	sld [smem:$0x7FC];
	v52 =	vld [tilespmem:s0+$0x0];
	vm15 =	vgt.f32 v48, v13;
	vm5 =	vgt.f32 v48, v14;
	v14 =	vmax.f32 v14, v48  }
0x291: {  	s0 =	sor.u32 s21, s17;
	v18 =	vsel vm14, v12, v18;
	v14 =	vsel vm15, v13, v14;
	v13 =	vmax.f32 v13, v48  }
0x292: {  	v53 =	vld [tilespmem:s0+$0x0];
	v12 =	vsel vm14, $0x27, v12;
	v18 =	vsel vm5, $0x28, v18;
	vm8 =	vgt.f32 v51, v13  }
0x293: {  	s0 =	sor.u32 s21, s18;
	vm9 =	vgt.f32 v51, v14;
	v14 =	vmax.f32 v14, v51;
	v18 =	vsel vm15, v12, v18  }
0x294: {  	s22 =	sld [smem:$0x7FD];
	v54 =	vld [tilespmem:s0+$0x0];
	v12 =	vsel vm15, $0x28, v12;
	v14 =	vsel vm8, v13, v14;
	v13 =	vmax.f32 v13, v51  }
0x295: {  	s19 =	sor.u32 s21, s16;
	v18 =	vsel vm9, $0x29, v18;
	vm10 =	vgt.f32 v52, v13;
	v56 =	vmax.f32 v14, v52  }
0x296: {  	v57 =	vld [tilespmem:s19+$0x0];
	v55 =	vsel vm8, v12, v18;
	v18 =	vsel vm10, v13, v56;
	v13 =	vmax.f32 v13, v52  }
0x297: {  	s0 =	sor.u32 s21, s22;
	vm11 =	vgt.f32 v52, v14;
	vm6 =	vgt.f32 v53, v13;
	v58 =	vmax.f32 v18, v53  }
0x298: {  	v59 =	vld [tilespmem:s0+$0x0];
	v12 =	vsel vm8, $0x29, v12;
	v14 =	vsel vm6, v13, v58;
	v13 =	vmax.f32 v13, v53  }
0x299: {  	s23 =	sor.u32 s21, s15;
	v16 =	vsel vm11, $0x2A, v55;
	vm12 =	vgt.f32 v54, v13;
	v21 =	vmax.f32 v14, v54  }
0x29a: {  	v22 =	vld [tilespmem:s23+$0x0];
	vm13 =	vgt.f32 v53, v18;
	v21 =	vsel vm12, v13, v21;
	v13 =	vmax.f32 v13, v54  }
0x29b: {  	s26 =	sor.u32 s21, s26;
	v16 =	vsel vm10, v12, v16;
	vm14 =	vgt.f32 v57, v13;
	v60 =	vmax.f32 v21, v57  }
0x29c: {  	v61 =	vld [tilespmem:s26+$0x0];
	v12 =	vsel vm10, $0x2A, v12;
	v18 =	vsel vm14, v13, v60;
	v13 =	vmax.f32 v13, v57  }
0x29d: {  	s29 =	sor.u32 s21, s29;
	v16 =	vsel vm13, $0x2B, v16;
	vm7 =	vgt.f32 v59, v13;
	v23 =	vmax.f32 v18, v59  }
0x29e: {  	v24 =	vld [tilespmem:s29+$0x0];
	vm15 =	vgt.f32 v54, v14;
	v23 =	vsel vm7, v13, v23;
	v13 =	vmax.f32 v13, v59  }
0x29f: {  	s30 =	sor.u32 s21, s14;
	v16 =	vsel vm6, v12, v16;
	vm10 =	vgt.f32 v22, v13;
	v62 =	vmax.f32 v23, v22  }
0x2a0: {  	v63 =	vld [tilespmem:s30+$0x0];
	v12 =	vsel vm6, $0x2B, v12;
	v14 =	vsel vm10, v13, v62;
	v13 =	vmax.f32 v13, v22  }
0x2a1: {  	s31 =	sor.u32 s21, s13;
	v16 =	vsel vm15, $0x2C, v16;
	vm9 =	vgt.f32 v61, v13;
	v25 =	vmax.f32 v14, v61  }
0x2a2: {  	v26 =	vld [tilespmem:s31+$0x0];
	v16 =	vsel vm12, v12, v16;
	v25 =	vsel vm9, v13, v25;
	v13 =	vmax.f32 v13, v61  }
0x2a3: {  	s10 =	sor.u32 s21, s10;
	v12 =	vsel vm12, $0x2C, v12;
	vm6 =	vgt.f32 v24, v13;
	v39 =	vmax.f32 v25, v24  }
0x2a4: {  	v40 =	vld [tilespmem:s10+$0x0];
	vm12 =	vgt.f32 v57, v21;
	v20 =	vsel vm6, v13, v39;
	v13 =	vmax.f32 v13, v24  }
0x2a5: {  	s13 =	sor.u32 s21, s8;
	v16 =	vsel vm12, $0x2D, v16;
	vm4 =	vgt.f32 v63, v13;
	v27 =	vmax.f32 v20, v63  }
0x2a6: {  	v28 =	vld [tilespmem:s13+$0x0];
	vm13 =	vgt.f32 v59, v18;
	v27 =	vsel vm4, v13, v27;
	v13 =	vmax.f32 v13, v63  }
0x2a7: {  	s14 =	sor.u32 s21, s7;
	v16 =	vsel vm14, v12, v16;
	vm3 =	vgt.f32 v26, v13;
	v41 =	vmax.f32 v27, v26  }
0x2a8: {  	v42 =	vld [tilespmem:s14+$0x0];
	v12 =	vsel vm14, $0x2D, v12;
	v15 =	vsel vm3, v13, v41;
	v13 =	vmax.f32 v13, v26  }
0x2a9: {  	s15 =	sor.u32 s21, s6;
	v16 =	vsel vm13, $0x2E, v16;
	vm5 =	vgt.f32 v40, v13;
	v29 =	vmax.f32 v15, v40  }
0x2aa: {  	v30 =	vld [tilespmem:s15+$0x0];
	v16 =	vsel vm7, v12, v16;
	v29 =	vsel vm5, v13, v29;
	v13 =	vmax.f32 v13, v40  }
0x2ab: {  	s16 =	sor.u32 s21, s5;
	v12 =	vsel vm7, $0x2E, v12;
	vm7 =	vgt.f32 v28, v13;
	v43 =	vmax.f32 v29, v28  }
0x2ac: {  	v44 =	vld [tilespmem:s16+$0x0];
	vm8 =	vgt.f32 v22, v23;
	v22 =	vsel vm7, v13, v43;
	v13 =	vmax.f32 v13, v28  }
0x2ad: {  	s17 =	sor.u32 s21, s4;
	v16 =	vsel vm8, $0x2F, v16;
	vm8 =	vgt.f32 v42, v13;
	v31 =	vmax.f32 v22, v42  }
0x2ae: {  	v32 =	vld [tilespmem:s17+$0x0];
	vm14 =	vgt.f32 v61, v14;
	v31 =	vsel vm8, v13, v31;
	v13 =	vmax.f32 v13, v42  }
0x2af: {  	s18 =	sor.u32 s21, s3;
	v16 =	vsel vm10, v12, v16;
	vm11 =	vgt.f32 v30, v13;
	v45 =	vmax.f32 v31, v30  }
0x2b0: {  	v46 =	vld [tilespmem:s18+$0x0];
	v12 =	vsel vm10, $0x2F, v12;
	v14 =	vsel vm11, v13, v45;
	v13 =	vmax.f32 v13, v30  }
0x2b1: {  	s19 =	sor.u32 s21, s1;
	v16 =	vsel vm14, $0x30, v16;
	vm12 =	vgt.f32 v44, v13;
	v33 =	vmax.f32 v14, v44  }
0x2b2: {  	v34 =	vld [tilespmem:s19+$0x0];
	v16 =	vsel vm9, v12, v16;
	v33 =	vsel vm12, v13, v33;
	v13 =	vmax.f32 v13, v44  }
0x2b3: {  	s22 =	sor.u32 s21, s9;
	v12 =	vsel vm9, $0x30, v12;
	vm13 =	vgt.f32 v32, v13;
	v47 =	vmax.f32 v33, v32  }
0x2b4: {  	v48 =	vld [tilespmem:s22+$0x0];
	vm9 =	vgt.f32 v24, v25;
	v24 =	vsel vm13, v13, v47;
	v13 =	vmax.f32 v13, v32  }
0x2b5: {  	s23 =	sor.u32 s21, s28;
	v16 =	vsel vm9, $0x31, v16;
	vm14 =	vgt.f32 v46, v13;
	v35 =	vmax.f32 v24, v46  }
0x2b6: {  	v36 =	vld [tilespmem:s23+$0x0];
	vm15 =	vgt.f32 v63, v20;
	v35 =	vsel vm14, v13, v35;
	v13 =	vmax.f32 v13, v46  }
0x2b7: {  	s24 =	sor.u32 s21, s24;
	v16 =	vsel vm6, v12, v16;
	vm9 =	vgt.f32 v34, v13;
	v49 =	vmax.f32 v35, v34  }
0x2b8: {  	v50 =	vld [tilespmem:s24+$0x0];
	v12 =	vsel vm6, $0x31, v12;
	v17 =	vsel vm9, v13, v49;
	v13 =	vmax.f32 v13, v34  }
0x2b9: {  	s25 =	sor.u32 s21, s25;
	v16 =	vsel vm15, $0x32, v16;
	vm10 =	vgt.f32 v48, v13;
	v37 =	vmax.f32 v17, v48  }
0x2ba: {  	v38 =	vld [tilespmem:s25+$0x0];
	vm15 =	vgt.f32 v26, v27;
	v37 =	vsel vm10, v13, v37;
	v13 =	vmax.f32 v13, v48  }
0x2bb: {  	v16 =	vsel vm4, v12, v16;
	vm6 =	vgt.f32 v36, v13;
	v51 =	vmax.f32 v37, v36  }
0x2bc: {  	v12 =	vsel vm4, $0x32, v12;
	v26 =	vsel vm6, v13, v51;
	v13 =	vmax.f32 v13, v36  }
0x2bd: {  	v16 =	vsel vm15, $0x33, v16;
	vm4 =	vgt.f32 v50, v13;
	v52 =	vmax.f32 v26, v50  }
0x2be: {  	v16 =	vsel vm3, v12, v16;
	v27 =	vsel vm4, v13, v52;
	v13 =	vmax.f32 v13, v50  }
0x2bf: {  	v12 =	vsel vm3, $0x33, v12;
	vm3 =	vgt.f32 v38, v13;
	v53 =	vmax.f32 v27, v38  }
0x2c0: {  	v54 =	vpop (erf);
	vm15 =	vgt.f32 v40, v15;
	v15 =	vsel vm3, v13, v53;
	v13 =	vmax.f32 v13, v38  }
0x2c1: {  	s2 =	rddreg [dreg:$0x7];
	v7 =	vsel vm0, v6, v7;
	v55 =	vpop (erf);
	v16 =	vsel vm15, $0x34, v16;
	v13 =	vsub.f32 v15, v13  }
0x2c2: {  	s26 =	sshll.u32 s2, $0x6;
	vm15 =	vgt.f32 v28, v29;
	v16 =	vsel vm5, v12, v16;
	v15 =	vadd.f32 $1.000000000e+00, v55  }
0x2c3: {  	s0 =	sand.u32 $0x3FFFFE00, s26;
	v12 =	vsel vm5, $0x34, v12;
	v16 =	vsel vm15, $0x35, v16;
	v13 =	vmul.f32 $1.442695020e+00, v13  }
0x2c4: {  	s0 =	sadd.s32 $0x8000, s0;
	vm15 =	vgt.f32 v42, v22;
	v16 =	vsel vm7, v12, v16;
	(erf) = vrcp.f32 v15  }
0x2c5: {  	s28 =	sor.u32 s11, s0;
	v12 =	vsel vm7, $0x35, v12;
	v56 =	vsel vm15, $0x36, v16;
	(erf) = vpow2.f32 v13  }
0x2c6: {  	[tilespmem:s28+$0x80] =	vst v1;
	v1 =	vsub.f32 $1.000000000e+00, v4;
	vm15 =	vgt.f32 v30, v31;
	v57 =	vsel vm8, v12, v56  }
0x2c7: {  	v6 =	vsel vm0, $0x3D, v6;
	v12 =	vsel vm8, $0x36, v12;
	v13 =	vsel vm15, $0x37, v57  }
0x2c8: {  	[tilespmem:s28+$0x180] =	vst v1;
	v1 =	vcvt.s32.f32 v3;
	vm8 =	vgt.f32 v44, v14;
	v13 =	vsel vm11, v12, v13  }
0x2c9: {  	v62 =	vsub.f32 $1.000000000e+00, v54;
	v12 =	vsel vm11, $0x37, v12;
	v13 =	vsel vm8, $0x38, v13  }
0x2ca: {  	vm5 =	vgt.f32 v32, v33;
	vm7 =	vgt.f32 v46, v24;
	v58 =	vsel vm12, v12, v13  }
0x2cb: {  	vm15 =	vgt.f32 v9, v8;
	v59 =	vsel vm12, $0x38, v12;
	v8 =	vsel vm5, $0x39, v58  }
0x2cc: {  	v7 =	vsel vm15, $0x3E, v7;
	vm11 =	vgt.f32 v11, v10;
	v8 =	vsel vm13, v59, v8  }
0x2cd: {  	v7 =	vsel vm1, v6, v7;
	v9 =	vsel vm13, $0x39, v59;
	v8 =	vsel vm7, $0x3A, v8;
	v60 =	vpop (erf)  }
0x2ce: {  	[tilespmem:s28+$0x0] =	vst v2;
	v6 =	vsel vm1, $0x3E, v6;
	vm8 =	vgt.f32 v34, v35;
	v8 =	vsel vm14, v9, v8;
	v2 =	vpop (erf)  }
0x2cf: {  	v9 =	vsel vm14, $0x3A, v9;
	v8 =	vsel vm8, $0x3B, v8;
	v2 =	vadd.f32 $1.000000000e+00, v2  }
0x2d0: {  	vm12 =	vgt.f32 v48, v17;
	v7 =	vsel vm11, $0x3F, v7;
	v8 =	vsel vm9, v9, v8  }
0x2d1: {  	s29 =	sor.u32 s12, s0;
	[tilespmem:s28+$0x100] =	vst v4;
	v9 =	vsel vm9, $0x3B, v9;
	v8 =	vsel vm12, $0x3C, v8;
	(erf) = vrcp.f32 v2  }
0x2d2: {  	[tilespmem:s29+$0x0] =	vst v5;
	v61 =	vcvt.s32.f32 v6;
	vm13 =	vgt.f32 v36, v37;
	v2 =	vsel vm10, v9, v8  }
0x2d3: {  	[tilespmem:s29+$0x80] =	vst v1;
	v1 =	vsel vm2, v6, v7;
	v3 =	vsel vm10, $0x3C, v9;
	v2 =	vsel vm13, $0x3D, v2  }
0x2d4: {  	[tilespmem:s29+$0x100] =	vst v54;
	v4 =	vsel vm2, $0x427C0000, v61;
	vm14 =	vgt.f32 v50, v26;
	v2 =	vsel vm6, v3, v2  }
0x2d5: {  	s30 =	sor.u32 s20, s0;
	[tilespmem:s29+$0x180] =	vst v62;
	v1 =	vcvt.s32.f32 v1;
	v3 =	vsel vm6, $0x3D, v3;
	v2 =	vsel vm14, $0x3E, v2  }
0x2d6: {  	vm15 =	vgt.f32 v38, v27;
	[tilespmem:s30+$0x0] =	vst v4;
	v2 =	vsel vm4, v3, v2;
	v3 =	vsel vm4, $0x3E, v3  }
0x2d7: {  	[tilespmem:s30+$0x80] =	vst v1;
	v1 =	vsub.f32 $1.000000000e+00, v60;
	v2 =	vsel vm15, $0x3F, v2;
	v63 =	vcvt.s32.f32 v3  }
0x2d8: {  	p0 =	slt.u32 s2, $0x1C;
	[tilespmem:s30+$0x100] =	vst v60;
	v2 =	vsel vm3, v3, v2  }
.Ltmp0:
0x2d9: {  	s0 =	sor.u32 s21, s0;
	[tilespmem:s30+$0x180] =	vst v1;
	v1 =	vsel vm3, $0x427C0000, v63;
	v2 =	vcvt.s32.f32 v2;
	(pc) =	sbr.rel @p0 .LBB2_2-.Ltmp0, $4  }
0x2da: {  	[tilespmem:s0+$0x0] =	vst v1;
	v3 =	vpop (erf)  }
0x2db: {  	[tilespmem:s0+$0x80] =	vst v2;
	v1 =	vsub.f32 $1.000000000e+00, v3  }
0x2dc: {  	s31 =	rddreg [dreg:$0x6];
	[tilespmem:s0+$0x100] =	vst v3  }
0x2dd: {  	s1 =	sadd.s32 $0x40, s31;
	[tilespmem:s0+$0x180] =	vst v1  }
0x2de: {  	s5 =	simm.s32 $0x0;
	s0 =	rddreg [dreg:$0x3];
	s1 =	simm.s32 $0x8000  }
0x2df: {  	[hbm4b:s0+s5] =	stream.linear.scatter [tilespmem:s1], [sflag:$0x1], $0x800, $0x38;
	[tilespmem:$0x8800] =	vst v63  }
0x2e0: {  	s1 =	simm.s32 $0x1  }
0x2e1: {  	_ =	swait.ge [sflag:s1], $0x800  }
0x2e2: {  	s2 =	rddreg [dreg:$0x5]  }
0x2e3: {  	s31 =	rddreg [dreg:$0x4];
	s2 =	sadd.s32 $0x1, s2  }
0x2e4: {  	p0 =	sne.s32 s2, s31  }
.Ltmp1:
0x2e5: {  	_ = 	snop;
	(pc) =	sbr.rel @p0 .LBB2_1-.Ltmp1, $3  }
0x2e6: {  	_ =	sdelay $0x1  }
0x2e7: {  	[sflag:s1] =	ssyncset.done $0x0  }
0x2e8: {  	[sflag:s1] =	ssyncadd.s32 $0xFFFFF800  }
0x2e9: {  	_ =	sfence.sel $0x180000  }
0x2ea: {  	[bflag:$0x0] =	sbarrier.arrive $0xFFFF  }
0x2eb: {  	_ =	strace $0x90000047  }
0x2ec: {  	s0 =	stileid.u32;
	[bflag:$0x2] =	sbarrier.arrive $0xFFFF  }
0x2ed: {  	p0 =	sne.s32 s0, $0x0;
	s0 =	rddreg [dreg:$0x1]  }
0x2ee: {  	s0 =	sadd.s32 @!p0 $0x100000, s0  }
0x2ef: {  	[sflag:s0] =	ssyncadd.tile.s32 @!p0 $0x1;
	_ =	shalt  }
.Lfunc_end2:
_tile_overlayer_lowered:
.L_overlay_start_2:
0x2f0: {  	(tag) =	ssettag $0x2  }
0x2f1: {  	s0 =	rddreg [dreg:$0x0];
	s2 =	stileid.u32  }
0x2f2: {  	s1 =	rddreg [dreg:$0x1];
	p0 =	sne.s32 s2, $0x0  }
0x2f3: {  	s3 =	rddreg [dreg:$0x2];
	[bflag:$0x3] =	sbarrier.arrive $0xFFFF;
	s2 =	simm.s32 @!p0 $0x1C01  }
0x2f4: {  	[timem:s3], [sflag:s2] =	dma.local @!p0 [hbm:s0], s1  }
0x2f5: {  	s0 =	simm.s32 @!p0 $0x1  }
0x2f6: {  	_ =	swait.ge @!p0 [sflag:s0], s1  }
0x2f7: {  	s1 =	ssub.s32 @!p0 $0x0, s1;
	[sflag:s0] =	ssyncset.done @!p0 $0x0  }
0x2f8: {  	[sflag:s0] =	ssyncadd.s32 @!p0 s1  }
0x2f9: {  	[bflag:$0x3] =	sbarrier.arrive $0xFFFF  }
0x2fa: {  	_ =	shalt  }

</sc_bundles>
